<compile_context>
chip_gen: v7x
topology: tpu7x:2x2x1
jax: 0.10.2.dev20260603
libtpu: 0.0.44.dev20260713+nightly
codegen_flags: <defaults>
</compile_context>

<pallas_src>
import functools

import jax
import jax.numpy as jnp
from jax import lax
from jax.experimental import pallas as pl
from jax.experimental.pallas import tpu as pltpu
from jax.experimental.pallas import tpu_sc as plsc

_V = 1_000_000
_B = 4096 * 200
_D = 64
_DP = 128
_NC = 2
_NS = 16
_NW = _NC * _NS
_L = 16


_RB = 128
_JPW = 246


def _transpose_body(wt_hbm, tail_hbm, tp_hbm, sbuf0, sbuf1, obuf0, obuf1,
                    tbuf, isem0, isem1, osem0, osem1):
    wid = lax.axis_index("s") * _NC + lax.axis_index("c")
    sbufs, obufs = (sbuf0, sbuf1), (obuf0, obuf1)
    isems, osems = (isem0, isem1), (osem0, osem1)

    _LAST = (_V // _RB - 1) * _RB

    def r0_of(j):
        return jnp.minimum((wid + _NW * j) * _RB, _LAST)

    def in_copy(j, s):
        return pltpu.make_async_copy(
            wt_hbm.at[:, pl.ds(r0_of(j), _RB)], sbufs[s], isems[s])

    def out_copy(j, s):
        return pltpu.make_async_copy(
            obufs[s], tp_hbm.at[pl.ds(r0_of(j), _RB)], osems[s])

    iota = lax.iota(jnp.int32, _L)
    perms = [(iota + d) & (_L - 1) for d in range(_L)]

    def transpose_block(s):
        sbuf, obuf = sbufs[s], obufs[s]

        def cbody(cb, carry):
            cbase = cb * _L
            colvs = [perms[d] + cbase for d in range(_L)]
            for rb in range(_D // _L):
                rowv = iota + _L * rb
                vs = [plsc.load_gather(sbuf, [rowv, colvs[d]])
                      for d in range(_L)]
                for d in range(_L):
                    plsc.store_scatter(obuf, [colvs[d], rowv], vs[d])
            return carry

        lax.fori_loop(0, _RB // _L, cbody, 0)

    in_copy(0, 0).start()

    def step(jj, carry):
        for p in range(2):
            j = jj * 2 + p
            s = p

            @pl.when(j + 1 < _JPW)
            def _():
                in_copy(j + 1, 1 - s).start()

            in_copy(j, s).wait()

            @pl.when(j >= 2)
            def _():
                out_copy(j - 2, s).wait()

            transpose_block(s)
            out_copy(j, s).start()
        return carry

    lax.fori_loop(0, _JPW // 2, step, 0)

    out_copy(_JPW - 2, 0).wait()
    out_copy(_JPW - 1, 1).wait()

    @pl.when(wid == 0)
    def _():
        pltpu.sync_copy(tail_hbm, tbuf)

        def tailrow(j, carry):
            for k in range(_D // _L):
                obuf0[j, pl.ds(_L * k, _L)] = tbuf[j, pl.ds(_L * k, _L)]
            return carry

        lax.fori_loop(0, _D, tailrow, 0)
        pltpu.sync_copy(obuf0.at[pl.ds(0, _D)], tp_hbm.at[pl.ds(_V - _D, _D)])


@functools.partial(jax.jit, donate_argnums=())
def _relayout(wt, tail):
    mesh = plsc.VectorSubcoreMesh(core_axis_name="c", subcore_axis_name="s")
    run = functools.partial(
        pl.kernel,
        mesh=mesh,
        out_type=jax.ShapeDtypeStruct((_V, _DP), jnp.float32),
        compiler_params=pltpu.CompilerParams(needs_layout_passes=False),
        scratch_types=[
            pltpu.VMEM((_D, _RB), jnp.float32),
            pltpu.VMEM((_D, _RB), jnp.float32),
            pltpu.VMEM((_RB, _DP), jnp.float32),
            pltpu.VMEM((_RB, _DP), jnp.float32),
            pltpu.VMEM((_D, _D), jnp.float32),
            pltpu.SemaphoreType.DMA,
            pltpu.SemaphoreType.DMA,
            pltpu.SemaphoreType.DMA,
            pltpu.SemaphoreType.DMA,
        ],
    )(_transpose_body)
    return run(wt, tail)



_T = 200
_NTB = _T // 8


def _gather_body(xt_hbm, table_hbm, outq_hbm, xbuf0, xbuf1, g0, g1, o0, o1,
                 xsem0, xsem1, gsem0, gsem1, wsem0, wsem1):
    wid = lax.axis_index("s") * _NC + lax.axis_index("c")
    col0 = wid * 128
    xbufs, xsems = (xbuf0, xbuf1), (xsem0, xsem1)
    gbufs, gsems = (g0, g1), (gsem0, gsem1)
    obufs, wsems = (o0, o1), (wsem0, wsem1)

    def xcopy(tb, s):
        return pltpu.make_async_copy(
            xt_hbm.at[pl.ds(tb * 8, 8), pl.ds(col0, 128)], xbufs[s], xsems[s])

    def gather(idx_ref, b):
        return pltpu.make_async_copy(table_hbm.at[idx_ref], gbufs[b], gsems[b])

    def write(t, b):
        return pltpu.make_async_copy(
            obufs[b], outq_hbm.at[t, :, pl.ds(col0, 128)], wsems[b])

    iota = lax.iota(jnp.int32, _L)
    perms = [(iota + d) & (_L - 1) for d in range(_L)]

    def transpose_unit(b):
        gbuf, obuf = gbufs[b], obufs[b]

        def cbody(cb, carry):
            rowv = iota + _L * cb
            for rb in range(_D // _L):
                colvs = [perms[d] + _L * rb for d in range(_L)]
                vs = [plsc.load_gather(gbuf, [rowv, colvs[d]])
                      for d in range(_L)]
                for d in range(_L):
                    plsc.store_scatter(obuf, [colvs[d], rowv], vs[d])
            return carry

        lax.fori_loop(0, 128 // _L, cbody, 0)

    def do_block(tb, xb):
        for u in range(8):
            t = tb * 8 + u
            b = u % 2

            if u == 0:
                @pl.when(tb + 1 < _NTB)
                def _():
                    xcopy(tb + 1, 1 - xb).start()
            if u == 7:
                @pl.when(tb + 1 < _NTB)
                def _():
                    xcopy(tb + 1, 1 - xb).wait()

            nidx = xbufs[xb].at[u + 1] if u < 7 else xbufs[1 - xb].at[0]

            @pl.when(t + 1 < _T)
            def _():
                gather(nidx, (u + 1) % 2).start()

            @pl.when(t < _T)
            def _():
                gather(xbufs[xb].at[u], b).wait()

                @pl.when(t >= 2)
                def _():
                    write(t - 2, b).wait()

                transpose_unit(b)
                write(t, b).start()

    xcopy(0, 0).start()
    xcopy(0, 0).wait()
    gather(xbufs[0].at[0], 0).start()

    def step(q, carry):
        do_block(2 * q, 0)
        do_block(2 * q + 1, 1)
        return carry

    lax.fori_loop(0, (_NTB + 2) // 2, step, 0)

    write(_T - 2, 0).wait()
    write(_T - 1, 1).wait()


@functools.partial(jax.jit, donate_argnums=())
def _embedding_gather(xt, emb_weight):
    mesh = plsc.VectorSubcoreMesh(core_axis_name="c", subcore_axis_name="s")
    table_pad = _relayout(emb_weight.T, emb_weight[_V - _D:, :])
    run = functools.partial(
        pl.kernel,
        mesh=mesh,
        out_type=jax.ShapeDtypeStruct((_T, _D, 4096), jnp.float32),
        compiler_params=pltpu.CompilerParams(needs_layout_passes=False),
        scratch_types=[
            pltpu.VMEM((8, 128), jnp.int32),
            pltpu.VMEM((8, 128), jnp.int32),
            pltpu.VMEM((128, 128), jnp.float32),
            pltpu.VMEM((128, 128), jnp.float32),
            pltpu.VMEM((_D, 128), jnp.float32),
            pltpu.VMEM((_D, 128), jnp.float32),
            pltpu.SemaphoreType.DMA,
            pltpu.SemaphoreType.DMA,
            pltpu.SemaphoreType.DMA,
            pltpu.SemaphoreType.DMA,
            pltpu.SemaphoreType.DMA,
            pltpu.SemaphoreType.DMA,
        ],
    )(_gather_body)
    return run(xt, table_pad)


def kernel(x, emb_weight):
    out_q = _embedding_gather(x.T.astype(jnp.int32), emb_weight)
    return jnp.transpose(out_q, (2, 0, 1))

# --- scband reference (transcript-rebuilt; emitter-appended) ---
"""Pipeline reference for scband-pretrained-embedding-16681652978162 (READ-ONLY COPY).

The authoritative reference and input builder live on the scoring server;
editing this copy changes nothing except your own understanding.
"""

import jax, jax.numpy as jnp
import numpy as np

VOCAB = 1000000
EMBED = 64

def setup_inputs(seed: int = 0) -> dict:
    key = jax.random.key(seed)
    k1, k2 = jax.random.split(key)
    x = jax.random.randint(k1, (4096, 200), 0, VOCAB, dtype=jnp.int64 if jax.config.jax_enable_x64 else jnp.int32)
    emb_weight = jax.random.normal(k2, (VOCAB, EMBED), dtype=jnp.float32)
    return {"x": x, "emb_weight": emb_weight}

def reference(x, emb_weight):
    # nn.Embedding forward: gather rows of the table by index
    return jnp.take(emb_weight, x, axis=0)

if __name__ == "__main__":
    import jax
    _d = setup_inputs()
    print(jax.jit(kernel)(*tuple(_d.values())))

</pallas_src>

<mosaic_0001>
#map = affine_map<(d0, d1) -> (0, 0)>
module attributes {stable_mosaic.version = 14 : i64} {
  func.func @_transpose_body(%arg0: i32, %arg1: i32, %arg2: memref<64x1000000xf32, #tpu.memory_space<hbm>>, %arg3: memref<64x64xf32, #tpu.memory_space<hbm>>, %arg4: memref<1000000x128xf32, #tpu.memory_space<hbm>>, %arg5: memref<64x128xf32, #tpu.memory_space<vmem>>, %arg6: memref<64x128xf32, #tpu.memory_space<vmem>>, %arg7: memref<128x128xf32, #tpu.memory_space<vmem>>, %arg8: memref<128x128xf32, #tpu.memory_space<vmem>>, %arg9: memref<64x64xf32, #tpu.memory_space<vmem>>, %arg10: memref<!tpu.dma_semaphore, #tpu.memory_space<semaphore_mem>>, %arg11: memref<!tpu.dma_semaphore, #tpu.memory_space<semaphore_mem>>, %arg12: memref<!tpu.dma_semaphore, #tpu.memory_space<semaphore_mem>>, %arg13: memref<!tpu.dma_semaphore, #tpu.memory_space<semaphore_mem>>) attributes {dimension_semantics = [#tpu.dimension_semantics<core_parallel>, #tpu.dimension_semantics<subcore_parallel>], iteration_bounds = array<i64: 2, 16>, scalar_prefetch = 0 : i64, scratch_operands = 9 : i64, tpu.core_type = #tpu.core_type<sc_vector_subcore>, window_params = [{transform_indices = #map}, {transform_indices = #map}, {transform_indices = #map}]} {
    %mul3A = arith.constant 2 : i32
    %mul3A_0 = arith.muli %arg1, %mul3A : i32
    %add3A = arith.addi %mul3A_0, %arg0 : i32
    %iota3A = tpu.iota {dimensions = array<i32: 0>} : vector<16xi32>
    %add3A_1 = arith.constant 0 : i32
    %add3A_2 = vector.broadcast %add3A_1 : i32 to vector<16xi32>
    %add3A_3 = arith.addi %iota3A, %add3A_2 : vector<16xi32>
    %and3A = arith.constant 15 : i32
    %and3A_4 = vector.broadcast %and3A : i32 to vector<16xi32>
    %and3A_5 = arith.andi %add3A_3, %and3A_4 : vector<16xi32>
    %add3A_6 = arith.constant 1 : i32
    %add3A_7 = vector.broadcast %add3A_6 : i32 to vector<16xi32>
    %add3A_8 = arith.addi %iota3A, %add3A_7 : vector<16xi32>
    %and3A_9 = arith.constant 15 : i32
    %and3A_10 = vector.broadcast %and3A_9 : i32 to vector<16xi32>
    %and3A_11 = arith.andi %add3A_8, %and3A_10 : vector<16xi32>
    %add3A_12 = arith.constant 2 : i32
    %add3A_13 = vector.broadcast %add3A_12 : i32 to vector<16xi32>
    %add3A_14 = arith.addi %iota3A, %add3A_13 : vector<16xi32>
    %and3A_15 = arith.constant 15 : i32
    %and3A_16 = vector.broadcast %and3A_15 : i32 to vector<16xi32>
    %and3A_17 = arith.andi %add3A_14, %and3A_16 : vector<16xi32>
    %add3A_18 = arith.constant 3 : i32
    %add3A_19 = vector.broadcast %add3A_18 : i32 to vector<16xi32>
    %add3A_20 = arith.addi %iota3A, %add3A_19 : vector<16xi32>
    %and3A_21 = arith.constant 15 : i32
    %and3A_22 = vector.broadcast %and3A_21 : i32 to vector<16xi32>
    %and3A_23 = arith.andi %add3A_20, %and3A_22 : vector<16xi32>
    %add3A_24 = arith.constant 4 : i32
    %add3A_25 = vector.broadcast %add3A_24 : i32 to vector<16xi32>
    %add3A_26 = arith.addi %iota3A, %add3A_25 : vector<16xi32>
    %and3A_27 = arith.constant 15 : i32
    %and3A_28 = vector.broadcast %and3A_27 : i32 to vector<16xi32>
    %and3A_29 = arith.andi %add3A_26, %and3A_28 : vector<16xi32>
    %add3A_30 = arith.constant 5 : i32
    %add3A_31 = vector.broadcast %add3A_30 : i32 to vector<16xi32>
    %add3A_32 = arith.addi %iota3A, %add3A_31 : vector<16xi32>
    %and3A_33 = arith.constant 15 : i32
    %and3A_34 = vector.broadcast %and3A_33 : i32 to vector<16xi32>
    %and3A_35 = arith.andi %add3A_32, %and3A_34 : vector<16xi32>
    %add3A_36 = arith.constant 6 : i32
    %add3A_37 = vector.broadcast %add3A_36 : i32 to vector<16xi32>
    %add3A_38 = arith.addi %iota3A, %add3A_37 : vector<16xi32>
    %and3A_39 = arith.constant 15 : i32
    %and3A_40 = vector.broadcast %and3A_39 : i32 to vector<16xi32>
    %and3A_41 = arith.andi %add3A_38, %and3A_40 : vector<16xi32>
    %add3A_42 = arith.constant 7 : i32
    %add3A_43 = vector.broadcast %add3A_42 : i32 to vector<16xi32>
    %add3A_44 = arith.addi %iota3A, %add3A_43 : vector<16xi32>
    %and3A_45 = arith.constant 15 : i32
    %and3A_46 = vector.broadcast %and3A_45 : i32 to vector<16xi32>
    %and3A_47 = arith.andi %add3A_44, %and3A_46 : vector<16xi32>
    %add3A_48 = arith.constant 8 : i32
    %add3A_49 = vector.broadcast %add3A_48 : i32 to vector<16xi32>
    %add3A_50 = arith.addi %iota3A, %add3A_49 : vector<16xi32>
    %and3A_51 = arith.constant 15 : i32
    %and3A_52 = vector.broadcast %and3A_51 : i32 to vector<16xi32>
    %and3A_53 = arith.andi %add3A_50, %and3A_52 : vector<16xi32>
    %add3A_54 = arith.constant 9 : i32
    %add3A_55 = vector.broadcast %add3A_54 : i32 to vector<16xi32>
    %add3A_56 = arith.addi %iota3A, %add3A_55 : vector<16xi32>
    %and3A_57 = arith.constant 15 : i32
    %and3A_58 = vector.broadcast %and3A_57 : i32 to vector<16xi32>
    %and3A_59 = arith.andi %add3A_56, %and3A_58 : vector<16xi32>
    %add3A_60 = arith.constant 10 : i32
    %add3A_61 = vector.broadcast %add3A_60 : i32 to vector<16xi32>
    %add3A_62 = arith.addi %iota3A, %add3A_61 : vector<16xi32>
    %and3A_63 = arith.constant 15 : i32
    %and3A_64 = vector.broadcast %and3A_63 : i32 to vector<16xi32>
    %and3A_65 = arith.andi %add3A_62, %and3A_64 : vector<16xi32>
    %add3A_66 = arith.constant 11 : i32
    %add3A_67 = vector.broadcast %add3A_66 : i32 to vector<16xi32>
    %add3A_68 = arith.addi %iota3A, %add3A_67 : vector<16xi32>
    %and3A_69 = arith.constant 15 : i32
    %and3A_70 = vector.broadcast %and3A_69 : i32 to vector<16xi32>
    %and3A_71 = arith.andi %add3A_68, %and3A_70 : vector<16xi32>
    %add3A_72 = arith.constant 12 : i32
    %add3A_73 = vector.broadcast %add3A_72 : i32 to vector<16xi32>
    %add3A_74 = arith.addi %iota3A, %add3A_73 : vector<16xi32>
    %and3A_75 = arith.constant 15 : i32
    %and3A_76 = vector.broadcast %and3A_75 : i32 to vector<16xi32>
    %and3A_77 = arith.andi %add3A_74, %and3A_76 : vector<16xi32>
    %add3A_78 = arith.constant 13 : i32
    %add3A_79 = vector.broadcast %add3A_78 : i32 to vector<16xi32>
    %add3A_80 = arith.addi %iota3A, %add3A_79 : vector<16xi32>
    %and3A_81 = arith.constant 15 : i32
    %and3A_82 = vector.broadcast %and3A_81 : i32 to vector<16xi32>
    %and3A_83 = arith.andi %add3A_80, %and3A_82 : vector<16xi32>
    %add3A_84 = arith.constant 14 : i32
    %add3A_85 = vector.broadcast %add3A_84 : i32 to vector<16xi32>
    %add3A_86 = arith.addi %iota3A, %add3A_85 : vector<16xi32>
    %and3A_87 = arith.constant 15 : i32
    %and3A_88 = vector.broadcast %and3A_87 : i32 to vector<16xi32>
    %and3A_89 = arith.andi %add3A_86, %and3A_88 : vector<16xi32>
    %add3A_90 = arith.constant 15 : i32
    %add3A_91 = vector.broadcast %add3A_90 : i32 to vector<16xi32>
    %add3A_92 = arith.addi %iota3A, %add3A_91 : vector<16xi32>
    %and3A_93 = arith.constant 15 : i32
    %and3A_94 = vector.broadcast %and3A_93 : i32 to vector<16xi32>
    %and3A_95 = arith.andi %add3A_92, %and3A_94 : vector<16xi32>
    %add3A_96 = arith.constant 0 : i32
    %add3A_97 = arith.addi %add3A, %add3A_96 : i32
    %mul3A_98 = arith.constant 128 : i32
    %mul3A_99 = arith.muli %add3A_97, %mul3A_98 : i32
    %min3A = arith.constant 999808 : i32
    %min3A_100 = arith.minsi %mul3A_99, %min3A : i32
    %dma_start3A = arith.constant 0 : i32
    %dma_start3A_101 = tpu.memref_slice %arg2[%dma_start3A, %min3A_100] : memref<64x1000000xf32, #tpu.memory_space<hbm>> -> memref<64x128xf32, #tpu.memory_space<hbm>>
    %dma_start3A_102 = arith.constant 0 : i32
    %dma_start3A_103 = tpu.memref_slice %arg2[%dma_start3A_102, %min3A_100] : memref<64x1000000xf32, #tpu.memory_space<hbm>> -> memref<64x128xf32, #tpu.memory_space<hbm>>
    tpu.enqueue_dma source(%dma_start3A_103 : memref<64x128xf32, #tpu.memory_space<hbm>>) target(%arg5 : memref<64x128xf32, #tpu.memory_space<vmem>>) target_semaphore(%arg10 : memref<!tpu.dma_semaphore, #tpu.memory_space<semaphore_mem>>)
    %scan3A = arith.constant 0 : i32
    %scan3A_104 = arith.constant 0 : i32
    %scan3A_105 = arith.constant 123 : i32
    %scan3A_106 = arith.addi %scan3A_104, %scan3A_105 : i32
    %scan3A_107 = arith.constant 1 : i32
    scf.for %scan3A_130 = %scan3A_104 to %scan3A_106 step %scan3A_107  : i32 {
      %mul3A_131 = arith.constant 2 : i32
      %mul3A_132 = arith.muli %scan3A_130, %mul3A_131 : i32
      %add3A_133 = arith.constant 0 : i32
      %add3A_134 = arith.addi %mul3A_132, %add3A_133 : i32
      %add3A_135 = arith.constant 1 : i32
      %add3A_136 = arith.addi %add3A_134, %add3A_135 : i32
      %lt3A = arith.constant 246 : i32
      %lt3A_137 = arith.cmpi slt, %add3A_136, %lt3A : i32
      %convert_element_type3A_138 = arith.extui %lt3A_137 : i1 to i32
      %cond3A_139 = arith.constant 0 : i32
      %cond3A_140 = arith.cmpi ne, %convert_element_type3A_138, %cond3A_139 : i32
      scf.if %cond3A_140 {
        %add3A_217 = arith.constant 1 : i32
        %add3A_218 = arith.addi %add3A_134, %add3A_217 : i32
        %mul3A_219 = arith.constant 32 : i32
        %mul3A_220 = arith.muli %mul3A_219, %add3A_218 : i32
        %add3A_221 = arith.addi %add3A, %mul3A_220 : i32
        %mul3A_222 = arith.constant 128 : i32
        %mul3A_223 = arith.muli %add3A_221, %mul3A_222 : i32
        %min3A_224 = arith.constant 999808 : i32
        %min3A_225 = arith.minsi %mul3A_223, %min3A_224 : i32
        %dma_start3A_226 = arith.constant 0 : i32
        %dma_start3A_227 = tpu.memref_slice %arg2[%dma_start3A_226, %min3A_225] : memref<64x1000000xf32, #tpu.memory_space<hbm>> -> memref<64x128xf32, #tpu.memory_space<hbm>>
        %dma_start3A_228 = arith.constant 0 : i32
        %dma_start3A_229 = tpu.memref_slice %arg2[%dma_start3A_228, %min3A_225] : memref<64x1000000xf32, #tpu.memory_space<hbm>> -> memref<64x128xf32, #tpu.memory_space<hbm>>
        tpu.enqueue_dma source(%dma_start3A_229 : memref<64x128xf32, #tpu.memory_space<hbm>>) target(%arg6 : memref<64x128xf32, #tpu.memory_space<vmem>>) target_semaphore(%arg11 : memref<!tpu.dma_semaphore, #tpu.memory_space<semaphore_mem>>)
      } else {
      }
      %mul3A_141 = arith.constant 32 : i32
      %mul3A_142 = arith.muli %mul3A_141, %add3A_134 : i32
      %add3A_143 = arith.addi %add3A, %mul3A_142 : i32
      %mul3A_144 = arith.constant 128 : i32
      %mul3A_145 = arith.muli %add3A_143, %mul3A_144 : i32
      %min3A_146 = arith.constant 999808 : i32
      %min3A_147 = arith.minsi %mul3A_145, %min3A_146 : i32
      %dma_wait3A_148 = arith.constant 0 : i32
      %dma_wait3A_149 = tpu.memref_slice %arg2[%dma_wait3A_148, %min3A_147] : memref<64x1000000xf32, #tpu.memory_space<hbm>> -> memref<64x128xf32, #tpu.memory_space<hbm>>
      %dma_wait3A_150 = arith.constant 0 : i32
      %dma_wait3A_151 = tpu.memref_slice %arg2[%dma_wait3A_150, %min3A_147] : memref<64x1000000xf32, #tpu.memory_space<hbm>> -> memref<64x128xf32, #tpu.memory_space<hbm>>
      tpu.wait_dma2 semaphore(%arg10 : memref<!tpu.dma_semaphore, #tpu.memory_space<semaphore_mem>>) src(%dma_wait3A_151 : memref<64x128xf32, #tpu.memory_space<hbm>>) dst(%arg5 : memref<64x128xf32, #tpu.memory_space<vmem>>)
      %ge3A = arith.constant 2 : i32
      %ge3A_152 = arith.cmpi sge, %add3A_134, %ge3A : i32
      %convert_element_type3A_153 = arith.extui %ge3A_152 : i1 to i32
      %cond3A_154 = arith.constant 0 : i32
      %cond3A_155 = arith.cmpi ne, %convert_element_type3A_153, %cond3A_154 : i32
      scf.if %cond3A_155 {
        %sub3A = arith.constant 2 : i32
        %sub3A_217 = arith.subi %add3A_134, %sub3A : i32
        %mul3A_218 = arith.constant 32 : i32
        %mul3A_219 = arith.muli %mul3A_218, %sub3A_217 : i32
        %add3A_220 = arith.addi %add3A, %mul3A_219 : i32
        %mul3A_221 = arith.constant 128 : i32
        %mul3A_222 = arith.muli %add3A_220, %mul3A_221 : i32
        %min3A_223 = arith.constant 999808 : i32
        %min3A_224 = arith.minsi %mul3A_222, %min3A_223 : i32
        %dma_wait3A_225 = arith.constant 0 : i32
        %dma_wait3A_226 = tpu.memref_slice %arg4[%min3A_224, %dma_wait3A_225] : memref<1000000x128xf32, #tpu.memory_space<hbm>> -> memref<128x128xf32, #tpu.memory_space<hbm>>
        %dma_wait3A_227 = arith.constant 0 : i32
        %dma_wait3A_228 = tpu.memref_slice %arg4[%min3A_224, %dma_wait3A_227] : memref<1000000x128xf32, #tpu.memory_space<hbm>> -> memref<128x128xf32, #tpu.memory_space<hbm>>
        tpu.wait_dma2 semaphore(%arg12 : memref<!tpu.dma_semaphore, #tpu.memory_space<semaphore_mem>>) src(%arg7 : memref<128x128xf32, #tpu.memory_space<vmem>>) dst(%dma_wait3A_228 : memref<128x128xf32, #tpu.memory_space<hbm>>)
      } else {
      }
      %scan3A_156 = arith.constant 0 : i32
      %scan3A_157 = arith.constant 0 : i32
      %scan3A_158 = arith.constant 8 : i32
      %scan3A_159 = arith.addi %scan3A_157, %scan3A_158 : i32
      %scan3A_160 = arith.constant 1 : i32
      scf.for %scan3A_217 = %scan3A_157 to %scan3A_159 step %scan3A_160  : i32 {
        %mul3A_218 = arith.constant 16 : i32
        %mul3A_219 = arith.muli %scan3A_217, %mul3A_218 : i32
        %add3A_220 = vector.broadcast %mul3A_219 : i32 to vector<16xi32>
        %add3A_221 = arith.addi %and3A_5, %add3A_220 : vector<16xi32>
        %add3A_222 = vector.broadcast %mul3A_219 : i32 to vector<16xi32>
        %add3A_223 = arith.addi %and3A_11, %add3A_222 : vector<16xi32>
        %add3A_224 = vector.broadcast %mul3A_219 : i32 to vector<16xi32>
        %add3A_225 = arith.addi %and3A_17, %add3A_224 : vector<16xi32>
        %add3A_226 = vector.broadcast %mul3A_219 : i32 to vector<16xi32>
        %add3A_227 = arith.addi %and3A_23, %add3A_226 : vector<16xi32>
        %add3A_228 = vector.broadcast %mul3A_219 : i32 to vector<16xi32>
        %add3A_229 = arith.addi %and3A_29, %add3A_228 : vector<16xi32>
        %add3A_230 = vector.broadcast %mul3A_219 : i32 to vector<16xi32>
        %add3A_231 = arith.addi %and3A_35, %add3A_230 : vector<16xi32>
        %add3A_232 = vector.broadcast %mul3A_219 : i32 to vector<16xi32>
        %add3A_233 = arith.addi %and3A_41, %add3A_232 : vector<16xi32>
        %add3A_234 = vector.broadcast %mul3A_219 : i32 to vector<16xi32>
        %add3A_235 = arith.addi %and3A_47, %add3A_234 : vector<16xi32>
        %add3A_236 = vector.broadcast %mul3A_219 : i32 to vector<16xi32>
        %add3A_237 = arith.addi %and3A_53, %add3A_236 : vector<16xi32>
        %add3A_238 = vector.broadcast %mul3A_219 : i32 to vector<16xi32>
        %add3A_239 = arith.addi %and3A_59, %add3A_238 : vector<16xi32>
        %add3A_240 = vector.broadcast %mul3A_219 : i32 to vector<16xi32>
        %add3A_241 = arith.addi %and3A_65, %add3A_240 : vector<16xi32>
        %add3A_242 = vector.broadcast %mul3A_219 : i32 to vector<16xi32>
        %add3A_243 = arith.addi %and3A_71, %add3A_242 : vector<16xi32>
        %add3A_244 = vector.broadcast %mul3A_219 : i32 to vector<16xi32>
        %add3A_245 = arith.addi %and3A_77, %add3A_244 : vector<16xi32>
        %add3A_246 = vector.broadcast %mul3A_219 : i32 to vector<16xi32>
        %add3A_247 = arith.addi %and3A_83, %add3A_246 : vector<16xi32>
        %add3A_248 = vector.broadcast %mul3A_219 : i32 to vector<16xi32>
        %add3A_249 = arith.addi %and3A_89, %add3A_248 : vector<16xi32>
        %add3A_250 = vector.broadcast %mul3A_219 : i32 to vector<16xi32>
        %add3A_251 = arith.addi %and3A_95, %add3A_250 : vector<16xi32>
        %add3A_252 = arith.constant 0 : i32
        %add3A_253 = vector.broadcast %add3A_252 : i32 to vector<16xi32>
        %add3A_254 = arith.addi %iota3A, %add3A_253 : vector<16xi32>
        %gather3A = tpu.vector_load_idx %arg5[%add3A_254, %add3A_221] : memref<64x128xf32, #tpu.memory_space<vmem>>[vector<16xi32>, vector<16xi32>], vector<16xf32>,
        %gather3A_255 = tpu.vector_load_idx %arg5[%add3A_254, %add3A_223] : memref<64x128xf32, #tpu.memory_space<vmem>>[vector<16xi32>, vector<16xi32>], vector<16xf32>,
        %gather3A_256 = tpu.vector_load_idx %arg5[%add3A_254, %add3A_225] : memref<64x128xf32, #tpu.memory_space<vmem>>[vector<16xi32>, vector<16xi32>], vector<16xf32>,
        %gather3A_257 = tpu.vector_load_idx %arg5[%add3A_254, %add3A_227] : memref<64x128xf32, #tpu.memory_space<vmem>>[vector<16xi32>, vector<16xi32>], vector<16xf32>,
        %gather3A_258 = tpu.vector_load_idx %arg5[%add3A_254, %add3A_229] : memref<64x128xf32, #tpu.memory_space<vmem>>[vector<16xi32>, vector<16xi32>], vector<16xf32>,
        %gather3A_259 = tpu.vector_load_idx %arg5[%add3A_254, %add3A_231] : memref<64x128xf32, #tpu.memory_space<vmem>>[vector<16xi32>, vector<16xi32>], vector<16xf32>,
        %gather3A_260 = tpu.vector_load_idx %arg5[%add3A_254, %add3A_233] : memref<64x128xf32, #tpu.memory_space<vmem>>[vector<16xi32>, vector<16xi32>], vector<16xf32>,
        %gather3A_261 = tpu.vector_load_idx %arg5[%add3A_254, %add3A_235] : memref<64x128xf32, #tpu.memory_space<vmem>>[vector<16xi32>, vector<16xi32>], vector<16xf32>,
        %gather3A_262 = tpu.vector_load_idx %arg5[%add3A_254, %add3A_237] : memref<64x128xf32, #tpu.memory_space<vmem>>[vector<16xi32>, vector<16xi32>], vector<16xf32>,
        %gather3A_263 = tpu.vector_load_idx %arg5[%add3A_254, %add3A_239] : memref<64x128xf32, #tpu.memory_space<vmem>>[vector<16xi32>, vector<16xi32>], vector<16xf32>,
        %gather3A_264 = tpu.vector_load_idx %arg5[%add3A_254, %add3A_241] : memref<64x128xf32, #tpu.memory_space<vmem>>[vector<16xi32>, vector<16xi32>], vector<16xf32>,
        %gather3A_265 = tpu.vector_load_idx %arg5[%add3A_254, %add3A_243] : memref<64x128xf32, #tpu.memory_space<vmem>>[vector<16xi32>, vector<16xi32>], vector<16xf32>,
        %gather3A_266 = tpu.vector_load_idx %arg5[%add3A_254, %add3A_245] : memref<64x128xf32, #tpu.memory_space<vmem>>[vector<16xi32>, vector<16xi32>], vector<16xf32>,
        %gather3A_267 = tpu.vector_load_idx %arg5[%add3A_254, %add3A_247] : memref<64x128xf32, #tpu.memory_space<vmem>>[vector<16xi32>, vector<16xi32>], vector<16xf32>,
        %gather3A_268 = tpu.vector_load_idx %arg5[%add3A_254, %add3A_249] : memref<64x128xf32, #tpu.memory_space<vmem>>[vector<16xi32>, vector<16xi32>], vector<16xf32>,
        %gather3A_269 = tpu.vector_load_idx %arg5[%add3A_254, %add3A_251] : memref<64x128xf32, #tpu.memory_space<vmem>>[vector<16xi32>, vector<16xi32>], vector<16xf32>,
        tpu.vector_store_idx %arg7[%add3A_221, %add3A_254], %gather3A : memref<128x128xf32, #tpu.memory_space<vmem>>[vector<16xi32>, vector<16xi32>], vector<16xf32>,
        tpu.vector_store_idx %arg7[%add3A_223, %add3A_254], %gather3A_255 : memref<128x128xf32, #tpu.memory_space<vmem>>[vector<16xi32>, vector<16xi32>], vector<16xf32>,
        tpu.vector_store_idx %arg7[%add3A_225, %add3A_254], %gather3A_256 : memref<128x128xf32, #tpu.memory_space<vmem>>[vector<16xi32>, vector<16xi32>], vector<16xf32>,
        tpu.vector_store_idx %arg7[%add3A_227, %add3A_254], %gather3A_257 : memref<128x128xf32, #tpu.memory_space<vmem>>[vector<16xi32>, vector<16xi32>], vector<16xf32>,
        tpu.vector_store_idx %arg7[%add3A_229, %add3A_254], %gather3A_258 : memref<128x128xf32, #tpu.memory_space<vmem>>[vector<16xi32>, vector<16xi32>], vector<16xf32>,
        tpu.vector_store_idx %arg7[%add3A_231, %add3A_254], %gather3A_259 : memref<128x128xf32, #tpu.memory_space<vmem>>[vector<16xi32>, vector<16xi32>], vector<16xf32>,
        tpu.vector_store_idx %arg7[%add3A_233, %add3A_254], %gather3A_260 : memref<128x128xf32, #tpu.memory_space<vmem>>[vector<16xi32>, vector<16xi32>], vector<16xf32>,
        tpu.vector_store_idx %arg7[%add3A_235, %add3A_254], %gather3A_261 : memref<128x128xf32, #tpu.memory_space<vmem>>[vector<16xi32>, vector<16xi32>], vector<16xf32>,
        tpu.vector_store_idx %arg7[%add3A_237, %add3A_254], %gather3A_262 : memref<128x128xf32, #tpu.memory_space<vmem>>[vector<16xi32>, vector<16xi32>], vector<16xf32>,
        tpu.vector_store_idx %arg7[%add3A_239, %add3A_254], %gather3A_263 : memref<128x128xf32, #tpu.memory_space<vmem>>[vector<16xi32>, vector<16xi32>], vector<16xf32>,
        tpu.vector_store_idx %arg7[%add3A_241, %add3A_254], %gather3A_264 : memref<128x128xf32, #tpu.memory_space<vmem>>[vector<16xi32>, vector<16xi32>], vector<16xf32>,
        tpu.vector_store_idx %arg7[%add3A_243, %add3A_254], %gather3A_265 : memref<128x128xf32, #tpu.memory_space<vmem>>[vector<16xi32>, vector<16xi32>], vector<16xf32>,
        tpu.vector_store_idx %arg7[%add3A_245, %add3A_254], %gather3A_266 : memref<128x128xf32, #tpu.memory_space<vmem>>[vector<16xi32>, vector<16xi32>], vector<16xf32>,
        tpu.vector_store_idx %arg7[%add3A_247, %add3A_254], %gather3A_267 : memref<128x128xf32, #tpu.memory_space<vmem>>[vector<16xi32>, vector<16xi32>], vector<16xf32>,
        tpu.vector_store_idx %arg7[%add3A_249, %add3A_254], %gather3A_268 : memref<128x128xf32, #tpu.memory_space<vmem>>[vector<16xi32>, vector<16xi32>], vector<16xf32>,
        tpu.vector_store_idx %arg7[%add3A_251, %add3A_254], %gather3A_269 : memref<128x128xf32, #tpu.memory_space<vmem>>[vector<16xi32>, vector<16xi32>], vector<16xf32>,
        %add3A_270 = arith.constant 16 : i32
        %add3A_271 = vector.broadcast %add3A_270 : i32 to vector<16xi32>
        %add3A_272 = arith.addi %iota3A, %add3A_271 : vector<16xi32>
        %gather3A_273 = tpu.vector_load_idx %arg5[%add3A_272, %add3A_221] : memref<64x128xf32, #tpu.memory_space<vmem>>[vector<16xi32>, vector<16xi32>], vector<16xf32>,
        %gather3A_274 = tpu.vector_load_idx %arg5[%add3A_272, %add3A_223] : memref<64x128xf32, #tpu.memory_space<vmem>>[vector<16xi32>, vector<16xi32>], vector<16xf32>,
        %gather3A_275 = tpu.vector_load_idx %arg5[%add3A_272, %add3A_225] : memref<64x128xf32, #tpu.memory_space<vmem>>[vector<16xi32>, vector<16xi32>], vector<16xf32>,
        %gather3A_276 = tpu.vector_load_idx %arg5[%add3A_272, %add3A_227] : memref<64x128xf32, #tpu.memory_space<vmem>>[vector<16xi32>, vector<16xi32>], vector<16xf32>,
        %gather3A_277 = tpu.vector_load_idx %arg5[%add3A_272, %add3A_229] : memref<64x128xf32, #tpu.memory_space<vmem>>[vector<16xi32>, vector<16xi32>], vector<16xf32>,
        %gather3A_278 = tpu.vector_load_idx %arg5[%add3A_272, %add3A_231] : memref<64x128xf32, #tpu.memory_space<vmem>>[vector<16xi32>, vector<16xi32>], vector<16xf32>,
        %gather3A_279 = tpu.vector_load_idx %arg5[%add3A_272, %add3A_233] : memref<64x128xf32, #tpu.memory_space<vmem>>[vector<16xi32>, vector<16xi32>], vector<16xf32>,
        %gather3A_280 = tpu.vector_load_idx %arg5[%add3A_272, %add3A_235] : memref<64x128xf32, #tpu.memory_space<vmem>>[vector<16xi32>, vector<16xi32>], vector<16xf32>,
        %gather3A_281 = tpu.vector_load_idx %arg5[%add3A_272, %add3A_237] : memref<64x128xf32, #tpu.memory_space<vmem>>[vector<16xi32>, vector<16xi32>], vector<16xf32>,
        %gather3A_282 = tpu.vector_load_idx %arg5[%add3A_272, %add3A_239] : memref<64x128xf32, #tpu.memory_space<vmem>>[vector<16xi32>, vector<16xi32>], vector<16xf32>,
        %gather3A_283 = tpu.vector_load_idx %arg5[%add3A_272, %add3A_241] : memref<64x128xf32, #tpu.memory_space<vmem>>[vector<16xi32>, vector<16xi32>], vector<16xf32>,
        %gather3A_284 = tpu.vector_load_idx %arg5[%add3A_272, %add3A_243] : memref<64x128xf32, #tpu.memory_space<vmem>>[vector<16xi32>, vector<16xi32>], vector<16xf32>,
        %gather3A_285 = tpu.vector_load_idx %arg5[%add3A_272, %add3A_245] : memref<64x128xf32, #tpu.memory_space<vmem>>[vector<16xi32>, vector<16xi32>], vector<16xf32>,
        %gather3A_286 = tpu.vector_load_idx %arg5[%add3A_272, %add3A_247] : memref<64x128xf32, #tpu.memory_space<vmem>>[vector<16xi32>, vector<16xi32>], vector<16xf32>,
        %gather3A_287 = tpu.vector_load_idx %arg5[%add3A_272, %add3A_249] : memref<64x128xf32, #tpu.memory_space<vmem>>[vector<16xi32>, vector<16xi32>], vector<16xf32>,
        %gather3A_288 = tpu.vector_load_idx %arg5[%add3A_272, %add3A_251] : memref<64x128xf32, #tpu.memory_space<vmem>>[vector<16xi32>, vector<16xi32>], vector<16xf32>,
        tpu.vector_store_idx %arg7[%add3A_221, %add3A_272], %gather3A_273 : memref<128x128xf32, #tpu.memory_space<vmem>>[vector<16xi32>, vector<16xi32>], vector<16xf32>,
        tpu.vector_store_idx %arg7[%add3A_223, %add3A_272], %gather3A_274 : memref<128x128xf32, #tpu.memory_space<vmem>>[vector<16xi32>, vector<16xi32>], vector<16xf32>,
        tpu.vector_store_idx %arg7[%add3A_225, %add3A_272], %gather3A_275 : memref<128x128xf32, #tpu.memory_space<vmem>>[vector<16xi32>, vector<16xi32>], vector<16xf32>,
        tpu.vector_store_idx %arg7[%add3A_227, %add3A_272], %gather3A_276 : memref<128x128xf32, #tpu.memory_space<vmem>>[vector<16xi32>, vector<16xi32>], vector<16xf32>,
        tpu.vector_store_idx %arg7[%add3A_229, %add3A_272], %gather3A_277 : memref<128x128xf32, #tpu.memory_space<vmem>>[vector<16xi32>, vector<16xi32>], vector<16xf32>,
        tpu.vector_store_idx %arg7[%add3A_231, %add3A_272], %gather3A_278 : memref<128x128xf32, #tpu.memory_space<vmem>>[vector<16xi32>, vector<16xi32>], vector<16xf32>,
        tpu.vector_store_idx %arg7[%add3A_233, %add3A_272], %gather3A_279 : memref<128x128xf32, #tpu.memory_space<vmem>>[vector<16xi32>, vector<16xi32>], vector<16xf32>,
        tpu.vector_store_idx %arg7[%add3A_235, %add3A_272], %gather3A_280 : memref<128x128xf32, #tpu.memory_space<vmem>>[vector<16xi32>, vector<16xi32>], vector<16xf32>,
        tpu.vector_store_idx %arg7[%add3A_237, %add3A_272], %gather3A_281 : memref<128x128xf32, #tpu.memory_space<vmem>>[vector<16xi32>, vector<16xi32>], vector<16xf32>,
        tpu.vector_store_idx %arg7[%add3A_239, %add3A_272], %gather3A_282 : memref<128x128xf32, #tpu.memory_space<vmem>>[vector<16xi32>, vector<16xi32>], vector<16xf32>,
        tpu.vector_store_idx %arg7[%add3A_241, %add3A_272], %gather3A_283 : memref<128x128xf32, #tpu.memory_space<vmem>>[vector<16xi32>, vector<16xi32>], vector<16xf32>,
        tpu.vector_store_idx %arg7[%add3A_243, %add3A_272], %gather3A_284 : memref<128x128xf32, #tpu.memory_space<vmem>>[vector<16xi32>, vector<16xi32>], vector<16xf32>,
        tpu.vector_store_idx %arg7[%add3A_245, %add3A_272], %gather3A_285 : memref<128x128xf32, #tpu.memory_space<vmem>>[vector<16xi32>, vector<16xi32>], vector<16xf32>,
        tpu.vector_store_idx %arg7[%add3A_247, %add3A_272], %gather3A_286 : memref<128x128xf32, #tpu.memory_space<vmem>>[vector<16xi32>, vector<16xi32>], vector<16xf32>,
        tpu.vector_store_idx %arg7[%add3A_249, %add3A_272], %gather3A_287 : memref<128x128xf32, #tpu.memory_space<vmem>>[vector<16xi32>, vector<16xi32>], vector<16xf32>,
        tpu.vector_store_idx %arg7[%add3A_251, %add3A_272], %gather3A_288 : memref<128x128xf32, #tpu.memory_space<vmem>>[vector<16xi32>, vector<16xi32>], vector<16xf32>,
        %add3A_289 = arith.constant 32 : i32
        %add3A_290 = vector.broadcast %add3A_289 : i32 to vector<16xi32>
        %add3A_291 = arith.addi %iota3A, %add3A_290 : vector<16xi32>
        %gather3A_292 = tpu.vector_load_idx %arg5[%add3A_291, %add3A_221] : memref<64x128xf32, #tpu.memory_space<vmem>>[vector<16xi32>, vector<16xi32>], vector<16xf32>,
        %gather3A_293 = tpu.vector_load_idx %arg5[%add3A_291, %add3A_223] : memref<64x128xf32, #tpu.memory_space<vmem>>[vector<16xi32>, vector<16xi32>], vector<16xf32>,
        %gather3A_294 = tpu.vector_load_idx %arg5[%add3A_291, %add3A_225] : memref<64x128xf32, #tpu.memory_space<vmem>>[vector<16xi32>, vector<16xi32>], vector<16xf32>,
        %gather3A_295 = tpu.vector_load_idx %arg5[%add3A_291, %add3A_227] : memref<64x128xf32, #tpu.memory_space<vmem>>[vector<16xi32>, vector<16xi32>], vector<16xf32>,
        %gather3A_296 = tpu.vector_load_idx %arg5[%add3A_291, %add3A_229] : memref<64x128xf32, #tpu.memory_space<vmem>>[vector<16xi32>, vector<16xi32>], vector<16xf32>,
        %gather3A_297 = tpu.vector_load_idx %arg5[%add3A_291, %add3A_231] : memref<64x128xf32, #tpu.memory_space<vmem>>[vector<16xi32>, vector<16xi32>], vector<16xf32>,
        %gather3A_298 = tpu.vector_load_idx %arg5[%add3A_291, %add3A_233] : memref<64x128xf32, #tpu.memory_space<vmem>>[vector<16xi32>, vector<16xi32>], vector<16xf32>,
        %gather3A_299 = tpu.vector_load_idx %arg5[%add3A_291, %add3A_235] : memref<64x128xf32, #tpu.memory_space<vmem>>[vector<16xi32>, vector<16xi32>], vector<16xf32>,
        %gather3A_300 = tpu.vector_load_idx %arg5[%add3A_291, %add3A_237] : memref<64x128xf32, #tpu.memory_space<vmem>>[vector<16xi32>, vector<16xi32>], vector<16xf32>,
        %gather3A_301 = tpu.vector_load_idx %arg5[%add3A_291, %add3A_239] : memref<64x128xf32, #tpu.memory_space<vmem>>[vector<16xi32>, vector<16xi32>], vector<16xf32>,
        %gather3A_302 = tpu.vector_load_idx %arg5[%add3A_291, %add3A_241] : memref<64x128xf32, #tpu.memory_space<vmem>>[vector<16xi32>, vector<16xi32>], vector<16xf32>,
        %gather3A_303 = tpu.vector_load_idx %arg5[%add3A_291, %add3A_243] : memref<64x128xf32, #tpu.memory_space<vmem>>[vector<16xi32>, vector<16xi32>], vector<16xf32>,
        %gather3A_304 = tpu.vector_load_idx %arg5[%add3A_291, %add3A_245] : memref<64x128xf32, #tpu.memory_space<vmem>>[vector<16xi32>, vector<16xi32>], vector<16xf32>,
        %gather3A_305 = tpu.vector_load_idx %arg5[%add3A_291, %add3A_247] : memref<64x128xf32, #tpu.memory_space<vmem>>[vector<16xi32>, vector<16xi32>], vector<16xf32>,
        %gather3A_306 = tpu.vector_load_idx %arg5[%add3A_291, %add3A_249] : memref<64x128xf32, #tpu.memory_space<vmem>>[vector<16xi32>, vector<16xi32>], vector<16xf32>,
        %gather3A_307 = tpu.vector_load_idx %arg5[%add3A_291, %add3A_251] : memref<64x128xf32, #tpu.memory_space<vmem>>[vector<16xi32>, vector<16xi32>], vector<16xf32>,
        tpu.vector_store_idx %arg7[%add3A_221, %add3A_291], %gather3A_292 : memref<128x128xf32, #tpu.memory_space<vmem>>[vector<16xi32>, vector<16xi32>], vector<16xf32>,
        tpu.vector_store_idx %arg7[%add3A_223, %add3A_291], %gather3A_293 : memref<128x128xf32, #tpu.memory_space<vmem>>[vector<16xi32>, vector<16xi32>], vector<16xf32>,
        tpu.vector_store_idx %arg7[%add3A_225, %add3A_291], %gather3A_294 : memref<128x128xf32, #tpu.memory_space<vmem>>[vector<16xi32>, vector<16xi32>], vector<16xf32>,
        tpu.vector_store_idx %arg7[%add3A_227, %add3A_291], %gather3A_295 : memref<128x128xf32, #tpu.memory_space<vmem>>[vector<16xi32>, vector<16xi32>], vector<16xf32>,
        tpu.vector_store_idx %arg7[%add3A_229, %add3A_291], %gather3A_296 : memref<128x128xf32, #tpu.memory_space<vmem>>[vector<16xi32>, vector<16xi32>], vector<16xf32>,
        tpu.vector_store_idx %arg7[%add3A_231, %add3A_291], %gather3A_297 : memref<128x128xf32, #tpu.memory_space<vmem>>[vector<16xi32>, vector<16xi32>], vector<16xf32>,
        tpu.vector_store_idx %arg7[%add3A_233, %add3A_291], %gather3A_298 : memref<128x128xf32, #tpu.memory_space<vmem>>[vector<16xi32>, vector<16xi32>], vector<16xf32>,
        tpu.vector_store_idx %arg7[%add3A_235, %add3A_291], %gather3A_299 : memref<128x128xf32, #tpu.memory_space<vmem>>[vector<16xi32>, vector<16xi32>], vector<16xf32>,
        tpu.vector_store_idx %arg7[%add3A_237, %add3A_291], %gather3A_300 : memref<128x128xf32, #tpu.memory_space<vmem>>[vector<16xi32>, vector<16xi32>], vector<16xf32>,
        tpu.vector_store_idx %arg7[%add3A_239, %add3A_291], %gather3A_301 : memref<128x128xf32, #tpu.memory_space<vmem>>[vector<16xi32>, vector<16xi32>], vector<16xf32>,
        tpu.vector_store_idx %arg7[%add3A_241, %add3A_291], %gather3A_302 : memref<128x128xf32, #tpu.memory_space<vmem>>[vector<16xi32>, vector<16xi32>], vector<16xf32>,
        tpu.vector_store_idx %arg7[%add3A_243, %add3A_291], %gather3A_303 : memref<128x128xf32, #tpu.memory_space<vmem>>[vector<16xi32>, vector<16xi32>], vector<16xf32>,
        tpu.vector_store_idx %arg7[%add3A_245, %add3A_291], %gather3A_304 : memref<128x128xf32, #tpu.memory_space<vmem>>[vector<16xi32>, vector<16xi32>], vector<16xf32>,
        tpu.vector_store_idx %arg7[%add3A_247, %add3A_291], %gather3A_305 : memref<128x128xf32, #tpu.memory_space<vmem>>[vector<16xi32>, vector<16xi32>], vector<16xf32>,
        tpu.vector_store_idx %arg7[%add3A_249, %add3A_291], %gather3A_306 : memref<128x128xf32, #tpu.memory_space<vmem>>[vector<16xi32>, vector<16xi32>], vector<16xf32>,
        tpu.vector_store_idx %arg7[%add3A_251, %add3A_291], %gather3A_307 : memref<128x128xf32, #tpu.memory_space<vmem>>[vector<16xi32>, vector<16xi32>], vector<16xf32>,
        %add3A_308 = arith.constant 48 : i32
        %add3A_309 = vector.broadcast %add3A_308 : i32 to vector<16xi32>
        %add3A_310 = arith.addi %iota3A, %add3A_309 : vector<16xi32>
        %gather3A_311 = tpu.vector_load_idx %arg5[%add3A_310, %add3A_221] : memref<64x128xf32, #tpu.memory_space<vmem>>[vector<16xi32>, vector<16xi32>], vector<16xf32>,
        %gather3A_312 = tpu.vector_load_idx %arg5[%add3A_310, %add3A_223] : memref<64x128xf32, #tpu.memory_space<vmem>>[vector<16xi32>, vector<16xi32>], vector<16xf32>,
        %gather3A_313 = tpu.vector_load_idx %arg5[%add3A_310, %add3A_225] : memref<64x128xf32, #tpu.memory_space<vmem>>[vector<16xi32>, vector<16xi32>], vector<16xf32>,
        %gather3A_314 = tpu.vector_load_idx %arg5[%add3A_310, %add3A_227] : memref<64x128xf32, #tpu.memory_space<vmem>>[vector<16xi32>, vector<16xi32>], vector<16xf32>,
        %gather3A_315 = tpu.vector_load_idx %arg5[%add3A_310, %add3A_229] : memref<64x128xf32, #tpu.memory_space<vmem>>[vector<16xi32>, vector<16xi32>], vector<16xf32>,
        %gather3A_316 = tpu.vector_load_idx %arg5[%add3A_310, %add3A_231] : memref<64x128xf32, #tpu.memory_space<vmem>>[vector<16xi32>, vector<16xi32>], vector<16xf32>,
        %gather3A_317 = tpu.vector_load_idx %arg5[%add3A_310, %add3A_233] : memref<64x128xf32, #tpu.memory_space<vmem>>[vector<16xi32>, vector<16xi32>], vector<16xf32>,
        %gather3A_318 = tpu.vector_load_idx %arg5[%add3A_310, %add3A_235] : memref<64x128xf32, #tpu.memory_space<vmem>>[vector<16xi32>, vector<16xi32>], vector<16xf32>,
        %gather3A_319 = tpu.vector_load_idx %arg5[%add3A_310, %add3A_237] : memref<64x128xf32, #tpu.memory_space<vmem>>[vector<16xi32>, vector<16xi32>], vector<16xf32>,
        %gather3A_320 = tpu.vector_load_idx %arg5[%add3A_310, %add3A_239] : memref<64x128xf32, #tpu.memory_space<vmem>>[vector<16xi32>, vector<16xi32>], vector<16xf32>,
        %gather3A_321 = tpu.vector_load_idx %arg5[%add3A_310, %add3A_241] : memref<64x128xf32, #tpu.memory_space<vmem>>[vector<16xi32>, vector<16xi32>], vector<16xf32>,
        %gather3A_322 = tpu.vector_load_idx %arg5[%add3A_310, %add3A_243] : memref<64x128xf32, #tpu.memory_space<vmem>>[vector<16xi32>, vector<16xi32>], vector<16xf32>,
        %gather3A_323 = tpu.vector_load_idx %arg5[%add3A_310, %add3A_245] : memref<64x128xf32, #tpu.memory_space<vmem>>[vector<16xi32>, vector<16xi32>], vector<16xf32>,
        %gather3A_324 = tpu.vector_load_idx %arg5[%add3A_310, %add3A_247] : memref<64x128xf32, #tpu.memory_space<vmem>>[vector<16xi32>, vector<16xi32>], vector<16xf32>,
        %gather3A_325 = tpu.vector_load_idx %arg5[%add3A_310, %add3A_249] : memref<64x128xf32, #tpu.memory_space<vmem>>[vector<16xi32>, vector<16xi32>], vector<16xf32>,
        %gather3A_326 = tpu.vector_load_idx %arg5[%add3A_310, %add3A_251] : memref<64x128xf32, #tpu.memory_space<vmem>>[vector<16xi32>, vector<16xi32>], vector<16xf32>,
        tpu.vector_store_idx %arg7[%add3A_221, %add3A_310], %gather3A_311 : memref<128x128xf32, #tpu.memory_space<vmem>>[vector<16xi32>, vector<16xi32>], vector<16xf32>,
        tpu.vector_store_idx %arg7[%add3A_223, %add3A_310], %gather3A_312 : memref<128x128xf32, #tpu.memory_space<vmem>>[vector<16xi32>, vector<16xi32>], vector<16xf32>,
        tpu.vector_store_idx %arg7[%add3A_225, %add3A_310], %gather3A_313 : memref<128x128xf32, #tpu.memory_space<vmem>>[vector<16xi32>, vector<16xi32>], vector<16xf32>,
        tpu.vector_store_idx %arg7[%add3A_227, %add3A_310], %gather3A_314 : memref<128x128xf32, #tpu.memory_space<vmem>>[vector<16xi32>, vector<16xi32>], vector<16xf32>,
        tpu.vector_store_idx %arg7[%add3A_229, %add3A_310], %gather3A_315 : memref<128x128xf32, #tpu.memory_space<vmem>>[vector<16xi32>, vector<16xi32>], vector<16xf32>,
        tpu.vector_store_idx %arg7[%add3A_231, %add3A_310], %gather3A_316 : memref<128x128xf32, #tpu.memory_space<vmem>>[vector<16xi32>, vector<16xi32>], vector<16xf32>,
        tpu.vector_store_idx %arg7[%add3A_233, %add3A_310], %gather3A_317 : memref<128x128xf32, #tpu.memory_space<vmem>>[vector<16xi32>, vector<16xi32>], vector<16xf32>,
        tpu.vector_store_idx %arg7[%add3A_235, %add3A_310], %gather3A_318 : memref<128x128xf32, #tpu.memory_space<vmem>>[vector<16xi32>, vector<16xi32>], vector<16xf32>,
        tpu.vector_store_idx %arg7[%add3A_237, %add3A_310], %gather3A_319 : memref<128x128xf32, #tpu.memory_space<vmem>>[vector<16xi32>, vector<16xi32>], vector<16xf32>,
        tpu.vector_store_idx %arg7[%add3A_239, %add3A_310], %gather3A_320 : memref<128x128xf32, #tpu.memory_space<vmem>>[vector<16xi32>, vector<16xi32>], vector<16xf32>,
        tpu.vector_store_idx %arg7[%add3A_241, %add3A_310], %gather3A_321 : memref<128x128xf32, #tpu.memory_space<vmem>>[vector<16xi32>, vector<16xi32>], vector<16xf32>,
        tpu.vector_store_idx %arg7[%add3A_243, %add3A_310], %gather3A_322 : memref<128x128xf32, #tpu.memory_space<vmem>>[vector<16xi32>, vector<16xi32>], vector<16xf32>,
        tpu.vector_store_idx %arg7[%add3A_245, %add3A_310], %gather3A_323 : memref<128x128xf32, #tpu.memory_space<vmem>>[vector<16xi32>, vector<16xi32>], vector<16xf32>,
        tpu.vector_store_idx %arg7[%add3A_247, %add3A_310], %gather3A_324 : memref<128x128xf32, #tpu.memory_space<vmem>>[vector<16xi32>, vector<16xi32>], vector<16xf32>,
        tpu.vector_store_idx %arg7[%add3A_249, %add3A_310], %gather3A_325 : memref<128x128xf32, #tpu.memory_space<vmem>>[vector<16xi32>, vector<16xi32>], vector<16xf32>,
        tpu.vector_store_idx %arg7[%add3A_251, %add3A_310], %gather3A_326 : memref<128x128xf32, #tpu.memory_space<vmem>>[vector<16xi32>, vector<16xi32>], vector<16xf32>,
      }
      %scan3A_161 = arith.constant 8 : i32
      %mul3A_162 = arith.constant 32 : i32
      %mul3A_163 = arith.muli %mul3A_162, %add3A_134 : i32
      %add3A_164 = arith.addi %add3A, %mul3A_163 : i32
      %mul3A_165 = arith.constant 128 : i32
      %mul3A_166 = arith.muli %add3A_164, %mul3A_165 : i32
      %min3A_167 = arith.constant 999808 : i32
      %min3A_168 = arith.minsi %mul3A_166, %min3A_167 : i32
      %dma_start3A_169 = arith.constant 0 : i32
      %dma_start3A_170 = tpu.memref_slice %arg4[%min3A_168, %dma_start3A_169] : memref<1000000x128xf32, #tpu.memory_space<hbm>> -> memref<128x128xf32, #tpu.memory_space<hbm>>
      %dma_start3A_171 = arith.constant 0 : i32
      %dma_start3A_172 = tpu.memref_slice %arg4[%min3A_168, %dma_start3A_171] : memref<1000000x128xf32, #tpu.memory_space<hbm>> -> memref<128x128xf32, #tpu.memory_space<hbm>>
      tpu.enqueue_dma source(%arg7 : memref<128x128xf32, #tpu.memory_space<vmem>>) target(%dma_start3A_172 : memref<128x128xf32, #tpu.memory_space<hbm>>) target_semaphore(%arg12 : memref<!tpu.dma_semaphore, #tpu.memory_space<semaphore_mem>>)
      %mul3A_173 = arith.constant 2 : i32
      %mul3A_174 = arith.muli %scan3A_130, %mul3A_173 : i32
      %add3A_175 = arith.constant 1 : i32
      %add3A_176 = arith.addi %mul3A_174, %add3A_175 : i32
      %add3A_177 = arith.constant 1 : i32
      %add3A_178 = arith.addi %add3A_176, %add3A_177 : i32
      %lt3A_179 = arith.constant 246 : i32
      %lt3A_180 = arith.cmpi slt, %add3A_178, %lt3A_179 : i32
      %convert_element_type3A_181 = arith.extui %lt3A_180 : i1 to i32
      %cond3A_182 = arith.constant 0 : i32
      %cond3A_183 = arith.cmpi ne, %convert_element_type3A_181, %cond3A_182 : i32
      scf.if %cond3A_183 {
        %add3A_217 = arith.constant 1 : i32
        %add3A_218 = arith.addi %add3A_176, %add3A_217 : i32
        %mul3A_219 = arith.constant 32 : i32
        %mul3A_220 = arith.muli %mul3A_219, %add3A_218 : i32
        %add3A_221 = arith.addi %add3A, %mul3A_220 : i32
        %mul3A_222 = arith.constant 128 : i32
        %mul3A_223 = arith.muli %add3A_221, %mul3A_222 : i32
        %min3A_224 = arith.constant 999808 : i32
        %min3A_225 = arith.minsi %mul3A_223, %min3A_224 : i32
        %dma_start3A_226 = arith.constant 0 : i32
        %dma_start3A_227 = tpu.memref_slice %arg2[%dma_start3A_226, %min3A_225] : memref<64x1000000xf32, #tpu.memory_space<hbm>> -> memref<64x128xf32, #tpu.memory_space<hbm>>
        %dma_start3A_228 = arith.constant 0 : i32
        %dma_start3A_229 = tpu.memref_slice %arg2[%dma_start3A_228, %min3A_225] : memref<64x1000000xf32, #tpu.memory_space<hbm>> -> memref<64x128xf32, #tpu.memory_space<hbm>>
        tpu.enqueue_dma source(%dma_start3A_229 : memref<64x128xf32, #tpu.memory_space<hbm>>) target(%arg5 : memref<64x128xf32, #tpu.memory_space<vmem>>) target_semaphore(%arg10 : memref<!tpu.dma_semaphore, #tpu.memory_space<semaphore_mem>>)
      } else {
      }
      %mul3A_184 = arith.constant 32 : i32
      %mul3A_185 = arith.muli %mul3A_184, %add3A_176 : i32
      %add3A_186 = arith.addi %add3A, %mul3A_185 : i32
      %mul3A_187 = arith.constant 128 : i32
      %mul3A_188 = arith.muli %add3A_186, %mul3A_187 : i32
      %min3A_189 = arith.constant 999808 : i32
      %min3A_190 = arith.minsi %mul3A_188, %min3A_189 : i32
      %dma_wait3A_191 = arith.constant 0 : i32
      %dma_wait3A_192 = tpu.memref_slice %arg2[%dma_wait3A_191, %min3A_190] : memref<64x1000000xf32, #tpu.memory_space<hbm>> -> memref<64x128xf32, #tpu.memory_space<hbm>>
      %dma_wait3A_193 = arith.constant 0 : i32
      %dma_wait3A_194 = tpu.memref_slice %arg2[%dma_wait3A_193, %min3A_190] : memref<64x1000000xf32, #tpu.memory_space<hbm>> -> memref<64x128xf32, #tpu.memory_space<hbm>>
      tpu.wait_dma2 semaphore(%arg11 : memref<!tpu.dma_semaphore, #tpu.memory_space<semaphore_mem>>) src(%dma_wait3A_194 : memref<64x128xf32, #tpu.memory_space<hbm>>) dst(%arg6 : memref<64x128xf32, #tpu.memory_space<vmem>>)
      %ge3A_195 = arith.constant 2 : i32
      %ge3A_196 = arith.cmpi sge, %add3A_176, %ge3A_195 : i32
      %convert_element_type3A_197 = arith.extui %ge3A_196 : i1 to i32
      %cond3A_198 = arith.constant 0 : i32
      %cond3A_199 = arith.cmpi ne, %convert_element_type3A_197, %cond3A_198 : i32
      scf.if %cond3A_199 {
        %sub3A = arith.constant 2 : i32
        %sub3A_217 = arith.subi %add3A_176, %sub3A : i32
        %mul3A_218 = arith.constant 32 : i32
        %mul3A_219 = arith.muli %mul3A_218, %sub3A_217 : i32
        %add3A_220 = arith.addi %add3A, %mul3A_219 : i32
        %mul3A_221 = arith.constant 128 : i32
        %mul3A_222 = arith.muli %add3A_220, %mul3A_221 : i32
        %min3A_223 = arith.constant 999808 : i32
        %min3A_224 = arith.minsi %mul3A_222, %min3A_223 : i32
        %dma_wait3A_225 = arith.constant 0 : i32
        %dma_wait3A_226 = tpu.memref_slice %arg4[%min3A_224, %dma_wait3A_225] : memref<1000000x128xf32, #tpu.memory_space<hbm>> -> memref<128x128xf32, #tpu.memory_space<hbm>>
        %dma_wait3A_227 = arith.constant 0 : i32
        %dma_wait3A_228 = tpu.memref_slice %arg4[%min3A_224, %dma_wait3A_227] : memref<1000000x128xf32, #tpu.memory_space<hbm>> -> memref<128x128xf32, #tpu.memory_space<hbm>>
        tpu.wait_dma2 semaphore(%arg13 : memref<!tpu.dma_semaphore, #tpu.memory_space<semaphore_mem>>) src(%arg8 : memref<128x128xf32, #tpu.memory_space<vmem>>) dst(%dma_wait3A_228 : memref<128x128xf32, #tpu.memory_space<hbm>>)
      } else {
      }
      %scan3A_200 = arith.constant 0 : i32
      %scan3A_201 = arith.constant 0 : i32
      %scan3A_202 = arith.constant 8 : i32
      %scan3A_203 = arith.addi %scan3A_201, %scan3A_202 : i32
      %scan3A_204 = arith.constant 1 : i32
      scf.for %scan3A_217 = %scan3A_201 to %scan3A_203 step %scan3A_204  : i32 {
        %mul3A_218 = arith.constant 16 : i32
        %mul3A_219 = arith.muli %scan3A_217, %mul3A_218 : i32
        %add3A_220 = vector.broadcast %mul3A_219 : i32 to vector<16xi32>
        %add3A_221 = arith.addi %and3A_5, %add3A_220 : vector<16xi32>
        %add3A_222 = vector.broadcast %mul3A_219 : i32 to vector<16xi32>
        %add3A_223 = arith.addi %and3A_11, %add3A_222 : vector<16xi32>
        %add3A_224 = vector.broadcast %mul3A_219 : i32 to vector<16xi32>
        %add3A_225 = arith.addi %and3A_17, %add3A_224 : vector<16xi32>
        %add3A_226 = vector.broadcast %mul3A_219 : i32 to vector<16xi32>
        %add3A_227 = arith.addi %and3A_23, %add3A_226 : vector<16xi32>
        %add3A_228 = vector.broadcast %mul3A_219 : i32 to vector<16xi32>
        %add3A_229 = arith.addi %and3A_29, %add3A_228 : vector<16xi32>
        %add3A_230 = vector.broadcast %mul3A_219 : i32 to vector<16xi32>
        %add3A_231 = arith.addi %and3A_35, %add3A_230 : vector<16xi32>
        %add3A_232 = vector.broadcast %mul3A_219 : i32 to vector<16xi32>
        %add3A_233 = arith.addi %and3A_41, %add3A_232 : vector<16xi32>
        %add3A_234 = vector.broadcast %mul3A_219 : i32 to vector<16xi32>
        %add3A_235 = arith.addi %and3A_47, %add3A_234 : vector<16xi32>
        %add3A_236 = vector.broadcast %mul3A_219 : i32 to vector<16xi32>
        %add3A_237 = arith.addi %and3A_53, %add3A_236 : vector<16xi32>
        %add3A_238 = vector.broadcast %mul3A_219 : i32 to vector<16xi32>
        %add3A_239 = arith.addi %and3A_59, %add3A_238 : vector<16xi32>
        %add3A_240 = vector.broadcast %mul3A_219 : i32 to vector<16xi32>
        %add3A_241 = arith.addi %and3A_65, %add3A_240 : vector<16xi32>
        %add3A_242 = vector.broadcast %mul3A_219 : i32 to vector<16xi32>
        %add3A_243 = arith.addi %and3A_71, %add3A_242 : vector<16xi32>
        %add3A_244 = vector.broadcast %mul3A_219 : i32 to vector<16xi32>
        %add3A_245 = arith.addi %and3A_77, %add3A_244 : vector<16xi32>
        %add3A_246 = vector.broadcast %mul3A_219 : i32 to vector<16xi32>
        %add3A_247 = arith.addi %and3A_83, %add3A_246 : vector<16xi32>
        %add3A_248 = vector.broadcast %mul3A_219 : i32 to vector<16xi32>
        %add3A_249 = arith.addi %and3A_89, %add3A_248 : vector<16xi32>
        %add3A_250 = vector.broadcast %mul3A_219 : i32 to vector<16xi32>
        %add3A_251 = arith.addi %and3A_95, %add3A_250 : vector<16xi32>
        %add3A_252 = arith.constant 0 : i32
        %add3A_253 = vector.broadcast %add3A_252 : i32 to vector<16xi32>
        %add3A_254 = arith.addi %iota3A, %add3A_253 : vector<16xi32>
        %gather3A = tpu.vector_load_idx %arg6[%add3A_254, %add3A_221] : memref<64x128xf32, #tpu.memory_space<vmem>>[vector<16xi32>, vector<16xi32>], vector<16xf32>,
        %gather3A_255 = tpu.vector_load_idx %arg6[%add3A_254, %add3A_223] : memref<64x128xf32, #tpu.memory_space<vmem>>[vector<16xi32>, vector<16xi32>], vector<16xf32>,
        %gather3A_256 = tpu.vector_load_idx %arg6[%add3A_254, %add3A_225] : memref<64x128xf32, #tpu.memory_space<vmem>>[vector<16xi32>, vector<16xi32>], vector<16xf32>,
        %gather3A_257 = tpu.vector_load_idx %arg6[%add3A_254, %add3A_227] : memref<64x128xf32, #tpu.memory_space<vmem>>[vector<16xi32>, vector<16xi32>], vector<16xf32>,
        %gather3A_258 = tpu.vector_load_idx %arg6[%add3A_254, %add3A_229] : memref<64x128xf32, #tpu.memory_space<vmem>>[vector<16xi32>, vector<16xi32>], vector<16xf32>,
        %gather3A_259 = tpu.vector_load_idx %arg6[%add3A_254, %add3A_231] : memref<64x128xf32, #tpu.memory_space<vmem>>[vector<16xi32>, vector<16xi32>], vector<16xf32>,
        %gather3A_260 = tpu.vector_load_idx %arg6[%add3A_254, %add3A_233] : memref<64x128xf32, #tpu.memory_space<vmem>>[vector<16xi32>, vector<16xi32>], vector<16xf32>,
        %gather3A_261 = tpu.vector_load_idx %arg6[%add3A_254, %add3A_235] : memref<64x128xf32, #tpu.memory_space<vmem>>[vector<16xi32>, vector<16xi32>], vector<16xf32>,
        %gather3A_262 = tpu.vector_load_idx %arg6[%add3A_254, %add3A_237] : memref<64x128xf32, #tpu.memory_space<vmem>>[vector<16xi32>, vector<16xi32>], vector<16xf32>,
        %gather3A_263 = tpu.vector_load_idx %arg6[%add3A_254, %add3A_239] : memref<64x128xf32, #tpu.memory_space<vmem>>[vector<16xi32>, vector<16xi32>], vector<16xf32>,
        %gather3A_264 = tpu.vector_load_idx %arg6[%add3A_254, %add3A_241] : memref<64x128xf32, #tpu.memory_space<vmem>>[vector<16xi32>, vector<16xi32>], vector<16xf32>,
        %gather3A_265 = tpu.vector_load_idx %arg6[%add3A_254, %add3A_243] : memref<64x128xf32, #tpu.memory_space<vmem>>[vector<16xi32>, vector<16xi32>], vector<16xf32>,
        %gather3A_266 = tpu.vector_load_idx %arg6[%add3A_254, %add3A_245] : memref<64x128xf32, #tpu.memory_space<vmem>>[vector<16xi32>, vector<16xi32>], vector<16xf32>,
        %gather3A_267 = tpu.vector_load_idx %arg6[%add3A_254, %add3A_247] : memref<64x128xf32, #tpu.memory_space<vmem>>[vector<16xi32>, vector<16xi32>], vector<16xf32>,
        %gather3A_268 = tpu.vector_load_idx %arg6[%add3A_254, %add3A_249] : memref<64x128xf32, #tpu.memory_space<vmem>>[vector<16xi32>, vector<16xi32>], vector<16xf32>,
        %gather3A_269 = tpu.vector_load_idx %arg6[%add3A_254, %add3A_251] : memref<64x128xf32, #tpu.memory_space<vmem>>[vector<16xi32>, vector<16xi32>], vector<16xf32>,
        tpu.vector_store_idx %arg8[%add3A_221, %add3A_254], %gather3A : memref<128x128xf32, #tpu.memory_space<vmem>>[vector<16xi32>, vector<16xi32>], vector<16xf32>,
        tpu.vector_store_idx %arg8[%add3A_223, %add3A_254], %gather3A_255 : memref<128x128xf32, #tpu.memory_space<vmem>>[vector<16xi32>, vector<16xi32>], vector<16xf32>,
        tpu.vector_store_idx %arg8[%add3A_225, %add3A_254], %gather3A_256 : memref<128x128xf32, #tpu.memory_space<vmem>>[vector<16xi32>, vector<16xi32>], vector<16xf32>,
        tpu.vector_store_idx %arg8[%add3A_227, %add3A_254], %gather3A_257 : memref<128x128xf32, #tpu.memory_space<vmem>>[vector<16xi32>, vector<16xi32>], vector<16xf32>,
        tpu.vector_store_idx %arg8[%add3A_229, %add3A_254], %gather3A_258 : memref<128x128xf32, #tpu.memory_space<vmem>>[vector<16xi32>, vector<16xi32>], vector<16xf32>,
        tpu.vector_store_idx %arg8[%add3A_231, %add3A_254], %gather3A_259 : memref<128x128xf32, #tpu.memory_space<vmem>>[vector<16xi32>, vector<16xi32>], vector<16xf32>,
        tpu.vector_store_idx %arg8[%add3A_233, %add3A_254], %gather3A_260 : memref<128x128xf32, #tpu.memory_space<vmem>>[vector<16xi32>, vector<16xi32>], vector<16xf32>,
        tpu.vector_store_idx %arg8[%add3A_235, %add3A_254], %gather3A_261 : memref<128x128xf32, #tpu.memory_space<vmem>>[vector<16xi32>, vector<16xi32>], vector<16xf32>,
        tpu.vector_store_idx %arg8[%add3A_237, %add3A_254], %gather3A_262 : memref<128x128xf32, #tpu.memory_space<vmem>>[vector<16xi32>, vector<16xi32>], vector<16xf32>,
        tpu.vector_store_idx %arg8[%add3A_239, %add3A_254], %gather3A_263 : memref<128x128xf32, #tpu.memory_space<vmem>>[vector<16xi32>, vector<16xi32>], vector<16xf32>,
        tpu.vector_store_idx %arg8[%add3A_241, %add3A_254], %gather3A_264 : memref<128x128xf32, #tpu.memory_space<vmem>>[vector<16xi32>, vector<16xi32>], vector<16xf32>,
        tpu.vector_store_idx %arg8[%add3A_243, %add3A_254], %gather3A_265 : memref<128x128xf32, #tpu.memory_space<vmem>>[vector<16xi32>, vector<16xi32>], vector<16xf32>,
        tpu.vector_store_idx %arg8[%add3A_245, %add3A_254], %gather3A_266 : memref<128x128xf32, #tpu.memory_space<vmem>>[vector<16xi32>, vector<16xi32>], vector<16xf32>,
        tpu.vector_store_idx %arg8[%add3A_247, %add3A_254], %gather3A_267 : memref<128x128xf32, #tpu.memory_space<vmem>>[vector<16xi32>, vector<16xi32>], vector<16xf32>,
        tpu.vector_store_idx %arg8[%add3A_249, %add3A_254], %gather3A_268 : memref<128x128xf32, #tpu.memory_space<vmem>>[vector<16xi32>, vector<16xi32>], vector<16xf32>,
        tpu.vector_store_idx %arg8[%add3A_251, %add3A_254], %gather3A_269 : memref<128x128xf32, #tpu.memory_space<vmem>>[vector<16xi32>, vector<16xi32>], vector<16xf32>,
        %add3A_270 = arith.constant 16 : i32
        %add3A_271 = vector.broadcast %add3A_270 : i32 to vector<16xi32>
        %add3A_272 = arith.addi %iota3A, %add3A_271 : vector<16xi32>
        %gather3A_273 = tpu.vector_load_idx %arg6[%add3A_272, %add3A_221] : memref<64x128xf32, #tpu.memory_space<vmem>>[vector<16xi32>, vector<16xi32>], vector<16xf32>,
        %gather3A_274 = tpu.vector_load_idx %arg6[%add3A_272, %add3A_223] : memref<64x128xf32, #tpu.memory_space<vmem>>[vector<16xi32>, vector<16xi32>], vector<16xf32>,
        %gather3A_275 = tpu.vector_load_idx %arg6[%add3A_272, %add3A_225] : memref<64x128xf32, #tpu.memory_space<vmem>>[vector<16xi32>, vector<16xi32>], vector<16xf32>,
        %gather3A_276 = tpu.vector_load_idx %arg6[%add3A_272, %add3A_227] : memref<64x128xf32, #tpu.memory_space<vmem>>[vector<16xi32>, vector<16xi32>], vector<16xf32>,
        %gather3A_277 = tpu.vector_load_idx %arg6[%add3A_272, %add3A_229] : memref<64x128xf32, #tpu.memory_space<vmem>>[vector<16xi32>, vector<16xi32>], vector<16xf32>,
        %gather3A_278 = tpu.vector_load_idx %arg6[%add3A_272, %add3A_231] : memref<64x128xf32, #tpu.memory_space<vmem>>[vector<16xi32>, vector<16xi32>], vector<16xf32>,
        %gather3A_279 = tpu.vector_load_idx %arg6[%add3A_272, %add3A_233] : memref<64x128xf32, #tpu.memory_space<vmem>>[vector<16xi32>, vector<16xi32>], vector<16xf32>,
        %gather3A_280 = tpu.vector_load_idx %arg6[%add3A_272, %add3A_235] : memref<64x128xf32, #tpu.memory_space<vmem>>[vector<16xi32>, vector<16xi32>], vector<16xf32>,
        %gather3A_281 = tpu.vector_load_idx %arg6[%add3A_272, %add3A_237] : memref<64x128xf32, #tpu.memory_space<vmem>>[vector<16xi32>, vector<16xi32>], vector<16xf32>,
        %gather3A_282 = tpu.vector_load_idx %arg6[%add3A_272, %add3A_239] : memref<64x128xf32, #tpu.memory_space<vmem>>[vector<16xi32>, vector<16xi32>], vector<16xf32>,
        %gather3A_283 = tpu.vector_load_idx %arg6[%add3A_272, %add3A_241] : memref<64x128xf32, #tpu.memory_space<vmem>>[vector<16xi32>, vector<16xi32>], vector<16xf32>,
        %gather3A_284 = tpu.vector_load_idx %arg6[%add3A_272, %add3A_243] : memref<64x128xf32, #tpu.memory_space<vmem>>[vector<16xi32>, vector<16xi32>], vector<16xf32>,
        %gather3A_285 = tpu.vector_load_idx %arg6[%add3A_272, %add3A_245] : memref<64x128xf32, #tpu.memory_space<vmem>>[vector<16xi32>, vector<16xi32>], vector<16xf32>,
        %gather3A_286 = tpu.vector_load_idx %arg6[%add3A_272, %add3A_247] : memref<64x128xf32, #tpu.memory_space<vmem>>[vector<16xi32>, vector<16xi32>], vector<16xf32>,
        %gather3A_287 = tpu.vector_load_idx %arg6[%add3A_272, %add3A_249] : memref<64x128xf32, #tpu.memory_space<vmem>>[vector<16xi32>, vector<16xi32>], vector<16xf32>,
        %gather3A_288 = tpu.vector_load_idx %arg6[%add3A_272, %add3A_251] : memref<64x128xf32, #tpu.memory_space<vmem>>[vector<16xi32>, vector<16xi32>], vector<16xf32>,
        tpu.vector_store_idx %arg8[%add3A_221, %add3A_272], %gather3A_273 : memref<128x128xf32, #tpu.memory_space<vmem>>[vector<16xi32>, vector<16xi32>], vector<16xf32>,
        tpu.vector_store_idx %arg8[%add3A_223, %add3A_272], %gather3A_274 : memref<128x128xf32, #tpu.memory_space<vmem>>[vector<16xi32>, vector<16xi32>], vector<16xf32>,
        tpu.vector_store_idx %arg8[%add3A_225, %add3A_272], %gather3A_275 : memref<128x128xf32, #tpu.memory_space<vmem>>[vector<16xi32>, vector<16xi32>], vector<16xf32>,
        tpu.vector_store_idx %arg8[%add3A_227, %add3A_272], %gather3A_276 : memref<128x128xf32, #tpu.memory_space<vmem>>[vector<16xi32>, vector<16xi32>], vector<16xf32>,
        tpu.vector_store_idx %arg8[%add3A_229, %add3A_272], %gather3A_277 : memref<128x128xf32, #tpu.memory_space<vmem>>[vector<16xi32>, vector<16xi32>], vector<16xf32>,
        tpu.vector_store_idx %arg8[%add3A_231, %add3A_272], %gather3A_278 : memref<128x128xf32, #tpu.memory_space<vmem>>[vector<16xi32>, vector<16xi32>], vector<16xf32>,
        tpu.vector_store_idx %arg8[%add3A_233, %add3A_272], %gather3A_279 : memref<128x128xf32, #tpu.memory_space<vmem>>[vector<16xi32>, vector<16xi32>], vector<16xf32>,
        tpu.vector_store_idx %arg8[%add3A_235, %add3A_272], %gather3A_280 : memref<128x128xf32, #tpu.memory_space<vmem>>[vector<16xi32>, vector<16xi32>], vector<16xf32>,
        tpu.vector_store_idx %arg8[%add3A_237, %add3A_272], %gather3A_281 : memref<128x128xf32, #tpu.memory_space<vmem>>[vector<16xi32>, vector<16xi32>], vector<16xf32>,
        tpu.vector_store_idx %arg8[%add3A_239, %add3A_272], %gather3A_282 : memref<128x128xf32, #tpu.memory_space<vmem>>[vector<16xi32>, vector<16xi32>], vector<16xf32>,
        tpu.vector_store_idx %arg8[%add3A_241, %add3A_272], %gather3A_283 : memref<128x128xf32, #tpu.memory_space<vmem>>[vector<16xi32>, vector<16xi32>], vector<16xf32>,
        tpu.vector_store_idx %arg8[%add3A_243, %add3A_272], %gather3A_284 : memref<128x128xf32, #tpu.memory_space<vmem>>[vector<16xi32>, vector<16xi32>], vector<16xf32>,
        tpu.vector_store_idx %arg8[%add3A_245, %add3A_272], %gather3A_285 : memref<128x128xf32, #tpu.memory_space<vmem>>[vector<16xi32>, vector<16xi32>], vector<16xf32>,
        tpu.vector_store_idx %arg8[%add3A_247, %add3A_272], %gather3A_286 : memref<128x128xf32, #tpu.memory_space<vmem>>[vector<16xi32>, vector<16xi32>], vector<16xf32>,
        tpu.vector_store_idx %arg8[%add3A_249, %add3A_272], %gather3A_287 : memref<128x128xf32, #tpu.memory_space<vmem>>[vector<16xi32>, vector<16xi32>], vector<16xf32>,
        tpu.vector_store_idx %arg8[%add3A_251, %add3A_272], %gather3A_288 : memref<128x128xf32, #tpu.memory_space<vmem>>[vector<16xi32>, vector<16xi32>], vector<16xf32>,
        %add3A_289 = arith.constant 32 : i32
        %add3A_290 = vector.broadcast %add3A_289 : i32 to vector<16xi32>
        %add3A_291 = arith.addi %iota3A, %add3A_290 : vector<16xi32>
        %gather3A_292 = tpu.vector_load_idx %arg6[%add3A_291, %add3A_221] : memref<64x128xf32, #tpu.memory_space<vmem>>[vector<16xi32>, vector<16xi32>], vector<16xf32>,
        %gather3A_293 = tpu.vector_load_idx %arg6[%add3A_291, %add3A_223] : memref<64x128xf32, #tpu.memory_space<vmem>>[vector<16xi32>, vector<16xi32>], vector<16xf32>,
        %gather3A_294 = tpu.vector_load_idx %arg6[%add3A_291, %add3A_225] : memref<64x128xf32, #tpu.memory_space<vmem>>[vector<16xi32>, vector<16xi32>], vector<16xf32>,
        %gather3A_295 = tpu.vector_load_idx %arg6[%add3A_291, %add3A_227] : memref<64x128xf32, #tpu.memory_space<vmem>>[vector<16xi32>, vector<16xi32>], vector<16xf32>,
        %gather3A_296 = tpu.vector_load_idx %arg6[%add3A_291, %add3A_229] : memref<64x128xf32, #tpu.memory_space<vmem>>[vector<16xi32>, vector<16xi32>], vector<16xf32>,
        %gather3A_297 = tpu.vector_load_idx %arg6[%add3A_291, %add3A_231] : memref<64x128xf32, #tpu.memory_space<vmem>>[vector<16xi32>, vector<16xi32>], vector<16xf32>,
        %gather3A_298 = tpu.vector_load_idx %arg6[%add3A_291, %add3A_233] : memref<64x128xf32, #tpu.memory_space<vmem>>[vector<16xi32>, vector<16xi32>], vector<16xf32>,
        %gather3A_299 = tpu.vector_load_idx %arg6[%add3A_291, %add3A_235] : memref<64x128xf32, #tpu.memory_space<vmem>>[vector<16xi32>, vector<16xi32>], vector<16xf32>,
        %gather3A_300 = tpu.vector_load_idx %arg6[%add3A_291, %add3A_237] : memref<64x128xf32, #tpu.memory_space<vmem>>[vector<16xi32>, vector<16xi32>], vector<16xf32>,
        %gather3A_301 = tpu.vector_load_idx %arg6[%add3A_291, %add3A_239] : memref<64x128xf32, #tpu.memory_space<vmem>>[vector<16xi32>, vector<16xi32>], vector<16xf32>,
        %gather3A_302 = tpu.vector_load_idx %arg6[%add3A_291, %add3A_241] : memref<64x128xf32, #tpu.memory_space<vmem>>[vector<16xi32>, vector<16xi32>], vector<16xf32>,
        %gather3A_303 = tpu.vector_load_idx %arg6[%add3A_291, %add3A_243] : memref<64x128xf32, #tpu.memory_space<vmem>>[vector<16xi32>, vector<16xi32>], vector<16xf32>,
        %gather3A_304 = tpu.vector_load_idx %arg6[%add3A_291, %add3A_245] : memref<64x128xf32, #tpu.memory_space<vmem>>[vector<16xi32>, vector<16xi32>], vector<16xf32>,
        %gather3A_305 = tpu.vector_load_idx %arg6[%add3A_291, %add3A_247] : memref<64x128xf32, #tpu.memory_space<vmem>>[vector<16xi32>, vector<16xi32>], vector<16xf32>,
        %gather3A_306 = tpu.vector_load_idx %arg6[%add3A_291, %add3A_249] : memref<64x128xf32, #tpu.memory_space<vmem>>[vector<16xi32>, vector<16xi32>], vector<16xf32>,
        %gather3A_307 = tpu.vector_load_idx %arg6[%add3A_291, %add3A_251] : memref<64x128xf32, #tpu.memory_space<vmem>>[vector<16xi32>, vector<16xi32>], vector<16xf32>,
        tpu.vector_store_idx %arg8[%add3A_221, %add3A_291], %gather3A_292 : memref<128x128xf32, #tpu.memory_space<vmem>>[vector<16xi32>, vector<16xi32>], vector<16xf32>,
        tpu.vector_store_idx %arg8[%add3A_223, %add3A_291], %gather3A_293 : memref<128x128xf32, #tpu.memory_space<vmem>>[vector<16xi32>, vector<16xi32>], vector<16xf32>,
        tpu.vector_store_idx %arg8[%add3A_225, %add3A_291], %gather3A_294 : memref<128x128xf32, #tpu.memory_space<vmem>>[vector<16xi32>, vector<16xi32>], vector<16xf32>,
        tpu.vector_store_idx %arg8[%add3A_227, %add3A_291], %gather3A_295 : memref<128x128xf32, #tpu.memory_space<vmem>>[vector<16xi32>, vector<16xi32>], vector<16xf32>,
        tpu.vector_store_idx %arg8[%add3A_229, %add3A_291], %gather3A_296 : memref<128x128xf32, #tpu.memory_space<vmem>>[vector<16xi32>, vector<16xi32>], vector<16xf32>,
        tpu.vector_store_idx %arg8[%add3A_231, %add3A_291], %gather3A_297 : memref<128x128xf32, #tpu.memory_space<vmem>>[vector<16xi32>, vector<16xi32>], vector<16xf32>,
        tpu.vector_store_idx %arg8[%add3A_233, %add3A_291], %gather3A_298 : memref<128x128xf32, #tpu.memory_space<vmem>>[vector<16xi32>, vector<16xi32>], vector<16xf32>,
        tpu.vector_store_idx %arg8[%add3A_235, %add3A_291], %gather3A_299 : memref<128x128xf32, #tpu.memory_space<vmem>>[vector<16xi32>, vector<16xi32>], vector<16xf32>,
        tpu.vector_store_idx %arg8[%add3A_237, %add3A_291], %gather3A_300 : memref<128x128xf32, #tpu.memory_space<vmem>>[vector<16xi32>, vector<16xi32>], vector<16xf32>,
        tpu.vector_store_idx %arg8[%add3A_239, %add3A_291], %gather3A_301 : memref<128x128xf32, #tpu.memory_space<vmem>>[vector<16xi32>, vector<16xi32>], vector<16xf32>,
        tpu.vector_store_idx %arg8[%add3A_241, %add3A_291], %gather3A_302 : memref<128x128xf32, #tpu.memory_space<vmem>>[vector<16xi32>, vector<16xi32>], vector<16xf32>,
        tpu.vector_store_idx %arg8[%add3A_243, %add3A_291], %gather3A_303 : memref<128x128xf32, #tpu.memory_space<vmem>>[vector<16xi32>, vector<16xi32>], vector<16xf32>,
        tpu.vector_store_idx %arg8[%add3A_245, %add3A_291], %gather3A_304 : memref<128x128xf32, #tpu.memory_space<vmem>>[vector<16xi32>, vector<16xi32>], vector<16xf32>,
        tpu.vector_store_idx %arg8[%add3A_247, %add3A_291], %gather3A_305 : memref<128x128xf32, #tpu.memory_space<vmem>>[vector<16xi32>, vector<16xi32>], vector<16xf32>,
        tpu.vector_store_idx %arg8[%add3A_249, %add3A_291], %gather3A_306 : memref<128x128xf32, #tpu.memory_space<vmem>>[vector<16xi32>, vector<16xi32>], vector<16xf32>,
        tpu.vector_store_idx %arg8[%add3A_251, %add3A_291], %gather3A_307 : memref<128x128xf32, #tpu.memory_space<vmem>>[vector<16xi32>, vector<16xi32>], vector<16xf32>,
        %add3A_308 = arith.constant 48 : i32
        %add3A_309 = vector.broadcast %add3A_308 : i32 to vector<16xi32>
        %add3A_310 = arith.addi %iota3A, %add3A_309 : vector<16xi32>
        %gather3A_311 = tpu.vector_load_idx %arg6[%add3A_310, %add3A_221] : memref<64x128xf32, #tpu.memory_space<vmem>>[vector<16xi32>, vector<16xi32>], vector<16xf32>,
        %gather3A_312 = tpu.vector_load_idx %arg6[%add3A_310, %add3A_223] : memref<64x128xf32, #tpu.memory_space<vmem>>[vector<16xi32>, vector<16xi32>], vector<16xf32>,
        %gather3A_313 = tpu.vector_load_idx %arg6[%add3A_310, %add3A_225] : memref<64x128xf32, #tpu.memory_space<vmem>>[vector<16xi32>, vector<16xi32>], vector<16xf32>,
        %gather3A_314 = tpu.vector_load_idx %arg6[%add3A_310, %add3A_227] : memref<64x128xf32, #tpu.memory_space<vmem>>[vector<16xi32>, vector<16xi32>], vector<16xf32>,
        %gather3A_315 = tpu.vector_load_idx %arg6[%add3A_310, %add3A_229] : memref<64x128xf32, #tpu.memory_space<vmem>>[vector<16xi32>, vector<16xi32>], vector<16xf32>,
        %gather3A_316 = tpu.vector_load_idx %arg6[%add3A_310, %add3A_231] : memref<64x128xf32, #tpu.memory_space<vmem>>[vector<16xi32>, vector<16xi32>], vector<16xf32>,
        %gather3A_317 = tpu.vector_load_idx %arg6[%add3A_310, %add3A_233] : memref<64x128xf32, #tpu.memory_space<vmem>>[vector<16xi32>, vector<16xi32>], vector<16xf32>,
        %gather3A_318 = tpu.vector_load_idx %arg6[%add3A_310, %add3A_235] : memref<64x128xf32, #tpu.memory_space<vmem>>[vector<16xi32>, vector<16xi32>], vector<16xf32>,
        %gather3A_319 = tpu.vector_load_idx %arg6[%add3A_310, %add3A_237] : memref<64x128xf32, #tpu.memory_space<vmem>>[vector<16xi32>, vector<16xi32>], vector<16xf32>,
        %gather3A_320 = tpu.vector_load_idx %arg6[%add3A_310, %add3A_239] : memref<64x128xf32, #tpu.memory_space<vmem>>[vector<16xi32>, vector<16xi32>], vector<16xf32>,
        %gather3A_321 = tpu.vector_load_idx %arg6[%add3A_310, %add3A_241] : memref<64x128xf32, #tpu.memory_space<vmem>>[vector<16xi32>, vector<16xi32>], vector<16xf32>,
        %gather3A_322 = tpu.vector_load_idx %arg6[%add3A_310, %add3A_243] : memref<64x128xf32, #tpu.memory_space<vmem>>[vector<16xi32>, vector<16xi32>], vector<16xf32>,
        %gather3A_323 = tpu.vector_load_idx %arg6[%add3A_310, %add3A_245] : memref<64x128xf32, #tpu.memory_space<vmem>>[vector<16xi32>, vector<16xi32>], vector<16xf32>,
        %gather3A_324 = tpu.vector_load_idx %arg6[%add3A_310, %add3A_247] : memref<64x128xf32, #tpu.memory_space<vmem>>[vector<16xi32>, vector<16xi32>], vector<16xf32>,
        %gather3A_325 = tpu.vector_load_idx %arg6[%add3A_310, %add3A_249] : memref<64x128xf32, #tpu.memory_space<vmem>>[vector<16xi32>, vector<16xi32>], vector<16xf32>,
        %gather3A_326 = tpu.vector_load_idx %arg6[%add3A_310, %add3A_251] : memref<64x128xf32, #tpu.memory_space<vmem>>[vector<16xi32>, vector<16xi32>], vector<16xf32>,
        tpu.vector_store_idx %arg8[%add3A_221, %add3A_310], %gather3A_311 : memref<128x128xf32, #tpu.memory_space<vmem>>[vector<16xi32>, vector<16xi32>], vector<16xf32>,
        tpu.vector_store_idx %arg8[%add3A_223, %add3A_310], %gather3A_312 : memref<128x128xf32, #tpu.memory_space<vmem>>[vector<16xi32>, vector<16xi32>], vector<16xf32>,
        tpu.vector_store_idx %arg8[%add3A_225, %add3A_310], %gather3A_313 : memref<128x128xf32, #tpu.memory_space<vmem>>[vector<16xi32>, vector<16xi32>], vector<16xf32>,
        tpu.vector_store_idx %arg8[%add3A_227, %add3A_310], %gather3A_314 : memref<128x128xf32, #tpu.memory_space<vmem>>[vector<16xi32>, vector<16xi32>], vector<16xf32>,
        tpu.vector_store_idx %arg8[%add3A_229, %add3A_310], %gather3A_315 : memref<128x128xf32, #tpu.memory_space<vmem>>[vector<16xi32>, vector<16xi32>], vector<16xf32>,
        tpu.vector_store_idx %arg8[%add3A_231, %add3A_310], %gather3A_316 : memref<128x128xf32, #tpu.memory_space<vmem>>[vector<16xi32>, vector<16xi32>], vector<16xf32>,
        tpu.vector_store_idx %arg8[%add3A_233, %add3A_310], %gather3A_317 : memref<128x128xf32, #tpu.memory_space<vmem>>[vector<16xi32>, vector<16xi32>], vector<16xf32>,
        tpu.vector_store_idx %arg8[%add3A_235, %add3A_310], %gather3A_318 : memref<128x128xf32, #tpu.memory_space<vmem>>[vector<16xi32>, vector<16xi32>], vector<16xf32>,
        tpu.vector_store_idx %arg8[%add3A_237, %add3A_310], %gather3A_319 : memref<128x128xf32, #tpu.memory_space<vmem>>[vector<16xi32>, vector<16xi32>], vector<16xf32>,
        tpu.vector_store_idx %arg8[%add3A_239, %add3A_310], %gather3A_320 : memref<128x128xf32, #tpu.memory_space<vmem>>[vector<16xi32>, vector<16xi32>], vector<16xf32>,
        tpu.vector_store_idx %arg8[%add3A_241, %add3A_310], %gather3A_321 : memref<128x128xf32, #tpu.memory_space<vmem>>[vector<16xi32>, vector<16xi32>], vector<16xf32>,
        tpu.vector_store_idx %arg8[%add3A_243, %add3A_310], %gather3A_322 : memref<128x128xf32, #tpu.memory_space<vmem>>[vector<16xi32>, vector<16xi32>], vector<16xf32>,
        tpu.vector_store_idx %arg8[%add3A_245, %add3A_310], %gather3A_323 : memref<128x128xf32, #tpu.memory_space<vmem>>[vector<16xi32>, vector<16xi32>], vector<16xf32>,
        tpu.vector_store_idx %arg8[%add3A_247, %add3A_310], %gather3A_324 : memref<128x128xf32, #tpu.memory_space<vmem>>[vector<16xi32>, vector<16xi32>], vector<16xf32>,
        tpu.vector_store_idx %arg8[%add3A_249, %add3A_310], %gather3A_325 : memref<128x128xf32, #tpu.memory_space<vmem>>[vector<16xi32>, vector<16xi32>], vector<16xf32>,
        tpu.vector_store_idx %arg8[%add3A_251, %add3A_310], %gather3A_326 : memref<128x128xf32, #tpu.memory_space<vmem>>[vector<16xi32>, vector<16xi32>], vector<16xf32>,
      }
      %scan3A_205 = arith.constant 8 : i32
      %mul3A_206 = arith.constant 32 : i32
      %mul3A_207 = arith.muli %mul3A_206, %add3A_176 : i32
      %add3A_208 = arith.addi %add3A, %mul3A_207 : i32
      %mul3A_209 = arith.constant 128 : i32
      %mul3A_210 = arith.muli %add3A_208, %mul3A_209 : i32
      %min3A_211 = arith.constant 999808 : i32
      %min3A_212 = arith.minsi %mul3A_210, %min3A_211 : i32
      %dma_start3A_213 = arith.constant 0 : i32
      %dma_start3A_214 = tpu.memref_slice %arg4[%min3A_212, %dma_start3A_213] : memref<1000000x128xf32, #tpu.memory_space<hbm>> -> memref<128x128xf32, #tpu.memory_space<hbm>>
      %dma_start3A_215 = arith.constant 0 : i32
      %dma_start3A_216 = tpu.memref_slice %arg4[%min3A_212, %dma_start3A_215] : memref<1000000x128xf32, #tpu.memory_space<hbm>> -> memref<128x128xf32, #tpu.memory_space<hbm>>
      tpu.enqueue_dma source(%arg8 : memref<128x128xf32, #tpu.memory_space<vmem>>) target(%dma_start3A_216 : memref<128x128xf32, #tpu.memory_space<hbm>>) target_semaphore(%arg13 : memref<!tpu.dma_semaphore, #tpu.memory_space<semaphore_mem>>)
    }
    %scan3A_108 = arith.constant 123 : i32
    %add3A_109 = arith.constant 7808 : i32
    %add3A_110 = arith.addi %add3A, %add3A_109 : i32
    %mul3A_111 = arith.constant 128 : i32
    %mul3A_112 = arith.muli %add3A_110, %mul3A_111 : i32
    %min3A_113 = arith.constant 999808 : i32
    %min3A_114 = arith.minsi %mul3A_112, %min3A_113 : i32
    %dma_wait3A = arith.constant 0 : i32
    %dma_wait3A_115 = tpu.memref_slice %arg4[%min3A_114, %dma_wait3A] : memref<1000000x128xf32, #tpu.memory_space<hbm>> -> memref<128x128xf32, #tpu.memory_space<hbm>>
    %dma_wait3A_116 = arith.constant 0 : i32
    %dma_wait3A_117 = tpu.memref_slice %arg4[%min3A_114, %dma_wait3A_116] : memref<1000000x128xf32, #tpu.memory_space<hbm>> -> memref<128x128xf32, #tpu.memory_space<hbm>>
    tpu.wait_dma2 semaphore(%arg12 : memref<!tpu.dma_semaphore, #tpu.memory_space<semaphore_mem>>) src(%arg7 : memref<128x128xf32, #tpu.memory_space<vmem>>) dst(%dma_wait3A_117 : memref<128x128xf32, #tpu.memory_space<hbm>>)
    %add3A_118 = arith.constant 7840 : i32
    %add3A_119 = arith.addi %add3A, %add3A_118 : i32
    %mul3A_120 = arith.constant 128 : i32
    %mul3A_121 = arith.muli %add3A_119, %mul3A_120 : i32
    %min3A_122 = arith.constant 999808 : i32
    %min3A_123 = arith.minsi %mul3A_121, %min3A_122 : i32
    %dma_wait3A_124 = arith.constant 0 : i32
    %dma_wait3A_125 = tpu.memref_slice %arg4[%min3A_123, %dma_wait3A_124] : memref<1000000x128xf32, #tpu.memory_space<hbm>> -> memref<128x128xf32, #tpu.memory_space<hbm>>
    %dma_wait3A_126 = arith.constant 0 : i32
    %dma_wait3A_127 = tpu.memref_slice %arg4[%min3A_123, %dma_wait3A_126] : memref<1000000x128xf32, #tpu.memory_space<hbm>> -> memref<128x128xf32, #tpu.memory_space<hbm>>
    tpu.wait_dma2 semaphore(%arg13 : memref<!tpu.dma_semaphore, #tpu.memory_space<semaphore_mem>>) src(%arg8 : memref<128x128xf32, #tpu.memory_space<vmem>>) dst(%dma_wait3A_127 : memref<128x128xf32, #tpu.memory_space<hbm>>)
    %eq3A = arith.constant 0 : i32
    %eq3A_128 = arith.cmpi eq, %add3A, %eq3A : i32
    %convert_element_type3A = arith.extui %eq3A_128 : i1 to i32
    %cond3A = arith.constant 0 : i32
    %cond3A_129 = arith.cmpi ne, %convert_element_type3A, %cond3A : i32
    scf.if %cond3A_129 {
      "tpu.region"() ({
        %run_scoped3A = tpu.sem_alloc : memref<!tpu.dma_semaphore, #tpu.memory_space<semaphore_mem>>
        tpu.enqueue_dma source(%arg3 : memref<64x64xf32, #tpu.memory_space<hbm>>) target(%arg9 : memref<64x64xf32, #tpu.memory_space<vmem>>) target_semaphore(%run_scoped3A : memref<!tpu.dma_semaphore, #tpu.memory_space<semaphore_mem>>)
        tpu.wait_dma2 semaphore(%run_scoped3A : memref<!tpu.dma_semaphore, #tpu.memory_space<semaphore_mem>>) src(%arg3 : memref<64x64xf32, #tpu.memory_space<hbm>>) dst(%arg9 : memref<64x64xf32, #tpu.memory_space<vmem>>)
        tpu.yield
      }) : () -> ()
      %scan3A_130 = arith.constant 0 : i32
      %scan3A_131 = arith.constant 0 : i32
      %scan3A_132 = arith.constant 64 : i32
      %scan3A_133 = arith.addi %scan3A_131, %scan3A_132 : i32
      %scan3A_134 = arith.constant 1 : i32
      scf.for %scan3A_136 = %scan3A_131 to %scan3A_133 step %scan3A_134  : i32 {
        %get3A = arith.index_cast %scan3A_136 : i32 to index
        %get3A_137 = arith.constant 0 : index
        %get3A_138 = tpu.vector_load %arg9[%get3A, %get3A_137] {strides = array<i32>} : memref<64x64xf32, #tpu.memory_space<vmem>>, vector<16xf32>,
        %swap3A = arith.index_cast %scan3A_136 : i32 to index
        %swap3A_139 = arith.constant 0 : index
        %swap3A_140 = tpu.vector_load %arg7[%swap3A, %swap3A_139] {strides = array<i32>} : memref<128x128xf32, #tpu.memory_space<vmem>>, vector<16xf32>,
        tpu.vector_store %arg7[%swap3A, %swap3A_139], %get3A_138 {strides = array<i32>} : memref<128x128xf32, #tpu.memory_space<vmem>>, vector<16xf32>,
        %get3A_141 = arith.index_cast %scan3A_136 : i32 to index
        %get3A_142 = arith.constant 16 : index
        %get3A_143 = tpu.vector_load %arg9[%get3A_141, %get3A_142] {strides = array<i32>} : memref<64x64xf32, #tpu.memory_space<vmem>>, vector<16xf32>,
        %swap3A_144 = arith.index_cast %scan3A_136 : i32 to index
        %swap3A_145 = arith.constant 16 : index
        %swap3A_146 = tpu.vector_load %arg7[%swap3A_144, %swap3A_145] {strides = array<i32>} : memref<128x128xf32, #tpu.memory_space<vmem>>, vector<16xf32>,
        tpu.vector_store %arg7[%swap3A_144, %swap3A_145], %get3A_143 {strides = array<i32>} : memref<128x128xf32, #tpu.memory_space<vmem>>, vector<16xf32>,
        %get3A_147 = arith.index_cast %scan3A_136 : i32 to index
        %get3A_148 = arith.constant 32 : index
        %get3A_149 = tpu.vector_load %arg9[%get3A_147, %get3A_148] {strides = array<i32>} : memref<64x64xf32, #tpu.memory_space<vmem>>, vector<16xf32>,
        %swap3A_150 = arith.index_cast %scan3A_136 : i32 to index
        %swap3A_151 = arith.constant 32 : index
        %swap3A_152 = tpu.vector_load %arg7[%swap3A_150, %swap3A_151] {strides = array<i32>} : memref<128x128xf32, #tpu.memory_space<vmem>>, vector<16xf32>,
        tpu.vector_store %arg7[%swap3A_150, %swap3A_151], %get3A_149 {strides = array<i32>} : memref<128x128xf32, #tpu.memory_space<vmem>>, vector<16xf32>,
        %get3A_153 = arith.index_cast %scan3A_136 : i32 to index
        %get3A_154 = arith.constant 48 : index
        %get3A_155 = tpu.vector_load %arg9[%get3A_153, %get3A_154] {strides = array<i32>} : memref<64x64xf32, #tpu.memory_space<vmem>>, vector<16xf32>,
        %swap3A_156 = arith.index_cast %scan3A_136 : i32 to index
        %swap3A_157 = arith.constant 48 : index
        %swap3A_158 = tpu.vector_load %arg7[%swap3A_156, %swap3A_157] {strides = array<i32>} : memref<128x128xf32, #tpu.memory_space<vmem>>, vector<16xf32>,
        tpu.vector_store %arg7[%swap3A_156, %swap3A_157], %get3A_155 {strides = array<i32>} : memref<128x128xf32, #tpu.memory_space<vmem>>, vector<16xf32>,
      }
      %scan3A_135 = arith.constant 64 : i32
      "tpu.region"() ({
        %run_scoped3A = tpu.sem_alloc : memref<!tpu.dma_semaphore, #tpu.memory_space<semaphore_mem>>
        %dma_start3A_136 = arith.constant 0 : i32
        %dma_start3A_137 = arith.constant 0 : i32
        %dma_start3A_138 = tpu.memref_slice %arg7[%dma_start3A_136, %dma_start3A_137] : memref<128x128xf32, #tpu.memory_space<vmem>> -> memref<64x128xf32, #tpu.memory_space<vmem>>
        %dma_start3A_139 = arith.constant 999936 : i32
        %dma_start3A_140 = arith.constant 0 : i32
        %dma_start3A_141 = tpu.memref_slice %arg4[%dma_start3A_139, %dma_start3A_140] : memref<1000000x128xf32, #tpu.memory_space<hbm>> -> memref<64x128xf32, #tpu.memory_space<hbm>>
        %dma_start3A_142 = arith.constant 999936 : i32
        %dma_start3A_143 = arith.constant 0 : i32
        %dma_start3A_144 = tpu.memref_slice %arg4[%dma_start3A_142, %dma_start3A_143] : memref<1000000x128xf32, #tpu.memory_space<hbm>> -> memref<64x128xf32, #tpu.memory_space<hbm>>
        %dma_start3A_145 = arith.constant 0 : i32
        %dma_start3A_146 = arith.constant 0 : i32
        %dma_start3A_147 = tpu.memref_slice %arg7[%dma_start3A_145, %dma_start3A_146] : memref<128x128xf32, #tpu.memory_space<vmem>> -> memref<64x128xf32, #tpu.memory_space<vmem>>
        tpu.enqueue_dma source(%dma_start3A_147 : memref<64x128xf32, #tpu.memory_space<vmem>>) target(%dma_start3A_144 : memref<64x128xf32, #tpu.memory_space<hbm>>) target_semaphore(%run_scoped3A : memref<!tpu.dma_semaphore, #tpu.memory_space<semaphore_mem>>)
        %dma_wait3A_148 = arith.constant 0 : i32
        %dma_wait3A_149 = arith.constant 0 : i32
        %dma_wait3A_150 = tpu.memref_slice %arg7[%dma_wait3A_148, %dma_wait3A_149] : memref<128x128xf32, #tpu.memory_space<vmem>> -> memref<64x128xf32, #tpu.memory_space<vmem>>
        %dma_wait3A_151 = arith.constant 999936 : i32
        %dma_wait3A_152 = arith.constant 0 : i32
        %dma_wait3A_153 = tpu.memref_slice %arg4[%dma_wait3A_151, %dma_wait3A_152] : memref<1000000x128xf32, #tpu.memory_space<hbm>> -> memref<64x128xf32, #tpu.memory_space<hbm>>
        %dma_wait3A_154 = arith.constant 999936 : i32
        %dma_wait3A_155 = arith.constant 0 : i32
        %dma_wait3A_156 = tpu.memref_slice %arg4[%dma_wait3A_154, %dma_wait3A_155] : memref<1000000x128xf32, #tpu.memory_space<hbm>> -> memref<64x128xf32, #tpu.memory_space<hbm>>
        %dma_wait3A_157 = arith.constant 0 : i32
        %dma_wait3A_158 = arith.constant 0 : i32
        %dma_wait3A_159 = tpu.memref_slice %arg7[%dma_wait3A_157, %dma_wait3A_158] : memref<128x128xf32, #tpu.memory_space<vmem>> -> memref<64x128xf32, #tpu.memory_space<vmem>>
        tpu.wait_dma2 semaphore(%run_scoped3A : memref<!tpu.dma_semaphore, #tpu.memory_space<semaphore_mem>>) src(%dma_wait3A_159 : memref<64x128xf32, #tpu.memory_space<vmem>>) dst(%dma_wait3A_156 : memref<64x128xf32, #tpu.memory_space<hbm>>)
        tpu.yield
      }) : () -> ()
    } else {
    }
    return
  }
}

</mosaic_0001>

<sc_bundles>
// kernel: _relayout.3.cloned.1.call-start
scs
__scs_entry_jumppad:
0x0: {  	(pc) =	sbr.rel $0x88, $3  }
0x1: {  	(tag) =	ssettag $0x0;
	lr =	simm.s32 $0x1  }
0x2: {  	[smem:$0x3F9F] =	sst lr;
	_ =	strace $0xD0000000  }
0x3: {  	_ = 	snop  }
0x4: {  	_ = 	snop  }
0x5: {  	_ = 	snop  }
0x6: {  	_ = 	snop  }
0x7: {  	_ = 	snop  }
__scs_overlays_trampoline_lowered:
0x8: {  	[smem:$0x3FAE] =	sst s0  }
0x9: {  	[smem:$0x3FAF] =	sst s1  }
0xa: {  	[smem:$0x3FB0] =	sst s2  }
0xb: {  	[smem:$0x3FB1] =	sst s3  }
0xc: {  	[smem:$0x3FB2] =	sst s4  }
0xd: {  	[smem:$0x3FB3] =	sst s5  }
0xe: {  	[smem:$0x3FB4] =	sst s6  }
0xf: {  	[smem:$0x3FB5] =	sst s7  }
0x10: {  	[smem:$0x3FB6] =	sst s8  }
0x11: {  	[smem:$0x3FB7] =	sst s9;
	s0 =	simm.s32 @!p0 $0x0  }
0x12: {  	s1 =	sld [smem:$0x3F9D];
	s0 =	simm.s32 @p0 $0x1  }
0x13: {  	[smem:$0x3FB8] =	sst s0;
	s0 =	simm.s32 @!p1 $0x0  }
0x14: {  	s2 =	sld [smem:$0x3F9C];
	s0 =	simm.s32 @p1 $0x1  }
0x15: {  	[smem:$0x3FB9] =	sst s0;
	s0 =	simm.s32 @!p2 $0x0  }
0x16: {  	s3 =	sld [smem:$0x3FDB];
	s0 =	simm.s32 @p2 $0x1  }
0x17: {  	s4 =	simm.s32 $0x1BF5;
	[smem:$0x3FBB] =	sst s0  }
0x18: {  	s0 =	sld [smem:$0x3F9E];
	_ =	swait.ge [sflag:s4], $0x0  }
0x19: {  	s7 =	sld [smem:$0x3F9F]  }
0x1a: {  	s8 =	sadd.s32 $0xFFFFE003, lr  }
0x1b: {  	s9 =	sadd.s32 $0xFFFFFEF7, lr;
	s5 =	simm.s32 $0xFFFFFFFF;
	p2 =	slt.u32 s8, $0xFFFFF086  }
0x1c: {  	p1 =	slt.u32 s9, $0xF7A;
	s5 =	simm.s32 @!p2 $0x0  }
0x1d: {  	s5 =	simm.s32 @p1 $0x1;
	p0 =	seq.s32 s7, s2  }
0x1e: {  	s7 =	smul.u32 @!p0 $0xF7A, s2;
	p2 =	seq.s32 @!p0 s5, $0x0  }
0x1f: {  	s9 =	smul.u32 $0xF7A, s1;
	s8 =	simm.s32 @!p0 $0x1BF5;
	p2 =	por !p2, p0  }
0x20: {  	[sflag:s8] =	ssyncset.s32 @!p0 $0xFFFFF086;
	s6 =	sadd.s32 @!p0 s3, s7;
	s7 =	simm.s32 @!p0 $0x108  }
0x21: {  	s3 =	sadd.s32 s3, s9;
	s6 =	sadd.s32 @!p0 $0x88, s6;
	s7 =	simm.s32 @p2 $0x1082  }
0x22: {  	[simem:s7], [sflag:s8] =	dma.local @!p0 [hbm:s6], $0xF7A  }
0x23: {  	s9 =	sor.u32 $0xD0000000, s2;
	s6 =	simm.s32 $0x108;
	_ =	swait.ge @!p0 [sflag:s8], $0x0  }
0x24: {  	s3 =	sadd.s32 $0x88, s3;
	s6 =	simm.s32 @!p1 $0x1082;
	[sflag:s4] =	ssyncset.s32 $0xFFFFF086  }
0x25: {  	[simem:s6], [sflag:s4] =	dma.local [hbm:s3], $0xF7A  }
0x26: {  	[smem:$0x3F9F] =	sst s1;
	(tag) =	ssettag s2;
	_ =	strace s9  }
0x27: {  	s1 =	sld [smem:$0x3FAF]  }
0x28: {  	s2 =	sld [smem:$0x3FB0]  }
0x29: {  	s4 =	sld [smem:$0x3FB2]  }
0x2a: {  	p0 =	seq.s32 s5, $0x0;
	s5 =	sld [smem:$0x3FB3]  }
0x2b: {  	s6 =	sld [smem:$0x3FB4]  }
0x2c: {  	s7 =	sld [smem:$0x3FB5]  }
0x2d: {  	s3 =	simm.s32 $0x108;
	s8 =	sld [smem:$0x3FB6]  }
0x2e: {  	s3 =	simm.s32 @!p0 $0x1082;
	s9 =	sld [smem:$0x3FB7]  }
0x2f: {  	lr =	sadd.s32 s0, s3;
	s0 =	sld [smem:$0x3FAE]  }
0x30: {  	s3 =	sld [smem:$0x3FB1]  }
0x31: {  	[smem:$0x3FBA] =	sst s10  }
0x32: {  	s10 =	sld [smem:$0x3FB8];
	_ =	sdelay $0x3  }
0x33: {  	p0 =	seq.s32 s10, $0x1;
	s10 =	sld [smem:$0x3FBA];
	_ =	sdelay $0x3  }
0x34: {  	[smem:$0x3FBA] =	sst s10  }
0x35: {  	s10 =	sld [smem:$0x3FB9];
	_ =	sdelay $0x3  }
0x36: {  	p1 =	seq.s32 s10, $0x1;
	s10 =	sld [smem:$0x3FBA];
	_ =	sdelay $0x3  }
0x37: {  	[smem:$0x3FBA] =	sst s10  }
0x38: {  	s10 =	sld [smem:$0x3FBB]  }
0x39: {  	_ = 	snop;
	(pc) =	sbr.ind lr, $3  }
0x3a: {  	_ = 	snop  }
0x3b: {  	_ = 	snop  }
0x3c: {  	p2 =	seq.s32 s10, $0x1;
	s10 =	sld [smem:$0x3FBA]  }
0x3d: {  	_ =	shalt  }
0x3e: {  	_ =	shalt  }
0x3f: {  	_ =	shalt  }
0x40: {  	_ =	shalt  }
0x41: {  	_ =	shalt  }
0x42: {  	_ =	shalt  }
0x43: {  	_ =	shalt  }
0x44: {  	_ =	shalt  }
0x45: {  	_ =	shalt  }
0x46: {  	_ =	shalt  }
0x47: {  	_ =	shalt  }
0x48: {  	_ =	shalt  }
0x49: {  	_ =	shalt  }
0x4a: {  	_ =	shalt  }
0x4b: {  	_ =	shalt  }
0x4c: {  	_ =	shalt  }
0x4d: {  	_ =	shalt  }
0x4e: {  	_ =	shalt  }
0x4f: {  	_ =	shalt  }
0x50: {  	_ =	shalt  }
0x51: {  	_ =	shalt  }
0x52: {  	_ =	shalt  }
0x53: {  	_ =	shalt  }
0x54: {  	_ =	shalt  }
0x55: {  	_ =	shalt  }
0x56: {  	_ =	shalt  }
0x57: {  	_ =	shalt  }
0x58: {  	_ =	shalt  }
0x59: {  	_ =	shalt  }
0x5a: {  	_ =	shalt  }
0x5b: {  	_ =	shalt  }
0x5c: {  	_ =	shalt  }
0x5d: {  	_ =	shalt  }
0x5e: {  	_ =	shalt  }
0x5f: {  	_ =	shalt  }
0x60: {  	_ =	shalt  }
0x61: {  	_ =	shalt  }
0x62: {  	_ =	shalt  }
0x63: {  	_ =	shalt  }
0x64: {  	_ =	shalt  }
0x65: {  	_ =	shalt  }
0x66: {  	_ =	shalt  }
0x67: {  	_ =	shalt  }
0x68: {  	_ =	shalt  }
0x69: {  	_ =	shalt  }
0x6a: {  	_ =	shalt  }
0x6b: {  	_ =	shalt  }
0x6c: {  	_ =	shalt  }
0x6d: {  	_ =	shalt  }
0x6e: {  	_ =	shalt  }
0x6f: {  	_ =	shalt  }
0x70: {  	_ =	shalt  }
0x71: {  	_ =	shalt  }
0x72: {  	_ =	shalt  }
0x73: {  	_ =	shalt  }
0x74: {  	_ =	shalt  }
0x75: {  	_ =	shalt  }
0x76: {  	_ =	shalt  }
0x77: {  	_ =	shalt  }
0x78: {  	_ =	shalt  }
0x79: {  	_ =	shalt  }
0x7a: {  	_ =	shalt  }
0x7b: {  	_ =	shalt  }
0x7c: {  	_ =	shalt  }
0x7d: {  	_ =	shalt  }
0x7e: {  	_ =	shalt  }
0x7f: {  	_ =	shalt  }
0x80: {  	_ =	shalt  }
0x81: {  	_ =	shalt  }
0x82: {  	_ =	shalt  }
0x83: {  	_ =	shalt  }
0x84: {  	_ =	shalt  }
0x85: {  	_ =	shalt  }
0x86: {  	_ =	shalt  }
0x87: {  	_ =	shalt  }
.Lfunc_end0:
.L_simem_size_0:
called_computation_lowered:
.L_overlay_start_0:
0x88: {  	s2 =	sld [smem:$0x3FD9]  }
0x89: {  	s3 =	sld [smem:$0x3FFE];
	_ =	sdelay $0x1  }
0x8a: {  	s1 =	srdreg.scid  }
0x8b: {  	s0 =	sand.u32 $0x1, s1  }
0x8c: {  	s18 =	sshll.u32 s0, $0xA;
	s2 =	sadd.s32 s3, s2  }
0x8d: {  	s2 =	sadd.s32 s2, s18  }
0x8e: {  	[smem:$0x3FC6] =	sst s2  }
0x8f: {  	_ = 	snop  }
0x90: {  	s2 =	sld [smem:$0x3FC9]  }
0x91: {  	s19 =	sld [smem:$0x3FC8]  }
0x92: {  	s4 =	sld [smem:$0x3FD0];
	(tm) =	ssettm $0x1  }
0x93: {  	s5 =	sld [smem:$0x3FFB];
	_ =	sdelay $0x3  }
0x94: {  	_ =	strace s5  }
0x95: {  	s5 =	sld [smem:$0x3FFC];
	_ =	sdelay $0x3  }
0x96: {  	_ =	strace s5  }
0x97: {  	s5 =	sld [smem:$0x3FFD];
	_ =	sdelay $0x3  }
0x98: {  	_ =	strace s5  }
0x99: {  	_ =	strace $0x8FFFFFFF  }
0x9a: {  	s20 =	sld [smem:$0x3FDB];
	_ =	sdelay $0x1  }
0x9b: {  	s6 =	simm.s32 $_scs_section_size  }
0x9c: {  	s7 =	simm.s32 $_size__tile_overlayer_lowered;
	s8 =	simm.s32 $_tile_overlayer_lowered  }
0x9d: {  	s23 =	simm.s32 $0x1BFF;
	s22 =	sshll.u32 s8, $0x1;
	s5 =	sadd.s32 s6, s20  }
0x9e: {  	s9 =	simm.s32 $0x0;
	s21 =	sshll.u32 s7, $0x1;
	s7 =	sadd.s32 s22, s5  }
0x9f: {  	[timem:s9], [sflag:s23] =	dma.local [hbm:s7], s21  }
0xa0: {  	_ =	swait.ge [sflag:s23], s21  }
0xa1: {  	s6 =	ssub.s32 $0x0, s21;
	[sflag:s23] =	ssyncset.done $0x0  }
0xa2: {  	[sflag:s23] =	ssyncadd.s32 s6;
	_ =	sdelay $0x1  }
0xa3: {  	s24 =	simm.s32 $0x1B8B  }
0xa4: {  	_ =	swait.ge [sflag:s24], $0x1  }
0xa5: {  	[sflag:s24] =	ssyncset.done $0x0  }
0xa6: {  	s25 =	simm.s32 $0x1B8E;
	[sflag:s24] =	ssyncadd.s32 $0xFFFFFFFF  }
0xa7: {  	s26 =	simm.s32 $execute0_lowered;
	[smem:$0x3FD2] =	sst s25  }
0xa8: {  	s6 =	sshll.u32 s26, $0x1;
	_ =	strace $0x80000046;
	[dreg:$0x1] =	wrdreg $0xFFFFFFFF  }
0xa9: {  	s28 =	simm.s32 $_size_execute0_lowered;
	s5 =	sadd.s32 s5, s6;
	[dreg:$0x0] =	wrdreg $0x0  }
0xaa: {  	s6 =	sshll.u32 s28, $0x1;
	[dreg:$0x2] =	wrdreg s5  }
0xab: {  	[dreg:$0x3] =	wrdreg s6  }
0xac: {  	[dreg:$0x4] =	wrdreg $0xC0  }
0xad: {  	_ =	task [dreg:s9], $0x5FFFF  }
0xae: {  	[dreg:$0x1] =	wrdreg $0xFFFFFFFF  }
0xaf: {  	[dreg:$0x0] =	wrdreg $0x60  }
0xb0: {  	[dreg:$0x2] =	wrdreg s2  }
0xb1: {  	[dreg:$0x3] =	wrdreg s19  }
0xb2: {  	[dreg:$0x4] =	wrdreg s4  }
0xb3: {  	[dreg:$0x5] =	wrdreg $0x9  }
0xb4: {  	_ =	task.clear_ibuf [dreg:s9], $0x6FFFF;
	_ =	strace $0x90000046  }
0xb5: {  	s29 =	simm.s32 $0x9;
	_ =	strace $0x80000048  }
0xb6: {  	_ =	swait.ge [sflag:s29], $0x1  }
0xb7: {  	[sflag:s29] =	ssyncadd.s32 $0xFFFFFFFF  }
0xb8: {  	_ =	strace $0x90000048  }
0xb9: {  	_ =	sfence  }
0xba: {  	s30 =	sld [smem:$0x0];
	_ =	sdelay $0x2  }
0xbb: {  	s31 =	sshll.u32 s1, $0xD;
	s1 =	sshrl.u32 s1, $0x2  }
0xbc: {  	s3 =	sand.u32 $0x4000, s31;
	s1 =	sadd.s32 s1, s30  }
0xbd: {  	s0 =	sor.u32 s3, s0;
	s1 =	sshll.u32 s1, $0x11  }
0xbe: {  	s0 =	sor.u32 s1, s0  }
0xbf: {  	s0 =	sadd.s32 $0x8F2B, s0  }
0xc0: {  	[sflag:s0] =	ssyncadd.remote.s32 $0x1  }
0xc1: {  	_ =	sfence.sel $0xFFFF  }
0xc2: {  	[dreg:$0x0] =	wrdreg $0xFFFFFFFF;
	(pc) =	sbr.abs _section_cstart, $3  }
0xc3: {  	[dreg:$0x1] =	wrdreg $0xFFFFFFFF  }
0xc4: {  	_ =	task.clear_ibuf [dreg:s9], $0x2FFFF;
	_ =	strace $0x9FFFFFFF  }
0xc5: {  	(tm) =	ssettm $0x7FFFFFFF  }
tec
execute0_lowered:
.L_overlay_start_1:
0x0: {  	(tag) =	ssettag $0x1  }
0x1: {  	vm13 =	vcmask $0x300;
	v0 =	vimm.s32 $0x780;
	vm14 =	vcmask $0x704  }
0x2: {  	vm12 =	vcmask $0xB08;
	vm11 =	vcmask $0xF0C;
	vm10 =	vcmask $0x1310  }
0x3: {  	vm9 =	vcmask $0x1714;
	vm8 =	vcmask $0x1B18;
	vm7 =	vcmask $0x1F1C  }
0x4: {  	vm4 =	vcmask $0x2320;
	v1 =	vimm.s32 $0x781;
	v2 =	vimm.s32 $0x782  }
0x5: {  	vm0 =	vcmask $0x2724;
	vm1 =	vcmask $0x2B28;
	vm2 =	vcmask $0x2F2C  }
0x6: {  	vm3 =	vcmask $0x3330;
	vm5 =	vcmask $0x3734;
	vm6 =	vcmask $0x3B38  }
0x7: {  	v60 =	vimm.s32 $0x783;
	v62 =	vimm.s32 $0x784;
	v63 =	vimm.s32 $0x785  }
0x8: {  	v23 =	vimm.s32 $0x786;
	v31 =	vimm.s32 $0x787;
	v32 =	vimm.s32 $0x788  }
0x9: {  	v35 =	vimm.s32 $0x789;
	v37 =	vimm.s32 $0x78A;
	v38 =	vimm.s32 $0x78B  }
0xa: {  	v41 =	vimm.s32 $0x78C;
	v44 =	vimm.s32 $0x78D;
	v45 =	vimm.s32 $0x78E  }
0xb: {  	v48 =	vimm.s32 $0x700;
	v51 =	vimm.s32 $0x680;
	v52 =	vimm.s32 $0x600  }
0xc: {  	v4 =	vimm.s32 $0x1F88;
	v5 =	vimm.s32 $0x1F89;
	v6 =	vimm.s32 $0x1F8A  }
0xd: {  	v7 =	vimm.s32 $0x1F8B;
	v0 =	vsel vm13, $0x1, v0;
	v1 =	vsel vm13, $0x2, v1  }
0xe: {  	v2 =	vsel vm13, $0x3, v2;
	v4 =	vsel vm13, $0x1809, v4;
	v5 =	vsel vm13, $0x180A, v5  }
0xf: {  	v6 =	vsel vm13, $0x180B, v6;
	v7 =	vsel vm13, $0x180C, v7;
	v0 =	vsel vm14, $0x82, v0  }
0x10: {  	v1 =	vsel vm14, $0x83, v1;
	v2 =	vsel vm14, $0x84, v2;
	v4 =	vsel vm14, $0x188A, v4  }
0x11: {  	v5 =	vsel vm14, $0x188B, v5;
	v6 =	vsel vm14, $0x188C, v6;
	v7 =	vsel vm14, $0x188D, v7  }
0x12: {  	v0 =	vsel vm12, $0x103, v0;
	v1 =	vsel vm12, $0x104, v1;
	v2 =	vsel vm12, $0x105, v2  }
0x13: {  	v4 =	vsel vm12, $0x190B, v4;
	v5 =	vsel vm12, $0x190C, v5;
	v6 =	vsel vm12, $0x190D, v6  }
0x14: {  	v7 =	vsel vm12, $0x190E, v7;
	v0 =	vsel vm11, $0x184, v0;
	v1 =	vsel vm11, $0x185, v1  }
0x15: {  	v2 =	vsel vm11, $0x186, v2;
	v4 =	vsel vm11, $0x198C, v4;
	v5 =	vsel vm11, $0x198D, v5  }
0x16: {  	v6 =	vsel vm11, $0x198E, v6;
	v7 =	vsel vm11, $0x198F, v7;
	v0 =	vsel vm10, $0x205, v0  }
0x17: {  	v1 =	vsel vm10, $0x206, v1;
	v2 =	vsel vm10, $0x207, v2;
	v4 =	vsel vm10, $0x1A0D, v4  }
0x18: {  	v5 =	vsel vm10, $0x1A0E, v5;
	v6 =	vsel vm10, $0x1A0F, v6;
	v7 =	vsel vm10, $0x1A00, v7  }
0x19: {  	v0 =	vsel vm9, $0x286, v0;
	v1 =	vsel vm9, $0x287, v1;
	v2 =	vsel vm9, $0x288, v2  }
0x1a: {  	v4 =	vsel vm9, $0x1A8E, v4;
	v5 =	vsel vm9, $0x1A8F, v5;
	v6 =	vsel vm9, $0x1A80, v6  }
0x1b: {  	v7 =	vsel vm9, $0x1A81, v7;
	v0 =	vsel vm8, $0x307, v0;
	v1 =	vsel vm8, $0x308, v1  }
0x1c: {  	v2 =	vsel vm8, $0x309, v2;
	v4 =	vsel vm8, $0x1B0F, v4;
	v5 =	vsel vm8, $0x1B00, v5  }
0x1d: {  	v6 =	vsel vm8, $0x1B01, v6;
	v7 =	vsel vm8, $0x1B02, v7;
	v0 =	vsel vm7, $0x388, v0  }
0x1e: {  	v1 =	vsel vm7, $0x389, v1;
	v2 =	vsel vm7, $0x38A, v2;
	v4 =	vsel vm7, $0x1B80, v4  }
0x1f: {  	v5 =	vsel vm7, $0x1B81, v5;
	v6 =	vsel vm7, $0x1B82, v6;
	v7 =	vsel vm7, $0x1B83, v7  }
0x20: {  	v0 =	vsel vm4, $0x409, v0;
	v1 =	vsel vm4, $0x40A, v1;
	v2 =	vsel vm4, $0x40B, v2  }
0x21: {  	v4 =	vsel vm4, $0x1C01, v4;
	v5 =	vsel vm4, $0x1C02, v5;
	v6 =	vsel vm4, $0x1C03, v6  }
0x22: {  	v7 =	vsel vm4, $0x1C04, v7;
	v0 =	vsel vm0, $0x48A, v0;
	v1 =	vsel vm0, $0x48B, v1  }
0x23: {  	v2 =	vsel vm0, $0x48C, v2;
	v4 =	vsel vm0, $0x1C82, v4;
	v5 =	vsel vm0, $0x1C83, v5  }
0x24: {  	v6 =	vsel vm0, $0x1C84, v6;
	v7 =	vsel vm0, $0x1C85, v7;
	v0 =	vsel vm1, $0x50B, v0  }
0x25: {  	v1 =	vsel vm1, $0x50C, v1;
	v2 =	vsel vm1, $0x50D, v2;
	v4 =	vsel vm1, $0x1D03, v4  }
0x26: {  	v5 =	vsel vm1, $0x1D04, v5;
	v6 =	vsel vm1, $0x1D05, v6;
	v7 =	vsel vm1, $0x1D06, v7  }
0x27: {  	v0 =	vsel vm2, $0x58C, v0;
	v58 =	vsel vm2, $0x58D, v1;
	v59 =	vsel vm2, $0x58E, v2  }
0x28: {  	v2 =	vsel vm13, $0x4, v60;
	v4 =	vsel vm2, $0x1D84, v4;
	v5 =	vsel vm2, $0x1D85, v5  }
0x29: {  	v6 =	vsel vm2, $0x1D86, v6;
	v0 =	vsel vm3, $0x60D, v0;
	v1 =	vsel vm3, $0x60F, v59  }
0x2a: {  	v61 =	vsel vm14, $0x85, v2;
	v2 =	vsel vm13, $0x6, v63;
	v0 =	vsel vm5, $0x68E, v0  }
0x2b: {  	v1 =	vsel vm5, $0x680, v1;
	v2 =	vsel vm14, $0x87, v2;
	v57 =	vsel vm6, $0x70F, v0  }
0x2c: {  	v0 =	vsel vm3, $0x60E, v58;
	v54 =	vsel vm6, $0x701, v1;
	v1 =	vsel vm13, $0x5, v62  }
0x2d: {  	v2 =	vsel vm12, $0x108, v2;
	v0 =	vsel vm5, $0x68F, v0;
	v1 =	vsel vm14, $0x86, v1  }
0x2e: {  	v2 =	vsel vm11, $0x189, v2;
	v53 =	vsel vm6, $0x700, v0;
	v0 =	vsel vm12, $0x106, v61  }
0x2f: {  	v1 =	vsel vm12, $0x107, v1;
	v2 =	vsel vm10, $0x20A, v2;
	v0 =	vsel vm11, $0x187, v0  }
0x30: {  	v1 =	vsel vm11, $0x188, v1;
	v2 =	vsel vm9, $0x28B, v2;
	v0 =	vsel vm10, $0x208, v0  }
0x31: {  	v1 =	vsel vm10, $0x209, v1;
	v2 =	vsel vm8, $0x30C, v2;
	v0 =	vsel vm9, $0x289, v0  }
0x32: {  	v1 =	vsel vm9, $0x28A, v1;
	v2 =	vsel vm7, $0x38D, v2;
	v0 =	vsel vm8, $0x30A, v0  }
0x33: {  	v1 =	vsel vm8, $0x30B, v1;
	v2 =	vsel vm4, $0x40E, v2;
	v0 =	vsel vm7, $0x38B, v0  }
0x34: {  	v1 =	vsel vm7, $0x38C, v1;
	v2 =	vsel vm0, $0x48F, v2;
	v0 =	vsel vm4, $0x40C, v0  }
0x35: {  	v1 =	vsel vm4, $0x40D, v1;
	v2 =	vsel vm1, $0x500, v2;
	v0 =	vsel vm0, $0x48D, v0  }
0x36: {  	v1 =	vsel vm0, $0x48E, v1;
	v22 =	vsel vm2, $0x581, v2;
	v2 =	vsel vm13, $0x7, v23  }
0x37: {  	v0 =	vsel vm1, $0x50E, v0;
	v1 =	vsel vm1, $0x50F, v1;
	v30 =	vsel vm14, $0x88, v2  }
0x38: {  	v2 =	vsel vm13, $0x9, v32;
	v32 =	vimm.s32 $0x480;
	v0 =	vsel vm2, $0x58F, v0  }
0x39: {  	v21 =	vsel vm2, $0x580, v1;
	v1 =	vsel vm3, $0x602, v22;
	v2 =	vsel vm14, $0x8A, v2  }
0x3a: {  	v22 =	vimm.s32 $0x580;
	v0 =	vsel vm3, $0x600, v0;
	v1 =	vsel vm5, $0x683, v1  }
0x3b: {  	v2 =	vsel vm12, $0x10B, v2;
	v0 =	vsel vm5, $0x681, v0;
	v59 =	vsel vm6, $0x704, v1  }
0x3c: {  	v1 =	vsel vm13, $0x8, v31;
	v2 =	vsel vm11, $0x18C, v2;
	v31 =	vimm.s32 $0x500  }
0x3d: {  	v55 =	vsel vm6, $0x702, v0;
	v0 =	vsel vm3, $0x601, v21;
	v1 =	vsel vm14, $0x89, v1  }
0x3e: {  	v2 =	vsel vm10, $0x20D, v2;
	v0 =	vsel vm5, $0x682, v0;
	v1 =	vsel vm12, $0x10A, v1  }
0x3f: {  	v2 =	vsel vm9, $0x28E, v2;
	v56 =	vsel vm6, $0x703, v0;
	v0 =	vsel vm12, $0x109, v30  }
0x40: {  	v1 =	vsel vm11, $0x18B, v1;
	v2 =	vsel vm8, $0x30F, v2;
	v0 =	vsel vm11, $0x18A, v0  }
0x41: {  	v1 =	vsel vm10, $0x20C, v1;
	v2 =	vsel vm7, $0x380, v2;
	v0 =	vsel vm10, $0x20B, v0  }
0x42: {  	v1 =	vsel vm9, $0x28D, v1;
	v2 =	vsel vm4, $0x401, v2;
	v0 =	vsel vm9, $0x28C, v0  }
0x43: {  	v1 =	vsel vm8, $0x30E, v1;
	v2 =	vsel vm0, $0x482, v2;
	v0 =	vsel vm8, $0x30D, v0  }
0x44: {  	v1 =	vsel vm7, $0x38F, v1;
	v2 =	vsel vm1, $0x503, v2;
	v0 =	vsel vm7, $0x38E, v0  }
0x45: {  	v1 =	vsel vm4, $0x400, v1;
	v34 =	vsel vm2, $0x584, v2;
	v2 =	vsel vm13, $0xA, v35  }
0x46: {  	v35 =	vimm.s32 $0x400;
	v0 =	vsel vm4, $0x40F, v0;
	v1 =	vsel vm0, $0x481, v1  }
0x47: {  	v36 =	vsel vm14, $0x8B, v2;
	v2 =	vsel vm13, $0xC, v38;
	v38 =	vimm.s32 $0x300  }
0x48: {  	v0 =	vsel vm0, $0x480, v0;
	v1 =	vsel vm1, $0x502, v1;
	v2 =	vsel vm14, $0x8D, v2  }
0x49: {  	v0 =	vsel vm1, $0x501, v0;
	v33 =	vsel vm2, $0x583, v1;
	v1 =	vsel vm3, $0x605, v34  }
0x4a: {  	v2 =	vsel vm12, $0x10E, v2;
	v0 =	vsel vm2, $0x582, v0;
	v1 =	vsel vm5, $0x686, v1  }
0x4b: {  	v2 =	vsel vm11, $0x18F, v2;
	v0 =	vsel vm3, $0x603, v0;
	v62 =	vsel vm6, $0x707, v1  }
0x4c: {  	v1 =	vsel vm13, $0xB, v37;
	v2 =	vsel vm10, $0x200, v2;
	v37 =	vimm.s32 $0x380  }
0x4d: {  	v0 =	vsel vm5, $0x684, v0;
	v1 =	vsel vm14, $0x8C, v1;
	v2 =	vsel vm9, $0x281, v2  }
0x4e: {  	v60 =	vsel vm6, $0x705, v0;
	v0 =	vsel vm3, $0x604, v33;
	v1 =	vsel vm12, $0x10D, v1  }
0x4f: {  	v2 =	vsel vm8, $0x302, v2;
	v0 =	vsel vm5, $0x685, v0;
	v1 =	vsel vm11, $0x18E, v1  }
0x50: {  	v2 =	vsel vm7, $0x383, v2;
	v61 =	vsel vm6, $0x706, v0;
	v0 =	vsel vm12, $0x10C, v36  }
0x51: {  	v1 =	vsel vm10, $0x20F, v1;
	v2 =	vsel vm4, $0x404, v2;
	v0 =	vsel vm11, $0x18D, v0  }
0x52: {  	v1 =	vsel vm9, $0x280, v1;
	v2 =	vsel vm0, $0x485, v2;
	v0 =	vsel vm10, $0x20E, v0  }
0x53: {  	v1 =	vsel vm8, $0x301, v1;
	v2 =	vsel vm1, $0x506, v2;
	v0 =	vsel vm9, $0x28F, v0  }
0x54: {  	v1 =	vsel vm7, $0x382, v1;
	v40 =	vsel vm2, $0x587, v2;
	v2 =	vsel vm13, $0xD, v41  }
0x55: {  	v41 =	vimm.s32 $0x280;
	v0 =	vsel vm8, $0x300, v0;
	v1 =	vsel vm4, $0x403, v1  }
0x56: {  	v43 =	vsel vm14, $0x8E, v2;
	v2 =	vsel vm13, $0xF, v45;
	v45 =	vimm.s32 $0x180  }
0x57: {  	v0 =	vsel vm7, $0x381, v0;
	v1 =	vsel vm0, $0x484, v1;
	v2 =	vsel vm14, $0x80, v2  }
0x58: {  	v0 =	vsel vm4, $0x402, v0;
	v1 =	vsel vm1, $0x505, v1;
	v2 =	vsel vm12, $0x101, v2  }
0x59: {  	v0 =	vsel vm0, $0x483, v0;
	v39 =	vsel vm2, $0x586, v1;
	v1 =	vsel vm3, $0x608, v40  }
0x5a: {  	v2 =	vsel vm11, $0x182, v2;
	v0 =	vsel vm1, $0x504, v0;
	v1 =	vsel vm5, $0x689, v1  }
0x5b: {  	v2 =	vsel vm10, $0x203, v2;
	v0 =	vsel vm2, $0x585, v0;
	v42 =	vsel vm6, $0x70A, v1  }
0x5c: {  	v1 =	vsel vm13, $0xE, v44;
	v2 =	vsel vm9, $0x284, v2;
	v44 =	vimm.s32 $0x200  }
0x5d: {  	v0 =	vsel vm3, $0x606, v0;
	v1 =	vsel vm14, $0x8F, v1;
	v2 =	vsel vm8, $0x305, v2  }
0x5e: {  	v0 =	vsel vm5, $0x687, v0;
	v1 =	vsel vm12, $0x100, v1;
	v2 =	vsel vm7, $0x386, v2  }
0x5f: {  	v63 =	vsel vm6, $0x708, v0;
	v0 =	vsel vm3, $0x607, v39;
	v1 =	vsel vm11, $0x181, v1  }
0x60: {  	v2 =	vsel vm4, $0x407, v2;
	v0 =	vsel vm5, $0x688, v0;
	v1 =	vsel vm10, $0x202, v1  }
0x61: {  	v2 =	vsel vm0, $0x488, v2;
	v0 =	vsel vm6, $0x709, v0;
	v1 =	vsel vm9, $0x283, v1  }
0x62: {  	v2 =	vsel vm1, $0x509, v2;
	[tilespmem:$0x1FB20] =	vst v0;
	v0 =	vsel vm12, $0x10F, v43;
	v1 =	vsel vm8, $0x304, v1  }
0x63: {  	v47 =	vsel vm2, $0x58A, v2;
	v2 =	vsel vm13, $0x780, v48;
	v48 =	vimm.s32 $0x100  }
0x64: {  	v0 =	vsel vm11, $0x180, v0;
	v1 =	vsel vm7, $0x385, v1;
	v50 =	vsel vm14, $0x0, v2  }
0x65: {  	v2 =	vsel vm13, $0x680, v52;
	v52 =	vimm.s32 $0x0;
	v0 =	vsel vm10, $0x201, v0  }
0x66: {  	v1 =	vsel vm4, $0x406, v1;
	v2 =	vsel vm14, $0x700, v2;
	v0 =	vsel vm9, $0x282, v0  }
0x67: {  	v1 =	vsel vm0, $0x487, v1;
	v2 =	vsel vm12, $0x780, v2;
	v0 =	vsel vm8, $0x303, v0  }
0x68: {  	v1 =	vsel vm1, $0x508, v1;
	v2 =	vsel vm11, $0x0, v2;
	v0 =	vsel vm7, $0x384, v0  }
0x69: {  	v46 =	vsel vm2, $0x589, v1;
	v1 =	vsel vm3, $0x60B, v47;
	v2 =	vsel vm10, $0x80, v2  }
0x6a: {  	v0 =	vsel vm4, $0x405, v0;
	v1 =	vsel vm5, $0x68C, v1;
	v2 =	vsel vm9, $0x100, v2  }
0x6b: {  	v0 =	vsel vm0, $0x486, v0;
	v49 =	vsel vm6, $0x70D, v1;
	v1 =	vsel vm13, $0x700, v51  }
0x6c: {  	v2 =	vsel vm8, $0x180, v2;
	v51 =	vimm.s32 $0x80;
	v0 =	vsel vm1, $0x507, v0  }
0x6d: {  	v1 =	vsel vm14, $0x780, v1;
	v2 =	vsel vm7, $0x200, v2;
	v0 =	vsel vm2, $0x588, v0  }
0x6e: {  	v1 =	vsel vm12, $0x0, v1;
	v2 =	vsel vm4, $0x280, v2;
	v0 =	vsel vm3, $0x609, v0  }
0x6f: {  	v1 =	vsel vm11, $0x80, v1;
	v2 =	vsel vm0, $0x300, v2;
	v0 =	vsel vm5, $0x68A, v0  }
0x70: {  	v1 =	vsel vm10, $0x100, v1;
	v2 =	vsel vm1, $0x380, v2;
	v0 =	vsel vm6, $0x70B, v0  }
0x71: {  	v1 =	vsel vm9, $0x180, v1;
	v21 =	vsel vm2, $0x400, v2;
	v2 =	vsel vm13, $0x600, v22  }
0x72: {  	v22 =	vimm.s32 $0xF80;
	[tilespmem:$0x1FB40] =	vst v0;
	v0 =	vsel vm3, $0x60A, v46;
	v1 =	vsel vm8, $0x200, v1  }
0x73: {  	v30 =	vsel vm14, $0x680, v2;
	v2 =	vsel vm13, $0x500, v32;
	v0 =	vsel vm5, $0x68B, v0  }
0x74: {  	v1 =	vsel vm7, $0x280, v1;
	v2 =	vsel vm14, $0x580, v2;
	v0 =	vsel vm6, $0x70C, v0  }
0x75: {  	v1 =	vsel vm4, $0x300, v1;
	v2 =	vsel vm12, $0x600, v2;
	[tilespmem:$0x1FB50] =	vst v0;
	v0 =	vsel vm12, $0x80, v50  }
0x76: {  	v1 =	vsel vm0, $0x380, v1;
	v2 =	vsel vm11, $0x680, v2;
	v0 =	vsel vm11, $0x100, v0  }
0x77: {  	v1 =	vsel vm1, $0x400, v1;
	v2 =	vsel vm10, $0x700, v2;
	v0 =	vsel vm10, $0x180, v0  }
0x78: {  	v58 =	vsel vm2, $0x480, v1;
	v1 =	vsel vm3, $0x480, v21;
	v2 =	vsel vm9, $0x780, v2  }
0x79: {  	v0 =	vsel vm9, $0x200, v0;
	v1 =	vsel vm5, $0x500, v1;
	v2 =	vsel vm8, $0x0, v2  }
0x7a: {  	v0 =	vsel vm8, $0x280, v0;
	v23 =	vsel vm6, $0x580, v1;
	v1 =	vsel vm13, $0x580, v31  }
0x7b: {  	v2 =	vsel vm7, $0x80, v2;
	v31 =	vimm.s32 $0xF82;
	v0 =	vsel vm7, $0x300, v0  }
0x7c: {  	v1 =	vsel vm14, $0x600, v1;
	v2 =	vsel vm4, $0x100, v2;
	v0 =	vsel vm4, $0x380, v0  }
0x7d: {  	v1 =	vsel vm12, $0x680, v1;
	v2 =	vsel vm0, $0x180, v2;
	v0 =	vsel vm0, $0x400, v0  }
0x7e: {  	v1 =	vsel vm11, $0x700, v1;
	v2 =	vsel vm1, $0x200, v2;
	v0 =	vsel vm1, $0x480, v0  }
0x7f: {  	v1 =	vsel vm10, $0x780, v1;
	v34 =	vsel vm2, $0x280, v2;
	v2 =	vsel vm13, $0x480, v35  }
0x80: {  	v0 =	vsel vm2, $0x500, v0;
	v1 =	vsel vm9, $0x0, v1;
	v36 =	vsel vm14, $0x500, v2  }
0x81: {  	v2 =	vsel vm13, $0x380, v38;
	v38 =	vimm.s32 $0xF85;
	v0 =	vsel vm3, $0x580, v0  }
0x82: {  	v1 =	vsel vm8, $0x80, v1;
	v2 =	vsel vm14, $0x400, v2;
	v0 =	vsel vm5, $0x600, v0  }
0x83: {  	v1 =	vsel vm7, $0x100, v1;
	v2 =	vsel vm12, $0x480, v2;
	v0 =	vsel vm6, $0x680, v0  }
0x84: {  	v1 =	vsel vm4, $0x180, v1;
	v2 =	vsel vm11, $0x500, v2;
	[tilespmem:$0x1FB70] =	vst v0;
	v0 =	vsel vm3, $0x500, v58  }
0x85: {  	v1 =	vsel vm0, $0x200, v1;
	v2 =	vsel vm10, $0x580, v2;
	v0 =	vsel vm5, $0x580, v0  }
0x86: {  	v1 =	vsel vm1, $0x280, v1;
	v2 =	vsel vm9, $0x600, v2;
	v0 =	vsel vm6, $0x600, v0  }
0x87: {  	v33 =	vsel vm2, $0x300, v1;
	v1 =	vsel vm3, $0x300, v34;
	v2 =	vsel vm8, $0x680, v2  }
0x88: {  	v34 =	vimm.s32 $0xF83;
	[tilespmem:$0x1FB80] =	vst v0;
	v0 =	vsel vm12, $0x700, v30;
	v1 =	vsel vm5, $0x380, v1  }
0x89: {  	v2 =	vsel vm7, $0x700, v2;
	v30 =	vimm.s32 $0xF81;
	v0 =	vsel vm11, $0x780, v0  }
0x8a: {  	v10 =	vsel vm6, $0x400, v1;
	v1 =	vsel vm13, $0x400, v37;
	v2 =	vsel vm4, $0x780, v2  }
0x8b: {  	v37 =	vimm.s32 $0xF84;
	v0 =	vsel vm10, $0x0, v0;
	v1 =	vsel vm14, $0x480, v1  }
0x8c: {  	v2 =	vsel vm0, $0x0, v2;
	v0 =	vsel vm9, $0x80, v0;
	v1 =	vsel vm12, $0x500, v1  }
0x8d: {  	v2 =	vsel vm1, $0x80, v2;
	v0 =	vsel vm8, $0x100, v0;
	v1 =	vsel vm11, $0x580, v1  }
0x8e: {  	v40 =	vsel vm2, $0x100, v2;
	v2 =	vsel vm13, $0x300, v41;
	v41 =	vimm.s32 $0xF86  }
0x8f: {  	v0 =	vsel vm7, $0x180, v0;
	v1 =	vsel vm10, $0x600, v1;
	v43 =	vsel vm14, $0x380, v2  }
0x90: {  	v2 =	vsel vm13, $0x200, v45;
	v0 =	vsel vm4, $0x200, v0;
	v1 =	vsel vm9, $0x680, v1  }
0x91: {  	v2 =	vsel vm14, $0x280, v2;
	v0 =	vsel vm0, $0x280, v0;
	v1 =	vsel vm8, $0x700, v1  }
0x92: {  	v2 =	vsel vm12, $0x300, v2;
	v0 =	vsel vm1, $0x300, v0;
	v1 =	vsel vm7, $0x780, v1  }
0x93: {  	v2 =	vsel vm11, $0x380, v2;
	v0 =	vsel vm2, $0x380, v0;
	v1 =	vsel vm4, $0x0, v1  }
0x94: {  	v2 =	vsel vm10, $0x400, v2;
	v0 =	vsel vm3, $0x400, v0;
	v1 =	vsel vm0, $0x80, v1  }
0x95: {  	v2 =	vsel vm9, $0x480, v2;
	v0 =	vsel vm5, $0x480, v0;
	v1 =	vsel vm1, $0x100, v1  }
0x96: {  	v2 =	vsel vm8, $0x500, v2;
	v12 =	vsel vm6, $0x500, v0;
	v0 =	vsel vm3, $0x380, v33  }
0x97: {  	v39 =	vsel vm2, $0x180, v1;
	v1 =	vsel vm3, $0x180, v40;
	v2 =	vsel vm7, $0x580, v2  }
0x98: {  	v0 =	vsel vm5, $0x400, v0;
	v1 =	vsel vm5, $0x200, v1;
	v2 =	vsel vm4, $0x600, v2  }
0x99: {  	[tilespmem:$0x1FB30] =	vst v42;
	v8 =	vsel vm6, $0x480, v0;
	v0 =	vsel vm12, $0x580, v36;
	v42 =	vsel vm6, $0x280, v1  }
0x9a: {  	v1 =	vsel vm13, $0x280, v44;
	v2 =	vsel vm0, $0x680, v2;
	v44 =	vimm.s32 $0xF88  }
0x9b: {  	v0 =	vsel vm11, $0x600, v0;
	v1 =	vsel vm14, $0x300, v1;
	v2 =	vsel vm1, $0x700, v2  }
0x9c: {  	v0 =	vsel vm10, $0x680, v0;
	v1 =	vsel vm12, $0x380, v1;
	v47 =	vsel vm2, $0x780, v2  }
0x9d: {  	v2 =	vsel vm13, $0x180, v48;
	v0 =	vsel vm9, $0x700, v0;
	v1 =	vsel vm11, $0x400, v1  }
0x9e: {  	v50 =	vsel vm14, $0x200, v2;
	v2 =	vsel vm13, $0x80, v52;
	v52 =	vimm.s32 $0xF89  }
0x9f: {  	v0 =	vsel vm8, $0x780, v0;
	v1 =	vsel vm10, $0x480, v1;
	v2 =	vsel vm14, $0x100, v2  }
0xa0: {  	v0 =	vsel vm7, $0x0, v0;
	v1 =	vsel vm9, $0x500, v1;
	v2 =	vsel vm12, $0x180, v2  }
0xa1: {  	v0 =	vsel vm4, $0x80, v0;
	v1 =	vsel vm8, $0x580, v1;
	v2 =	vsel vm11, $0x200, v2  }
0xa2: {  	v0 =	vsel vm0, $0x100, v0;
	v1 =	vsel vm7, $0x600, v1;
	v2 =	vsel vm10, $0x280, v2  }
0xa3: {  	v0 =	vsel vm1, $0x180, v0;
	v1 =	vsel vm4, $0x680, v1;
	v2 =	vsel vm9, $0x300, v2  }
0xa4: {  	v0 =	vsel vm2, $0x200, v0;
	v1 =	vsel vm0, $0x700, v1;
	v2 =	vsel vm8, $0x380, v2  }
0xa5: {  	v0 =	vsel vm3, $0x280, v0;
	v1 =	vsel vm1, $0x780, v1;
	v2 =	vsel vm7, $0x400, v2  }
0xa6: {  	v0 =	vsel vm5, $0x300, v0;
	v46 =	vsel vm2, $0x0, v1;
	v1 =	vsel vm3, $0x0, v47  }
0xa7: {  	[tilespmem:$0x1FB60] =	vst v49;
	v2 =	vsel vm4, $0x480, v2;
	v0 =	vsel vm6, $0x380, v0;
	v1 =	vsel vm5, $0x80, v1  }
0xa8: {  	v2 =	vsel vm0, $0x500, v2;
	[tilespmem:$0x1FBA0] =	vst v0;
	v0 =	vsel vm3, $0x200, v39;
	v49 =	vsel vm6, $0x100, v1  }
0xa9: {  	v1 =	vsel vm13, $0x100, v51;
	v2 =	vsel vm1, $0x580, v2;
	v0 =	vsel vm5, $0x280, v0  }
0xaa: {  	v1 =	vsel vm14, $0x180, v1;
	v21 =	vsel vm2, $0x600, v2;
	v2 =	vsel vm13, $0x801, v22  }
0xab: {  	v22 =	vimm.s32 $0xF8B;
	v0 =	vsel vm6, $0x300, v0;
	v1 =	vsel vm12, $0x200, v1  }
0xac: {  	[tilespmem:$0x1FB90] =	vst v23;
	v23 =	vsel vm14, $0x882, v2;
	v2 =	vsel vm13, $0x803, v31;
	v31 =	vimm.s32 $0xF8C  }
0xad: {  	[tilespmem:$0x1FBB0] =	vst v0;
	v0 =	vsel vm12, $0x400, v43;
	v1 =	vsel vm11, $0x280, v1;
	v2 =	vsel vm14, $0x884, v2  }
0xae: {  	v43 =	vimm.s32 $0xF87;
	v0 =	vsel vm11, $0x480, v0;
	v1 =	vsel vm10, $0x300, v1  }
0xaf: {  	v2 =	vsel vm12, $0x905, v2;
	v0 =	vsel vm10, $0x500, v0;
	v1 =	vsel vm9, $0x380, v1  }
0xb0: {  	v2 =	vsel vm11, $0x986, v2;
	v0 =	vsel vm9, $0x580, v0;
	v1 =	vsel vm8, $0x400, v1  }
0xb1: {  	v2 =	vsel vm10, $0xA07, v2;
	v0 =	vsel vm8, $0x600, v0;
	v1 =	vsel vm7, $0x480, v1  }
0xb2: {  	v2 =	vsel vm9, $0xA88, v2;
	v0 =	vsel vm7, $0x680, v0;
	v1 =	vsel vm4, $0x500, v1  }
0xb3: {  	v2 =	vsel vm8, $0xB09, v2;
	v0 =	vsel vm4, $0x700, v0;
	v1 =	vsel vm0, $0x580, v1  }
0xb4: {  	v2 =	vsel vm7, $0xB8A, v2;
	v0 =	vsel vm0, $0x780, v0;
	v1 =	vsel vm1, $0x600, v1  }
0xb5: {  	v2 =	vsel vm4, $0xC0B, v2;
	v0 =	vsel vm1, $0x0, v0;
	v58 =	vsel vm2, $0x680, v1  }
0xb6: {  	v1 =	vsel vm3, $0x680, v21;
	v2 =	vsel vm0, $0xC8C, v2;
	v0 =	vsel vm2, $0x80, v0  }
0xb7: {  	v21 =	vimm.s32 $0xF8A;
	v1 =	vsel vm5, $0x700, v1;
	v0 =	vsel vm3, $0x100, v0  }
0xb8: {  	v2 =	vsel vm1, $0xD0D, v2;
	v27 =	vsel vm6, $0x780, v1;
	v0 =	vsel vm5, $0x180, v0  }
0xb9: {  	v1 =	vsel vm13, $0x802, v30;
	v35 =	vsel vm6, $0x200, v0;
	v0 =	vsel vm3, $0x80, v46  }
0xba: {  	v33 =	vsel vm2, $0xD8E, v2;
	v2 =	vsel vm13, $0x804, v34;
	v0 =	vsel vm5, $0x100, v0  }
0xbb: {  	v34 =	vimm.s32 $0xF8E;
	v1 =	vsel vm14, $0x883, v1;
	v0 =	vsel vm6, $0x180, v0  }
0xbc: {  	v36 =	vsel vm14, $0x885, v2;
	v2 =	vsel vm13, $0x806, v38;
	[tilespmem:$0x1FBD0] =	vst v0;
	v0 =	vsel vm12, $0x280, v50  }
0xbd: {  	v38 =	vimm.s32 $0x1780;
	v1 =	vsel vm12, $0x904, v1;
	v0 =	vsel vm11, $0x300, v0  }
0xbe: {  	v2 =	vsel vm14, $0x887, v2;
	v1 =	vsel vm11, $0x985, v1;
	v0 =	vsel vm10, $0x380, v0  }
0xbf: {  	v2 =	vsel vm12, $0x908, v2;
	v1 =	vsel vm10, $0xA06, v1;
	v0 =	vsel vm9, $0x400, v0  }
0xc0: {  	v2 =	vsel vm11, $0x989, v2;
	v1 =	vsel vm9, $0xA87, v1;
	v0 =	vsel vm8, $0x480, v0  }
0xc1: {  	v2 =	vsel vm10, $0xA0A, v2;
	v1 =	vsel vm8, $0xB08, v1;
	v0 =	vsel vm7, $0x500, v0  }
0xc2: {  	v2 =	vsel vm9, $0xA8B, v2;
	v1 =	vsel vm7, $0xB89, v1;
	v0 =	vsel vm4, $0x580, v0  }
0xc3: {  	v2 =	vsel vm8, $0xB0C, v2;
	v1 =	vsel vm4, $0xC0A, v1;
	v0 =	vsel vm0, $0x600, v0  }
0xc4: {  	v2 =	vsel vm7, $0xB8D, v2;
	v1 =	vsel vm0, $0xC8B, v1;
	v0 =	vsel vm1, $0x680, v0  }
0xc5: {  	v2 =	vsel vm4, $0xC0E, v2;
	v1 =	vsel vm1, $0xD0C, v1;
	v0 =	vsel vm2, $0x700, v0  }
0xc6: {  	v2 =	vsel vm0, $0xC8F, v2;
	v32 =	vsel vm2, $0xD8D, v1;
	v0 =	vsel vm3, $0x780, v0  }
0xc7: {  	v1 =	vsel vm3, $0xE0F, v33;
	v2 =	vsel vm1, $0xD00, v2;
	v0 =	vsel vm5, $0x0, v0  }
0xc8: {  	v33 =	vimm.s32 $0xF8D;
	v1 =	vsel vm5, $0xE80, v1;
	v0 =	vsel vm6, $0x80, v0  }
0xc9: {  	v40 =	vsel vm2, $0xD81, v2;
	v2 =	vsel vm13, $0x807, v41;
	[tilespmem:$0x1FBF0] =	vst v0;
	v0 =	vsel vm3, $0x700, v58  }
0xca: {  	v41 =	vimm.s32 $0x1782;
	v46 =	vsel vm6, $0xF01, v1;
	v0 =	vsel vm5, $0x780, v0  }
0xcb: {  	[tilespmem:$0x1FBC0] =	vst v42;
	v1 =	vsel vm13, $0x805, v37;
	v42 =	vsel vm14, $0x888, v2;
	v0 =	vsel vm6, $0x0, v0  }
0xcc: {  	v2 =	vsel vm13, $0x809, v44;
	v1 =	vsel vm14, $0x886, v1;
	[tilespmem:$0x1FC00] =	vst v0;
	v0 =	vsel vm12, $0x903, v23  }
0xcd: {  	v2 =	vsel vm14, $0x88A, v2;
	v1 =	vsel vm12, $0x907, v1;
	v0 =	vsel vm11, $0x984, v0  }
0xce: {  	v2 =	vsel vm12, $0x90B, v2;
	v1 =	vsel vm11, $0x988, v1;
	v0 =	vsel vm10, $0xA05, v0  }
0xcf: {  	v2 =	vsel vm11, $0x98C, v2;
	v1 =	vsel vm10, $0xA09, v1;
	v0 =	vsel vm9, $0xA86, v0  }
0xd0: {  	v2 =	vsel vm10, $0xA0D, v2;
	v1 =	vsel vm9, $0xA8A, v1;
	v0 =	vsel vm8, $0xB07, v0  }
0xd1: {  	v2 =	vsel vm9, $0xA8E, v2;
	v1 =	vsel vm8, $0xB0B, v1;
	v0 =	vsel vm7, $0xB88, v0  }
0xd2: {  	v2 =	vsel vm8, $0xB0F, v2;
	v1 =	vsel vm7, $0xB8C, v1;
	v0 =	vsel vm4, $0xC09, v0  }
0xd3: {  	v2 =	vsel vm7, $0xB80, v2;
	v1 =	vsel vm4, $0xC0D, v1;
	v0 =	vsel vm0, $0xC8A, v0  }
0xd4: {  	v2 =	vsel vm4, $0xC01, v2;
	v1 =	vsel vm0, $0xC8E, v1;
	v0 =	vsel vm1, $0xD0B, v0  }
0xd5: {  	v2 =	vsel vm0, $0xC82, v2;
	v1 =	vsel vm1, $0xD0F, v1;
	v0 =	vsel vm2, $0xD8C, v0  }
0xd6: {  	v2 =	vsel vm1, $0xD03, v2;
	v39 =	vsel vm2, $0xD80, v1;
	v0 =	vsel vm3, $0xE0D, v0  }
0xd7: {  	v1 =	vsel vm3, $0xE02, v40;
	v51 =	vsel vm2, $0xD84, v2;
	v0 =	vsel vm5, $0xE8E, v0  }
0xd8: {  	v2 =	vsel vm13, $0x80A, v52;
	v18 =	vsel vm6, $0xF0F, v0;
	v0 =	vsel vm3, $0xE0E, v32  }
0xd9: {  	v40 =	vimm.s32 $0x1781;
	v1 =	vsel vm5, $0xE83, v1;
	v0 =	vsel vm5, $0xE8F, v0  }
0xda: {  	v58 =	vsel vm14, $0x88B, v2;
	v45 =	vsel vm6, $0xF00, v0;
	v0 =	vsel vm12, $0x906, v36  }
0xdb: {  	[tilespmem:$0x1FBE0] =	vst v49;
	v2 =	vsel vm13, $0x80C, v22;
	v49 =	vsel vm6, $0xF04, v1;
	v0 =	vsel vm11, $0x987, v0  }
0xdc: {  	v1 =	vsel vm13, $0x808, v43;
	v2 =	vsel vm14, $0x88D, v2;
	v0 =	vsel vm10, $0xA08, v0  }
0xdd: {  	v1 =	vsel vm14, $0x889, v1;
	v2 =	vsel vm12, $0x90E, v2;
	v0 =	vsel vm9, $0xA89, v0  }
0xde: {  	v1 =	vsel vm12, $0x90A, v1;
	v2 =	vsel vm11, $0x98F, v2;
	v0 =	vsel vm8, $0xB0A, v0  }
0xdf: {  	v1 =	vsel vm11, $0x98B, v1;
	v2 =	vsel vm10, $0xA00, v2;
	v0 =	vsel vm7, $0xB8B, v0  }
0xe0: {  	v1 =	vsel vm10, $0xA0C, v1;
	v2 =	vsel vm9, $0xA81, v2;
	v0 =	vsel vm4, $0xC0C, v0  }
0xe1: {  	v1 =	vsel vm9, $0xA8D, v1;
	v2 =	vsel vm8, $0xB02, v2;
	v0 =	vsel vm0, $0xC8D, v0  }
0xe2: {  	v1 =	vsel vm8, $0xB0E, v1;
	v2 =	vsel vm7, $0xB83, v2;
	v0 =	vsel vm1, $0xD0E, v0  }
0xe3: {  	v1 =	vsel vm7, $0xB8F, v1;
	v2 =	vsel vm4, $0xC04, v2;
	v0 =	vsel vm2, $0xD8F, v0  }
0xe4: {  	v1 =	vsel vm4, $0xC00, v1;
	v2 =	vsel vm0, $0xC85, v2;
	v0 =	vsel vm3, $0xE00, v0  }
0xe5: {  	v1 =	vsel vm0, $0xC81, v1;
	v2 =	vsel vm1, $0xD06, v2;
	v0 =	vsel vm5, $0xE81, v0  }
0xe6: {  	v1 =	vsel vm1, $0xD02, v1;
	v47 =	vsel vm6, $0xF02, v0;
	v0 =	vsel vm3, $0xE01, v39  }
0xe7: {  	v30 =	vsel vm2, $0xD87, v2;
	v2 =	vsel vm13, $0x80D, v31;
	v0 =	vsel vm5, $0xE82, v0  }
0xe8: {  	v31 =	vimm.s32 $0x1785;
	v48 =	vsel vm6, $0xF03, v0;
	v0 =	vsel vm12, $0x909, v42  }
0xe9: {  	v50 =	vsel vm2, $0xD83, v1;
	v1 =	vsel vm3, $0xE05, v51;
	v0 =	vsel vm11, $0x98A, v0  }
0xea: {  	v32 =	vsel vm14, $0x88E, v2;
	v2 =	vsel vm13, $0x80F, v34;
	v0 =	vsel vm10, $0xA0B, v0  }
0xeb: {  	v34 =	vimm.s32 $0x1786;
	v1 =	vsel vm5, $0xE86, v1;
	v0 =	vsel vm9, $0xA8C, v0  }
0xec: {  	v2 =	vsel vm14, $0x880, v2;
	v52 =	vsel vm6, $0xF07, v1;
	v0 =	vsel vm8, $0xB0D, v0  }
0xed: {  	v1 =	vsel vm13, $0x80B, v21;
	v2 =	vsel vm12, $0x901, v2;
	v0 =	vsel vm7, $0xB8E, v0  }
0xee: {  	v1 =	vsel vm14, $0x88C, v1;
	v2 =	vsel vm11, $0x982, v2;
	v0 =	vsel vm4, $0xC0F, v0  }
0xef: {  	v1 =	vsel vm12, $0x90D, v1;
	v2 =	vsel vm10, $0xA03, v2;
	v0 =	vsel vm0, $0xC80, v0  }
0xf0: {  	v1 =	vsel vm11, $0x98E, v1;
	v2 =	vsel vm9, $0xA84, v2;
	v0 =	vsel vm1, $0xD01, v0  }
0xf1: {  	v1 =	vsel vm10, $0xA0F, v1;
	v2 =	vsel vm8, $0xB05, v2;
	v0 =	vsel vm2, $0xD82, v0  }
0xf2: {  	v1 =	vsel vm9, $0xA80, v1;
	v2 =	vsel vm7, $0xB86, v2;
	v0 =	vsel vm3, $0xE03, v0  }
0xf3: {  	v1 =	vsel vm8, $0xB01, v1;
	v2 =	vsel vm4, $0xC07, v2;
	v0 =	vsel vm5, $0xE84, v0  }
0xf4: {  	v1 =	vsel vm7, $0xB82, v1;
	v19 =	vsel vm6, $0xF05, v0;
	v0 =	vsel vm3, $0xE04, v50  }
0xf5: {  	v2 =	vsel vm0, $0xC88, v2;
	v1 =	vsel vm4, $0xC03, v1;
	v0 =	vsel vm5, $0xE85, v0  }
0xf6: {  	v2 =	vsel vm1, $0xD09, v2;
	v9 =	vsel vm6, $0xF06, v0;
	v0 =	vsel vm12, $0x90C, v58  }
0xf7: {  	v1 =	vsel vm0, $0xC84, v1;
	v37 =	vsel vm2, $0xD8A, v2;
	v0 =	vsel vm11, $0x98D, v0  }
0xf8: {  	v2 =	vsel vm13, $0x1001, v38;
	v38 =	vimm.s32 $0x1788;
	v0 =	vsel vm10, $0xA0E, v0  }
0xf9: {  	v1 =	vsel vm1, $0xD05, v1;
	v39 =	vsel vm14, $0x1082, v2;
	v0 =	vsel vm9, $0xA8F, v0  }
0xfa: {  	v2 =	vsel vm13, $0x1003, v41;
	v41 =	vimm.s32 $0x1789;
	v0 =	vsel vm8, $0xB00, v0  }
0xfb: {  	v23 =	vsel vm2, $0xD86, v1;
	v1 =	vsel vm3, $0xE08, v30;
	v0 =	vsel vm7, $0xB81, v0  }
0xfc: {  	v2 =	vsel vm14, $0x1084, v2;
	v30 =	vimm.s32 $0x1784;
	v0 =	vsel vm4, $0xC02, v0  }
0xfd: {  	v1 =	vsel vm5, $0xE89, v1;
	v2 =	vsel vm12, $0x1105, v2;
	v0 =	vsel vm0, $0xC83, v0  }
0xfe: {  	v21 =	vsel vm6, $0xF0A, v1;
	v1 =	vsel vm13, $0x80E, v33;
	v0 =	vsel vm1, $0xD04, v0  }
0xff: {  	v2 =	vsel vm11, $0x1186, v2;
	v1 =	vsel vm14, $0x88F, v1;
	v0 =	vsel vm2, $0xD85, v0  }
0x100: {  	v2 =	vsel vm10, $0x1207, v2;
	v1 =	vsel vm12, $0x900, v1;
	v0 =	vsel vm3, $0xE06, v0  }
0x101: {  	v2 =	vsel vm9, $0x1288, v2;
	v1 =	vsel vm11, $0x981, v1;
	v0 =	vsel vm5, $0xE87, v0  }
0x102: {  	v2 =	vsel vm8, $0x1309, v2;
	v58 =	vsel vm6, $0xF08, v0;
	v0 =	vsel vm3, $0xE07, v23  }
0x103: {  	v1 =	vsel vm10, $0xA02, v1;
	v2 =	vsel vm7, $0x138A, v2;
	v0 =	vsel vm5, $0xE88, v0  }
0x104: {  	v1 =	vsel vm9, $0xA83, v1;
	v43 =	vsel vm6, $0xF09, v0;
	v0 =	vsel vm12, $0x90F, v32  }
0x105: {  	v2 =	vsel vm4, $0x140B, v2;
	v1 =	vsel vm8, $0xB04, v1;
	v0 =	vsel vm11, $0x980, v0  }
0x106: {  	v2 =	vsel vm0, $0x148C, v2;
	v1 =	vsel vm7, $0xB85, v1;
	v0 =	vsel vm10, $0xA01, v0  }
0x107: {  	v2 =	vsel vm1, $0x150D, v2;
	v1 =	vsel vm4, $0xC06, v1;
	v0 =	vsel vm9, $0xA82, v0  }
0x108: {  	v44 =	vsel vm2, $0x158E, v2;
	v1 =	vsel vm0, $0xC87, v1;
	v0 =	vsel vm8, $0xB03, v0  }
0x109: {  	v50 =	vimm.s32 $0x1783;
	v1 =	vsel vm1, $0xD08, v1;
	v0 =	vsel vm7, $0xB84, v0  }
0x10a: {  	v2 =	vsel vm13, $0x1004, v50;
	v50 =	vimm.s32 $0x178B;
	v0 =	vsel vm4, $0xC05, v0  }
0x10b: {  	v36 =	vsel vm2, $0xD89, v1;
	v1 =	vsel vm3, $0xE0B, v37;
	v0 =	vsel vm0, $0xC86, v0  }
0x10c: {  	v51 =	vsel vm14, $0x1085, v2;
	v2 =	vsel vm13, $0x1006, v31;
	v0 =	vsel vm1, $0xD07, v0  }
0x10d: {  	v37 =	vimm.s32 $0x1787;
	v2 =	vsel vm14, $0x1087, v2;
	v0 =	vsel vm2, $0xD88, v0  }
0x10e: {  	v1 =	vsel vm5, $0xE8C, v1;
	v2 =	vsel vm12, $0x1108, v2;
	v0 =	vsel vm3, $0xE09, v0  }
0x10f: {  	v23 =	vsel vm6, $0xF0D, v1;
	v1 =	vsel vm13, $0x1002, v40;
	v0 =	vsel vm5, $0xE8A, v0  }
0x110: {  	v2 =	vsel vm11, $0x1189, v2;
	v1 =	vsel vm14, $0x1083, v1;
	v0 =	vsel vm6, $0xF0B, v0  }
0x111: {  	v2 =	vsel vm10, $0x120A, v2;
	v1 =	vsel vm12, $0x1104, v1;
	[tilespmem:$0x1FC10] =	vst v0;
	v0 =	vsel vm3, $0xE0A, v36  }
0x112: {  	v2 =	vsel vm9, $0x128B, v2;
	v1 =	vsel vm11, $0x1185, v1;
	v0 =	vsel vm5, $0xE8B, v0  }
0x113: {  	v1 =	vsel vm10, $0x1206, v1;
	v22 =	vsel vm6, $0xF0C, v0;
	v0 =	vsel vm12, $0x1103, v39  }
0x114: {  	v2 =	vsel vm8, $0x130C, v2;
	v1 =	vsel vm9, $0x1287, v1;
	v0 =	vsel vm11, $0x1184, v0  }
0x115: {  	v2 =	vsel vm7, $0x138D, v2;
	v1 =	vsel vm8, $0x1308, v1;
	v0 =	vsel vm10, $0x1205, v0  }
0x116: {  	v2 =	vsel vm4, $0x140E, v2;
	v1 =	vsel vm7, $0x1389, v1;
	v0 =	vsel vm9, $0x1286, v0  }
0x117: {  	v2 =	vsel vm0, $0x148F, v2;
	v1 =	vsel vm4, $0x140A, v1;
	v0 =	vsel vm8, $0x1307, v0  }
0x118: {  	v2 =	vsel vm1, $0x1500, v2;
	v1 =	vsel vm0, $0x148B, v1;
	v0 =	vsel vm7, $0x1388, v0  }
0x119: {  	v33 =	vsel vm2, $0x1581, v2;
	v1 =	vsel vm1, $0x150C, v1;
	v0 =	vsel vm4, $0x1409, v0  }
0x11a: {  	v42 =	vsel vm2, $0x158D, v1;
	v1 =	vsel vm3, $0x160F, v44;
	v0 =	vsel vm0, $0x148A, v0  }
0x11b: {  	v2 =	vsel vm13, $0x1007, v34;
	v1 =	vsel vm5, $0x1680, v1;
	v0 =	vsel vm1, $0x150B, v0  }
0x11c: {  	v26 =	vsel vm6, $0x1701, v1;
	v1 =	vsel vm13, $0x1005, v30;
	v0 =	vsel vm2, $0x158C, v0  }
0x11d: {  	v44 =	vimm.s32 $0x178A;
	v1 =	vsel vm14, $0x1086, v1;
	v0 =	vsel vm3, $0x160D, v0  }
0x11e: {  	v1 =	vsel vm12, $0x1107, v1;
	v36 =	vsel vm14, $0x1088, v2;
	v0 =	vsel vm5, $0x168E, v0  }
0x11f: {  	v2 =	vsel vm13, $0x1009, v38;
	v24 =	vsel vm6, $0x170F, v0;
	v0 =	vsel vm3, $0x160E, v42  }
0x120: {  	v1 =	vsel vm11, $0x1188, v1;
	v2 =	vsel vm14, $0x108A, v2;
	v0 =	vsel vm5, $0x168F, v0  }
0x121: {  	v1 =	vsel vm10, $0x1209, v1;
	v25 =	vsel vm6, $0x1700, v0;
	v0 =	vsel vm12, $0x1106, v51  }
0x122: {  	v2 =	vsel vm12, $0x110B, v2;
	v1 =	vsel vm9, $0x128A, v1;
	v0 =	vsel vm11, $0x1187, v0  }
0x123: {  	v2 =	vsel vm11, $0x118C, v2;
	v1 =	vsel vm8, $0x130B, v1;
	v0 =	vsel vm10, $0x1208, v0  }
0x124: {  	v2 =	vsel vm10, $0x120D, v2;
	v1 =	vsel vm7, $0x138C, v1;
	v0 =	vsel vm9, $0x1289, v0  }
0x125: {  	v2 =	vsel vm9, $0x128E, v2;
	v1 =	vsel vm4, $0x140D, v1;
	v0 =	vsel vm8, $0x130A, v0  }
0x126: {  	v2 =	vsel vm8, $0x130F, v2;
	v1 =	vsel vm0, $0x148E, v1;
	v0 =	vsel vm7, $0x138B, v0  }
0x127: {  	v2 =	vsel vm7, $0x1380, v2;
	v1 =	vsel vm1, $0x150F, v1;
	v0 =	vsel vm4, $0x140C, v0  }
0x128: {  	v2 =	vsel vm4, $0x1401, v2;
	v32 =	vsel vm2, $0x1580, v1;
	v0 =	vsel vm0, $0x148D, v0  }
0x129: {  	v1 =	vsel vm3, $0x1602, v33;
	v2 =	vsel vm0, $0x1482, v2;
	v0 =	vsel vm1, $0x150E, v0  }
0x12a: {  	v1 =	vsel vm5, $0x1683, v1;
	v2 =	vsel vm1, $0x1503, v2;
	v0 =	vsel vm2, $0x158F, v0  }
0x12b: {  	v30 =	vsel vm6, $0x1704, v1;
	v1 =	vsel vm13, $0x1008, v37;
	v0 =	vsel vm3, $0x1600, v0  }
0x12c: {  	v40 =	vsel vm2, $0x1584, v2;
	v2 =	vsel vm13, $0x100A, v41;
	v0 =	vsel vm5, $0x1681, v0  }
0x12d: {  	v1 =	vsel vm14, $0x1089, v1;
	v28 =	vsel vm6, $0x1702, v0;
	v0 =	vsel vm3, $0x1601, v32  }
0x12e: {  	v37 =	vimm.s32 $0x178C;
	v1 =	vsel vm12, $0x110A, v1;
	v0 =	vsel vm5, $0x1682, v0  }
0x12f: {  	v1 =	vsel vm11, $0x118B, v1;
	v29 =	vsel vm6, $0x1703, v0;
	v0 =	vsel vm12, $0x1109, v36  }
0x130: {  	v42 =	vsel vm14, $0x108B, v2;
	v2 =	vsel vm13, $0x100C, v50;
	v0 =	vsel vm11, $0x118A, v0  }
0x131: {  	v1 =	vsel vm10, $0x120C, v1;
	v2 =	vsel vm14, $0x108D, v2;
	v0 =	vsel vm10, $0x120B, v0  }
0x132: {  	v1 =	vsel vm9, $0x128D, v1;
	v2 =	vsel vm12, $0x110E, v2;
	v0 =	vsel vm9, $0x128C, v0  }
0x133: {  	v1 =	vsel vm8, $0x130E, v1;
	v2 =	vsel vm11, $0x118F, v2;
	v0 =	vsel vm8, $0x130D, v0  }
0x134: {  	v1 =	vsel vm7, $0x138F, v1;
	v2 =	vsel vm10, $0x1200, v2;
	v0 =	vsel vm7, $0x138E, v0  }
0x135: {  	v1 =	vsel vm4, $0x1400, v1;
	v2 =	vsel vm9, $0x1281, v2;
	v0 =	vsel vm4, $0x140F, v0  }
0x136: {  	v1 =	vsel vm0, $0x1481, v1;
	v2 =	vsel vm8, $0x1302, v2;
	v0 =	vsel vm0, $0x1480, v0  }
0x137: {  	v1 =	vsel vm1, $0x1502, v1;
	v2 =	vsel vm7, $0x1383, v2;
	v0 =	vsel vm1, $0x1501, v0  }
0x138: {  	v39 =	vsel vm2, $0x1583, v1;
	v1 =	vsel vm3, $0x1605, v40;
	v0 =	vsel vm2, $0x1582, v0  }
0x139: {  	v2 =	vsel vm4, $0x1404, v2;
	v1 =	vsel vm5, $0x1686, v1;
	v0 =	vsel vm3, $0x1603, v0  }
0x13a: {  	v33 =	vsel vm6, $0x1707, v1;
	v1 =	vsel vm13, $0x100B, v44;
	v0 =	vsel vm5, $0x1684, v0  }
0x13b: {  	v1 =	vsel vm14, $0x108C, v1;
	v31 =	vsel vm6, $0x1705, v0;
	v0 =	vsel vm3, $0x1604, v39  }
0x13c: {  	v40 =	vimm.s32 $0x178E;
	v1 =	vsel vm12, $0x110D, v1;
	v0 =	vsel vm5, $0x1685, v0  }
0x13d: {  	v1 =	vsel vm11, $0x118E, v1;
	v32 =	vsel vm6, $0x1706, v0;
	v0 =	vsel vm12, $0x110C, v42  }
0x13e: {  	v2 =	vsel vm0, $0x1485, v2;
	v1 =	vsel vm10, $0x120F, v1;
	v0 =	vsel vm11, $0x118D, v0  }
0x13f: {  	v2 =	vsel vm1, $0x1506, v2;
	v1 =	vsel vm9, $0x1280, v1;
	v0 =	vsel vm10, $0x120E, v0  }
0x140: {  	v44 =	vimm.s32 $0x1F80;
	v1 =	vsel vm8, $0x1301, v1;
	v0 =	vsel vm9, $0x128F, v0  }
0x141: {  	v36 =	vsel vm2, $0x1587, v2;
	v2 =	vsel vm13, $0x100D, v37;
	v0 =	vsel vm8, $0x1300, v0  }
0x142: {  	v1 =	vsel vm7, $0x1382, v1;
	v38 =	vsel vm14, $0x108E, v2;
	v0 =	vsel vm7, $0x1381, v0  }
0x143: {  	v2 =	vsel vm13, $0x100F, v40;
	v1 =	vsel vm4, $0x1403, v1;
	v0 =	vsel vm4, $0x1402, v0  }
0x144: {  	v2 =	vsel vm14, $0x1080, v2;
	v1 =	vsel vm0, $0x1484, v1;
	v0 =	vsel vm0, $0x1483, v0  }
0x145: {  	v2 =	vsel vm12, $0x1101, v2;
	v1 =	vsel vm1, $0x1505, v1;
	v0 =	vsel vm1, $0x1504, v0  }
0x146: {  	v51 =	vsel vm2, $0x1586, v1;
	v1 =	vsel vm3, $0x1608, v36;
	v0 =	vsel vm2, $0x1585, v0  }
0x147: {  	v2 =	vsel vm11, $0x1182, v2;
	v1 =	vsel vm5, $0x1689, v1;
	v0 =	vsel vm3, $0x1606, v0  }
0x148: {  	v37 =	vsel vm6, $0x170A, v1;
	v39 =	vimm.s32 $0x178D;
	v0 =	vsel vm5, $0x1687, v0  }
0x149: {  	v1 =	vsel vm13, $0x100E, v39;
	v34 =	vsel vm6, $0x1708, v0;
	v0 =	vsel vm3, $0x1607, v51  }
0x14a: {  	v2 =	vsel vm10, $0x1203, v2;
	v1 =	vsel vm14, $0x108F, v1;
	v0 =	vsel vm5, $0x1688, v0  }
0x14b: {  	v1 =	vsel vm12, $0x1100, v1;
	v36 =	vsel vm6, $0x1709, v0;
	v0 =	vsel vm12, $0x110F, v38  }
0x14c: {  	v2 =	vsel vm9, $0x1284, v2;
	v1 =	vsel vm11, $0x1181, v1;
	v0 =	vsel vm11, $0x1180, v0  }
0x14d: {  	v2 =	vsel vm8, $0x1305, v2;
	v1 =	vsel vm10, $0x1202, v1;
	v0 =	vsel vm10, $0x1201, v0  }
0x14e: {  	v2 =	vsel vm7, $0x1386, v2;
	v1 =	vsel vm9, $0x1283, v1;
	v0 =	vsel vm9, $0x1282, v0  }
0x14f: {  	v2 =	vsel vm4, $0x1407, v2;
	v1 =	vsel vm8, $0x1304, v1;
	v0 =	vsel vm8, $0x1303, v0  }
0x150: {  	v2 =	vsel vm0, $0x1488, v2;
	v1 =	vsel vm7, $0x1385, v1;
	v0 =	vsel vm7, $0x1384, v0  }
0x151: {  	v2 =	vsel vm1, $0x1509, v2;
	v1 =	vsel vm4, $0x1406, v1;
	v0 =	vsel vm4, $0x1405, v0  }
0x152: {  	v42 =	vsel vm2, $0x158A, v2;
	v1 =	vsel vm0, $0x1487, v1;
	v0 =	vsel vm0, $0x1486, v0  }
0x153: {  	v2 =	vsel vm13, $0x1801, v44;
	v1 =	vsel vm1, $0x1508, v1;
	v0 =	vsel vm1, $0x1507, v0  }
0x154: {  	v41 =	vsel vm2, $0x1589, v1;
	v1 =	vsel vm3, $0x160B, v42;
	v0 =	vsel vm2, $0x1588, v0  }
0x155: {  	v50 =	vsel vm14, $0x1882, v2;
	v1 =	vsel vm5, $0x168C, v1;
	v0 =	vsel vm3, $0x1609, v0  }
0x156: {  	v40 =	vsel vm6, $0x170D, v1;
	v51 =	vimm.s32 $0x1F81;
	v0 =	vsel vm5, $0x168A, v0  }
0x157: {  	v1 =	vsel vm13, $0x1802, v51;
	v38 =	vsel vm6, $0x170B, v0;
	v0 =	vsel vm3, $0x160A, v41  }
0x158: {  	v1 =	vsel vm14, $0x1883, v1;
	v41 =	vimm.s32 $0x1F82;
	v0 =	vsel vm5, $0x168B, v0  }
0x159: {  	v2 =	vsel vm13, $0x1803, v41;
	v39 =	vsel vm6, $0x170C, v0;
	v0 =	vsel vm12, $0x1903, v50  }
0x15a: {  	v1 =	vsel vm12, $0x1904, v1;
	v2 =	vsel vm14, $0x1884, v2;
	v0 =	vsel vm11, $0x1984, v0  }
0x15b: {  	v1 =	vsel vm11, $0x1985, v1;
	v2 =	vsel vm12, $0x1905, v2;
	v0 =	vsel vm10, $0x1A05, v0  }
0x15c: {  	v1 =	vsel vm10, $0x1A06, v1;
	v2 =	vsel vm11, $0x1986, v2;
	v0 =	vsel vm9, $0x1A86, v0  }
0x15d: {  	v1 =	vsel vm9, $0x1A87, v1;
	v2 =	vsel vm10, $0x1A07, v2;
	v0 =	vsel vm8, $0x1B07, v0  }
0x15e: {  	v1 =	vsel vm8, $0x1B08, v1;
	v2 =	vsel vm9, $0x1A88, v2;
	v0 =	vsel vm7, $0x1B88, v0  }
0x15f: {  	v1 =	vsel vm7, $0x1B89, v1;
	v2 =	vsel vm8, $0x1B09, v2;
	v0 =	vsel vm4, $0x1C09, v0  }
0x160: {  	v1 =	vsel vm4, $0x1C0A, v1;
	v2 =	vsel vm7, $0x1B8A, v2;
	v0 =	vsel vm0, $0x1C8A, v0  }
0x161: {  	v1 =	vsel vm0, $0x1C8B, v1;
	v2 =	vsel vm4, $0x1C0B, v2;
	v0 =	vsel vm1, $0x1D0B, v0  }
0x162: {  	v1 =	vsel vm1, $0x1D0C, v1;
	v2 =	vsel vm0, $0x1C8C, v2;
	v0 =	vsel vm2, $0x1D8C, v0  }
0x163: {  	v42 =	vsel vm2, $0x1D8D, v1;
	v2 =	vsel vm1, $0x1D0D, v2;
	v0 =	vsel vm3, $0x1E0D, v0  }
0x164: {  	v50 =	vimm.s32 $0x1F83;
	v44 =	vsel vm2, $0x1D8E, v2;
	v0 =	vsel vm5, $0x1E8E, v0  }
0x165: {  	v2 =	vsel vm13, $0x1804, v50;
	v41 =	vsel vm6, $0x1F0F, v0;
	v0 =	vsel vm3, $0x1E0E, v42  }
0x166: {  	v1 =	vsel vm3, $0x1E0F, v44;
	v44 =	vsel vm14, $0x1885, v2;
	v0 =	vsel vm5, $0x1E8F, v0  }
0x167: {  	v7 =	vsel vm2, $0x1D87, v7;
	v42 =	vsel vm6, $0x1F00, v0;
	v0 =	vsel vm12, $0x1906, v44  }
0x168: {  	v4 =	vsel vm3, $0x1E05, v4;
	v5 =	vsel vm3, $0x1E06, v5;
	v0 =	vsel vm11, $0x1987, v0  }
0x169: {  	v50 =	vimm.s32 $0x1F84;
	v1 =	vsel vm5, $0x1E80, v1;
	v0 =	vsel vm10, $0x1A08, v0  }
0x16a: {  	v51 =	vsel vm6, $0x1F01, v1;
	v1 =	vsel vm13, $0x1805, v50;
	v0 =	vsel vm9, $0x1A89, v0  }
0x16b: {  	v6 =	vsel vm3, $0x1E07, v6;
	v1 =	vsel vm14, $0x1886, v1;
	v0 =	vsel vm8, $0x1B0A, v0  }
0x16c: {  	v4 =	vsel vm5, $0x1E86, v4;
	v1 =	vsel vm12, $0x1907, v1;
	v0 =	vsel vm7, $0x1B8B, v0  }
0x16d: {  	v5 =	vsel vm5, $0x1E87, v5;
	v1 =	vsel vm11, $0x1988, v1;
	v0 =	vsel vm4, $0x1C0C, v0  }
0x16e: {  	v6 =	vsel vm5, $0x1E88, v6;
	v1 =	vsel vm10, $0x1A09, v1;
	v0 =	vsel vm0, $0x1C8D, v0  }
0x16f: {  	v4 =	vsel vm6, $0x1F07, v4;
	v1 =	vsel vm9, $0x1A8A, v1;
	v0 =	vsel vm1, $0x1D0E, v0  }
0x170: {  	[tilespmem:$0x1FC40] =	vst v4;
	v4 =	vsel vm6, $0x1F08, v5;
	v1 =	vsel vm8, $0x1B0B, v1;
	v0 =	vsel vm2, $0x1D8F, v0  }
0x171: {  	s0 =	rddreg [dreg:$0x0];
	[tilespmem:$0x1FC50] =	vst v4;
	v4 =	vsel vm6, $0x1F09, v6;
	v1 =	vsel vm7, $0x1B8C, v1;
	v0 =	vsel vm3, $0x1E00, v0  }
0x172: {  	s1 =	rddreg [dreg:$0x1];
	s5 =	srdreg.scid;
	v7 =	vsel vm3, $0x1E08, v7;
	[tilespmem:$0x1FC60] =	vst v4;
	v1 =	vsel vm4, $0x1C0D, v1;
	v0 =	vsel vm5, $0x1E81, v0  }
0x173: {  	s3 =	rddreg [dreg:$0x2];
	s6 =	sand.u32 $0x1, s5;
	s5 =	simm.s32 $0x0;
	v7 =	vsel vm5, $0x1E89, v7;
	[tilespmem:$0x1FC20] =	vst v51;
	v1 =	vsel vm0, $0x1C8E, v1;
	v0 =	vsel vm6, $0x1F02, v0  }
0x174: {  	[smem:$0x7FF] =	sst s5;
	v1 =	vsel vm1, $0x1D0F, v1;
	[tilespmem:$0x1FC30] =	vst v0  }
0x175: {  	s2 =	rddreg [dreg:$0x3];
	v44 =	vsel vm2, $0x1D80, v1;
	_ =	strace $0x80000047;
	[tilespmem:$0x1FCA0] =	vst v48  }
0x176: {  	v0 =	vsel vm3, $0x1E01, v44;
	v44 =	vsel vm6, $0x1F0A, v7;
	v7 =	vmov v9;
	[tilespmem:$0x1FCB0] =	vst v49  }
0x177: {  	v3 =	vimm.s32 $0x1F87;
	[tilespmem:$0x1FCC0] =	vst v7  }
0x178: {  	v3 =	vsel vm13, $0x1808, v3;
	[tilespmem:$0x1FCD0] =	vst v52  }
0x179: {  	v3 =	vsel vm14, $0x1889, v3;
	[tilespmem:$0x1FCE0] =	vst v58  }
0x17a: {  	v3 =	vsel vm12, $0x190A, v3;
	[tilespmem:$0x1FCF0] =	vst v43  }
0x17b: {  	v3 =	vsel vm11, $0x198B, v3;
	[tilespmem:$0x1FD00] =	vst v21  }
0x17c: {  	v3 =	vsel vm10, $0x1A0C, v3;
	[tilespmem:$0x1FD10] =	vst v19  }
0x17d: {  	v3 =	vsel vm9, $0x1A8D, v3;
	[tilespmem:$0x1FD20] =	vst v22  }
0x17e: {  	v3 =	vsel vm8, $0x1B0E, v3;
	[tilespmem:$0x1FD30] =	vst v23  }
0x17f: {  	v3 =	vsel vm7, $0x1B8F, v3;
	[tilespmem:$0x1FD40] =	vst v24  }
0x180: {  	v3 =	vsel vm4, $0x1C00, v3;
	[tilespmem:$0x1FD50] =	vst v25  }
0x181: {  	v3 =	vsel vm0, $0x1C81, v3;
	[tilespmem:$0x1FD60] =	vst v26  }
0x182: {  	v3 =	vsel vm1, $0x1D02, v3;
	[tilespmem:$0x1FD70] =	vst v28  }
0x183: {  	v3 =	vsel vm2, $0x1D83, v3;
	[tilespmem:$0x1FD80] =	vst v29  }
0x184: {  	v3 =	vsel vm3, $0x1E04, v3;
	v5 =	vmov v8;
	v8 =	vimm.s32 $0x1F8C;
	[tilespmem:$0x1FD90] =	vst v30  }
0x185: {  	v3 =	vsel vm5, $0x1E85, v3;
	v4 =	vmovc v10;
	v10 =	vimm.s32 $0x1F8E;
	v8 =	vsel vm13, $0x180D, v8;
	[tilespmem:$0x1FDA0] =	vst v31  }
0x186: {  	v10 =	vsel vm13, $0x180F, v10;
	v8 =	vsel vm14, $0x188E, v8;
	v51 =	vimm.s32 $0x1F85;
	[tilespmem:$0x1FDB0] =	vst v32  }
0x187: {  	v10 =	vsel vm14, $0x1880, v10;
	v8 =	vsel vm12, $0x190F, v8;
	v2 =	vsel vm13, $0x1806, v51;
	[tilespmem:$0x1FDC0] =	vst v33  }
0x188: {  	v10 =	vsel vm12, $0x1901, v10;
	v8 =	vsel vm11, $0x1980, v8;
	v2 =	vsel vm14, $0x1887, v2;
	[tilespmem:$0x1FDD0] =	vst v34  }
0x189: {  	v10 =	vsel vm11, $0x1982, v10;
	v8 =	vsel vm10, $0x1A01, v8;
	v2 =	vsel vm12, $0x1908, v2;
	[tilespmem:$0x1FDE0] =	vst v18  }
0x18a: {  	v10 =	vsel vm10, $0x1A03, v10;
	v8 =	vsel vm9, $0x1A82, v8;
	v2 =	vsel vm11, $0x1989, v2;
	[tilespmem:$0x1FDF0] =	vst v36  }
0x18b: {  	v10 =	vsel vm9, $0x1A84, v10;
	v8 =	vsel vm8, $0x1B03, v8;
	v2 =	vsel vm10, $0x1A0A, v2;
	[tilespmem:$0x1FE00] =	vst v37  }
0x18c: {  	v10 =	vsel vm8, $0x1B05, v10;
	v8 =	vsel vm7, $0x1B84, v8;
	v2 =	vsel vm9, $0x1A8B, v2;
	[tilespmem:$0x1FE10] =	vst v12  }
0x18d: {  	v10 =	vsel vm7, $0x1B86, v10;
	v8 =	vsel vm4, $0x1C05, v8;
	v2 =	vsel vm8, $0x1B0C, v2;
	[tilespmem:$0x1FE20] =	vst v5  }
0x18e: {  	v10 =	vsel vm4, $0x1C07, v10;
	v8 =	vsel vm0, $0x1C86, v8;
	v2 =	vsel vm7, $0x1B8D, v2;
	[tilespmem:$0x1FE30] =	vst v38  }
0x18f: {  	v10 =	vsel vm0, $0x1C88, v10;
	v8 =	vsel vm1, $0x1D07, v8;
	v2 =	vsel vm4, $0x1C0E, v2;
	[tilespmem:$0x1FE40] =	vst v39  }
0x190: {  	v10 =	vsel vm1, $0x1D09, v10;
	v8 =	vsel vm2, $0x1D88, v8;
	v2 =	vsel vm0, $0x1C8F, v2;
	[tilespmem:$0x1FE50] =	vst v40  }
0x191: {  	v8 =	vsel vm3, $0x1E09, v8;
	v51 =	vimm.s32 $0x1F86;
	v2 =	vsel vm1, $0x1D00, v2;
	[tilespmem:$0x1FE60] =	vst v41  }
0x192: {  	v50 =	vsel vm2, $0x1D81, v2;
	v2 =	vsel vm13, $0x1807, v51;
	v51 =	vsel vm6, $0x1F06, v3;
	[tilespmem:$0x1FE70] =	vst v42  }
0x193: {  	v10 =	vsel vm2, $0x1D8A, v10;
	v8 =	vsel vm5, $0x1E8A, v8;
	[tilespmem:$0x1FEB0] =	vst v51  }
0x194: {  	v10 =	vsel vm3, $0x1E0B, v10;
	v8 =	vsel vm6, $0x1F0B, v8;
	[tilespmem:$0x1FEC0] =	vst v44  }
0x195: {  	v3 =	vsel vm5, $0x1E8C, v10;
	[tilespmem:$0x1FED0] =	vst v8  }
0x196: {  	v3 =	vsel vm6, $0x1F0D, v3;
	[tilespmem:$0x1FEE0] =	vst v45  }
0x197: {  	[tilespmem:$0x1FF00] =	vst v3  }
0x198: {  	[tilespmem:$0x1FF10] =	vst v46  }
0x199: {  	v9 =	vimm.s32 $0x1F8D;
	[tilespmem:$0x1FF20] =	vst v47  }
0x19a: {  	v2 =	vsel vm14, $0x1888, v2;
	v9 =	vsel vm13, $0x180E, v9;
	[tilespmem:$0x1FF30] =	vst v4  }
0x19b: {  	v2 =	vsel vm12, $0x1909, v2;
	[tilespmem:$0x1FF40] =	vst v35;
	v9 =	vsel vm14, $0x188F, v9  }
0x19c: {  	[tilespmem:$0x1FF60] =	vst v27;
	v2 =	vsel vm11, $0x198A, v2;
	v9 =	vsel vm12, $0x1900, v9  }
0x19d: {  	[tilespmem:$0x1FF70] =	vst v63;
	v2 =	vsel vm10, $0x1A0B, v2;
	v9 =	vsel vm11, $0x1981, v9  }
0x19e: {  	[tilespmem:$0x1FF80] =	vst v59;
	v2 =	vsel vm9, $0x1A8C, v2;
	v9 =	vsel vm10, $0x1A02, v9  }
0x19f: {  	[tilespmem:$0x1FF90] =	vst v53;
	v2 =	vsel vm8, $0x1B0D, v2;
	v9 =	vsel vm9, $0x1A83, v9  }
0x1a0: {  	[tilespmem:$0x1FFA0] =	vst v60;
	v2 =	vsel vm7, $0x1B8E, v2;
	v9 =	vsel vm8, $0x1B04, v9  }
0x1a1: {  	v1 =	vsel vm3, $0x1E02, v50;
	[tilespmem:$0x1FFB0] =	vst v61;
	v2 =	vsel vm4, $0x1C0F, v2;
	v9 =	vsel vm7, $0x1B85, v9  }
0x1a2: {  	v0 =	vsel vm5, $0x1E82, v0;
	[tilespmem:$0x1FFC0] =	vst v54;
	v2 =	vsel vm0, $0x1C80, v2;
	v9 =	vsel vm4, $0x1C06, v9  }
0x1a3: {  	v1 =	vsel vm5, $0x1E83, v1;
	[tilespmem:$0x1FFD0] =	vst v55;
	v2 =	vsel vm1, $0x1D01, v2;
	v9 =	vsel vm0, $0x1C87, v9  }
0x1a4: {  	[tilespmem:$0x1FFE0] =	vst v62;
	v0 =	vsel vm6, $0x1F03, v0;
	v2 =	vsel vm2, $0x1D82, v2;
	v9 =	vsel vm1, $0x1D08, v9  }
0x1a5: {  	s4 =	stileid.u32;
	s12 =	simm.s32 $0x400;
	[tilespmem:$0x1FFF0] =	vst v56;
	v1 =	vsel vm6, $0x1F04, v1;
	v2 =	vsel vm3, $0x1E03, v2;
	v9 =	vsel vm2, $0x1D89, v9  }
0x1a6: {  	s13 =	simm.s32 $0x7A1400;
	s14 =	simm.s32 $0x2000;
	s15 =	simm.s32 $0x1;
	[tilespmem:$0x1FE80] =	vst v0;
	v2 =	vsel vm5, $0x1E84, v2;
	v11 =	vsel vm3, $0x1E0A, v9;
	v9 =	vlaneseq.u32  }
0x1a7: {  	s16 =	simm.s32 $0x4000;
	s17 =	simm.s32 $0x2;
	s18 =	simm.s32 $0x4;
	[tilespmem:$0x1FE90] =	vst v1;
	v2 =	vsel vm6, $0x1F05, v2;
	v15 =	vmul.u32 $0x80, v9  }
0x1a8: {  	s19 =	simm.s32 $0x8000;
	s21 =	simm.s32 $0xC000;
	s22 =	simm.s32 $0x5;
	v11 =	vsel vm5, $0x1E8B, v11;
	[tilespmem:$0x1FEA0] =	vst v2  }
.Ltmp0:
0x1a9: {  	s23 =	simm.s32 $0x0;
	s8 =	sshll.u32 s4, $0x1;
	v10 =	vmul.u32 $0x81, v9;
	v11 =	vsel vm6, $0x1F0C, v11;
	[tilespmem:$0x1FC70] =	vst v15;
	(pc) =	sbr.rel .LBB2_1-.Ltmp0, $4  }
0x1aa: {  	s10 =	sadd.s32 $0xF42000, s3;
	s7 =	ssub.s32 $0x2, s6;
	s20 =	sor.u32 s6, s8;
	[tilespmem:$0x1FEF0] =	vst v11  }
0x1ab: {  	s9 =	sshrl.u32 s7, $0x1;
	s6 =	sshll.u32 s20, $0x7;
	p0 =	sne.s32 s20, $0x0;
	v15 =	vor.u32 $0x800, v10;
	[tilespmem:$0x1FF50] =	vst v10  }
0x1ac: {  	s20 =	simm.s32 $0x3;
	s11 =	ssub.s32 s7, s9;
	s7 =	sadd.s32 s0, s6;
	v17 =	vor.u32 $0x1000, v10;
	[tilespmem:$0x1FC80] =	vst v15  }
0x1ad: {  	s8 =	sor.u32 $0x1000, s6;
	s9 =	sor.u32 $0x2000, s6;
	s11 =	smax.u32 s11, $0x1;
	v15 =	vor.u32 $0x10, v9;
	[tilespmem:$0x1FC90] =	vst v17  }
.LBB2_15:
0x1ae: {  	s23 =	sadd.s32 $0x1, s23  }
0x1af: {  	p1 =	sne.s32 s23, s11  }
.Ltmp1:
0x1b0: {  	_ = 	snop;
	(pc) =	sbr.rel @!p1 .LBB2_16-.Ltmp1, $1  }
0x1b1: {  	_ =	sdelay $0x3  }
.LBB2_1:
0x1b2: {  	v13 =	vld [tilespmem:$0x1FBD0]  }
0x1b3: {  	v14 =	vld [tilespmem:$0x1FBE0]  }
0x1b4: {  	[tilespmem:s5], [sflag:$0x1] =	stream.strided.gather [hbm4b:s7+s12], $0x2000, s13, s12, $0x38;
	v16 =	vld [tilespmem:$0x1FBF0]  }
0x1b5: {  	s24 =	simm.s32 $0x0;
	v3 =	vld [tilespmem:$0x1FC00]  }
.LBB2_2:
0x1b6: {  	s26 =	sshll.u32 s24, $0xD  }
0x1b7: {  	s25 =	sor.u32 s8, s26  }
0x1b8: {  	s25 =	smin.u32 s25, $0xF4180  }
0x1b9: {  	s28 =	sadd.s32 s0, s25  }
0x1ba: {  	[tilespmem:s14], [sflag:$0x2] =	stream.strided.gather [hbm4b:s28+s12], $0x2000, s13, s12, $0x38;
	[tilespmem:$0xE000] =	vst v63  }
0x1bb: {  	_ =	swait.ge [sflag:s15], $0x2000  }
0x1bc: {  	v0 =	vld [tilespmem:$0x1FB60];
	_ =	sdelay $0x3  }
0x1bd: {  	s28 =	simm.s32 $0x0  }
0x1be: {  	v17 =	vor.u32 s28, v0;
	v0 =	vld [tilespmem:$0x1FB50];
	_ =	sdelay $0x1  }
0x1bf: {  	p1 =	seq.s32 s24, $0x0;
	[sflag:s15] =	ssyncset.done $0x0  }
0x1c0: {  	s29 =	simm.s32 @!p1 $0x3;
	[sflag:s15] =	ssyncadd.s32 $0xFFFFE000  }
0x1c1: {  	v8 =	vmov v49;
	v49 =	vmov v48;
	_ =	swait.ge @!p1 [sflag:s29], $0x4000  }
0x1c2: {  	v48 =	vmovc v47;
	v47 =	vmovc v46;
	v46 =	vmov v45;
	v45 =	vmov v18;
	v18 =	vor.u32 s28, v0;
	v0 =	vld [tilespmem:$0x1FB40];
	_ =	sdelay $0x4  }
0x1c3: {  	v6 =	vmov v19;
	v19 =	vor.u32 s28, v0;
	v0 =	vld [tilespmem:$0x1FB30];
	_ =	sdelay $0x3  }
0x1c4: {  	[sflag:s29] =	ssyncset.done @!p1 $0x0  }
0x1c5: {  	[sflag:s29] =	ssyncadd.s32 @!p1 $0xFFFFC000;
	v20 =	vor.u32 s28, v0;
	v0 =	vld [tilespmem:$0x1FB20]  }
0x1c6: {  	v1 =	vld.idx.msk [tilespmem:v19+s5+$0x0], $0xffff;
	_ =	sdelay $0x4  }
0x1c7: {  	v21 =	vor.u32 s28, v0;
	[tilespmem:$0x1FB00] =	vst v1;
	v1 =	vld.idx.msk [tilespmem:v20+s5+$0x0], $0xffff  }
0x1c8: {  	v22 =	vor.u32 s28, v63  }
0x1c9: {  	v23 =	vor.u32 s28, v62  }
0x1ca: {  	v24 =	vor.u32 s28, v61  }
0x1cb: {  	v25 =	vor.u32 s28, v60;
	v2 =	vld [tilespmem:$0x1FBB0]  }
0x1cc: {  	[tilespmem:$0x1FAF0] =	vst v1;
	v1 =	vld.idx.msk [tilespmem:v21+s5+$0x0], $0xffff  }
0x1cd: {  	v38 =	vld.idx.msk [tilespmem:v22+s5+$0x0], $0xffff  }
0x1ce: {  	v26 =	vor.u32 s28, v54;
	v39 =	vld.idx.msk [tilespmem:v23+s5+$0x0], $0xffff  }
0x1cf: {  	v22 =	vor.u32 s28, v57;
	v37 =	vld.idx.msk [tilespmem:v24+s5+$0x0], $0xffff  }
0x1d0: {  	v23 =	vor.u32 s28, v53;
	v36 =	vld.idx.msk [tilespmem:v25+s5+$0x0], $0xffff  }
0x1d1: {  	v24 =	vmov s28;
	[tilespmem:$0x1FAE0] =	vst v1;
	v1 =	vld [tilespmem:$0x1FC70]  }
0x1d2: {  	v40 =	vshll.u32 v24, $0x7;
	v44 =	vld.idx.msk [tilespmem:v17+s5+$0x0], $0xffff;
	v21 =	vor.u32 s28, v10  }
0x1d3: {  	v31 =	vor.u32 v27, v40;
	v27 =	vld.idx.msk [tilespmem:v26+s5+$0x0], $0xffff  }
0x1d4: {  	v32 =	vld.idx.msk [tilespmem:v22+s5+$0x0], $0xffff;
	v20 =	vor.u32 s28, v59  }
0x1d5: {  	v41 =	vld.idx.msk [tilespmem:v23+s5+$0x0], $0xffff  }
0x1d6: {  	v24 =	vor.u32 s28, v55;
	v22 =	vor.u32 v3, v40;
	v3 =	vld [tilespmem:$0x1FBC0];
	v30 =	vor.u32 v1, v40  }
0x1d7: {  	v25 =	vor.u32 s28, v56;
	v21 =	vld.idx.msk [tilespmem:v21+s5+$0x0], $0xffff;
	v29 =	vor.u32 v9, v30  }
0x1d8: {  	v42 =	vor.u32 v9, v31;
	v50 =	vld.idx.msk [tilespmem:v18+s5+$0x0], $0xffff  }
0x1d9: {  	v26 =	vor.u32 v9, v22;
	v33 =	vld.idx.msk [tilespmem:v20+s5+$0x0], $0xffff;
	v20 =	vor.u32 v16, v40  }
0x1da: {  	v34 =	vor.u32 v14, v40;
	v18 =	vor.u32 v9, v20;
	v1 =	vld [tilespmem:$0x1FBA0]  }
0x1db: {  	v17 =	vor.u32 v9, v34;
	v23 =	vor.u32 v13, v40;
	v28 =	vld.idx.msk [tilespmem:v24+s5+$0x0], $0xffff  }
0x1dc: {  	v35 =	vor.u32 v35, v40;
	v19 =	vld.idx.msk [tilespmem:v25+s5+$0x0], $0xffff;
	[tilespmem:v29+s16+$0x0] =	vst.idx.msk $0xffff, v21;
	v29 =	vor.u32 v9, v23  }
0x1dd: {  	v24 =	vor.u32 v3, v40;
	[tilespmem:v42+s16+$0x0] =	vst.idx.msk $0xffff, v32;
	v32 =	vor.u32 v9, v35  }
0x1de: {  	v21 =	vor.u32 v2, v40;
	[tilespmem:v26+s16+$0x0] =	vst.idx.msk $0xffff, v41;
	v41 =	vor.u32 v9, v24  }
0x1df: {  	v26 =	vor.u32 v1, v40;
	[tilespmem:v18+s16+$0x0] =	vst.idx.msk $0xffff, v27;
	v18 =	vor.u32 v9, v21  }
0x1e0: {  	v25 =	vor.u32 v4, v40;
	[tilespmem:v17+s16+$0x0] =	vst.idx.msk $0xffff, v28;
	v17 =	vor.u32 v9, v26  }
0x1e1: {  	v27 =	vor.u32 v5, v40;
	[tilespmem:v29+s16+$0x0] =	vst.idx.msk $0xffff, v19;
	v19 =	vor.u32 v9, v25  }
0x1e2: {  	v42 =	vor.u32 v9, v27;
	v29 =	vor.u32 v12, v40;
	v12 =	vld [tilespmem:$0x1FAE0];
	[tilespmem:v32+s16+$0x0] =	vst.idx.msk $0xffff, v33  }
0x1e3: {  	[tilespmem:v41+s16+$0x0] =	vst.idx.msk $0xffff, v36  }
0x1e4: {  	[tilespmem:v18+s16+$0x0] =	vst.idx.msk $0xffff, v37  }
0x1e5: {  	v28 =	vld [tilespmem:$0x1FB90];
	[tilespmem:v17+s16+$0x0] =	vst.idx.msk $0xffff, v39  }
0x1e6: {  	v41 =	vld [tilespmem:$0x1FB80];
	[tilespmem:v19+s16+$0x0] =	vst.idx.msk $0xffff, v38  }
0x1e7: {  	v36 =	vor.u32 v9, v29;
	[tilespmem:v42+s16+$0x0] =	vst.idx.msk $0xffff, v12;
	v12 =	vld [tilespmem:$0x1FAF0];
	_ =	sdelay $0x3  }
0x1e8: {  	v28 =	vor.u32 v28, v40  }
0x1e9: {  	v18 =	vor.u32 v9, v28;
	v32 =	vor.u32 v41, v40;
	[tilespmem:v36+s16+$0x0] =	vst.idx.msk $0xffff, v12;
	v12 =	vld [tilespmem:$0x1FB00]  }
0x1ea: {  	v17 =	vor.u32 v9, v32;
	_ =	sdelay $0x2  }
0x1eb: {  	v37 =	vld [tilespmem:$0x1FB70]  }
0x1ec: {  	[tilespmem:v18+s16+$0x0] =	vst.idx.msk $0xffff, v12  }
0x1ed: {  	[tilespmem:v17+s16+$0x0] =	vst.idx.msk $0xffff, v50;
	v17 =	vld [tilespmem:$0x1FD00];
	_ =	sdelay $0x1  }
0x1ee: {  	v41 =	vld [tilespmem:$0x1FD30]  }
0x1ef: {  	v42 =	vld [tilespmem:$0x1FD20];
	v33 =	vor.u32 v37, v40  }
0x1f0: {  	v19 =	vor.u32 v9, v33  }
0x1f1: {  	v17 =	vor.u32 s28, v17;
	_ =	sdelay $0x1  }
0x1f2: {  	v37 =	vor.u32 s28, v41  }
0x1f3: {  	v36 =	vor.u32 s28, v42;
	v18 =	vld [tilespmem:$0x1FC10]  }
0x1f4: {  	v38 =	vor.u32 s28, v58;
	[tilespmem:v19+s16+$0x0] =	vst.idx.msk $0xffff, v44  }
0x1f5: {  	v39 =	vor.u32 s28, v48;
	v16 =	vld.idx.msk [tilespmem:v17+s5+$0x0], $0xffff  }
0x1f6: {  	v40 =	vor.u32 s28, v47;
	v17 =	vld [tilespmem:$0x1FC80]  }
0x1f7: {  	v41 =	vor.u32 s28, v46;
	v12 =	vld.idx.msk [tilespmem:v37+s5+$0x0], $0xffff  }
0x1f8: {  	v13 =	vld.idx.msk [tilespmem:v36+s5+$0x0], $0xffff;
	v18 =	vor.u32 s28, v18  }
0x1f9: {  	v48 =	vor.u32 s28, v45;
	v19 =	vor.u32 s28, v43;
	v45 =	vld.idx.msk [tilespmem:v38+s5+$0x0], $0xffff  }
0x1fa: {  	v46 =	vld.idx.msk [tilespmem:v39+s5+$0x0], $0xffff  }
0x1fb: {  	v47 =	vld.idx.msk [tilespmem:v40+s5+$0x0], $0xffff;
	v50 =	vor.u32 s28, v17  }
0x1fc: {  	v41 =	vld.idx.msk [tilespmem:v41+s5+$0x0], $0xffff;
	v17 =	vor.u32 s28, v8  }
0x1fd: {  	v14 =	vld.idx.msk [tilespmem:v18+s5+$0x0], $0xffff;
	v18 =	vor.u32 s28, v6  }
0x1fe: {  	v44 =	vld.idx.msk [tilespmem:v19+s5+$0x0], $0xffff;
	v19 =	vor.u32 s28, v7  }
0x1ff: {  	v42 =	vld.idx.msk [tilespmem:v48+s5+$0x0], $0xffff;
	v36 =	vor.u32 s28, v52  }
0x200: {  	v37 =	vor.u32 s28, v49;
	v38 =	vld.idx.msk [tilespmem:v50+s5+$0x0], $0xffff  }
0x201: {  	v48 =	vld.idx.msk [tilespmem:v17+s5+$0x0], $0xffff;
	v17 =	vor.u32 v15, v30  }
0x202: {  	v40 =	vld.idx.msk [tilespmem:v18+s5+$0x0], $0xffff;
	v18 =	vor.u32 v15, v31  }
0x203: {  	v49 =	vld.idx.msk [tilespmem:v19+s5+$0x0], $0xffff;
	v19 =	vor.u32 v15, v22  }
0x204: {  	v50 =	vld.idx.msk [tilespmem:v36+s5+$0x0], $0xffff;
	v36 =	vor.u32 v15, v20  }
0x205: {  	v39 =	vld.idx.msk [tilespmem:v37+s5+$0x0], $0xffff;
	v37 =	vor.u32 v15, v34  }
0x206: {  	[tilespmem:v17+s16+$0x0] =	vst.idx.msk $0xffff, v38;
	v17 =	vor.u32 v15, v23  }
0x207: {  	[tilespmem:v18+s16+$0x0] =	vst.idx.msk $0xffff, v42;
	v18 =	vor.u32 v15, v35  }
0x208: {  	[tilespmem:v19+s16+$0x0] =	vst.idx.msk $0xffff, v41;
	v19 =	vor.u32 v15, v24  }
0x209: {  	v42 =	vor.u32 v15, v21;
	[tilespmem:v36+s16+$0x0] =	vst.idx.msk $0xffff, v47  }
0x20a: {  	v47 =	vor.u32 v15, v26;
	[tilespmem:v37+s16+$0x0] =	vst.idx.msk $0xffff, v46  }
0x20b: {  	[tilespmem:v17+s16+$0x0] =	vst.idx.msk $0xffff, v39;
	v17 =	vor.u32 v15, v25  }
0x20c: {  	[tilespmem:v18+s16+$0x0] =	vst.idx.msk $0xffff, v48;
	v18 =	vor.u32 v15, v27  }
0x20d: {  	[tilespmem:v19+s16+$0x0] =	vst.idx.msk $0xffff, v40  }
0x20e: {  	[tilespmem:v42+s16+$0x0] =	vst.idx.msk $0xffff, v49  }
0x20f: {  	[tilespmem:v47+s16+$0x0] =	vst.idx.msk $0xffff, v50  }
0x210: {  	[tilespmem:v17+s16+$0x0] =	vst.idx.msk $0xffff, v45  }
0x211: {  	[tilespmem:v18+s16+$0x0] =	vst.idx.msk $0xffff, v44;
	v18 =	vld [tilespmem:$0x1FD80]  }
0x212: {  	v19 =	vor.u32 v15, v29  }
0x213: {  	v41 =	vor.u32 v15, v28  }
0x214: {  	v42 =	vor.u32 v15, v32  }
0x215: {  	v17 =	vor.u32 v15, v33  }
0x216: {  	v18 =	vor.u32 s28, v18  }
0x217: {  	[tilespmem:v19+s16+$0x0] =	vst.idx.msk $0xffff, v16  }
0x218: {  	[tilespmem:v41+s16+$0x0] =	vst.idx.msk $0xffff, v14  }
0x219: {  	[tilespmem:v42+s16+$0x0] =	vst.idx.msk $0xffff, v13  }
0x21a: {  	[tilespmem:v17+s16+$0x0] =	vst.idx.msk $0xffff, v12  }
0x21b: {  	v44 =	vld.idx.msk [tilespmem:v18+s5+$0x0], $0xffff  }
0x21c: {  	v18 =	vld [tilespmem:$0x1FE40];
	_ =	sdelay $0x3  }
0x21d: {  	v17 =	vld [tilespmem:$0x1FE30]  }
0x21e: {  	v48 =	vor.u32 s28, v18;
	v18 =	vld [tilespmem:$0x1FE50];
	_ =	sdelay $0x3  }
0x21f: {  	v46 =	vld [tilespmem:$0x1FD70];
	v17 =	vor.u32 s28, v17  }
0x220: {  	v49 =	vor.u32 s28, v18;
	v18 =	vld [tilespmem:$0x1FDF0];
	_ =	sdelay $0x1  }
0x221: {  	v19 =	vld [tilespmem:$0x1FD90]  }
0x222: {  	v47 =	vld [tilespmem:$0x1FE00]  }
0x223: {  	v36 =	vor.u32 s28, v46;
	v14 =	vld.idx.msk [tilespmem:v17+s5+$0x0], $0xffff  }
0x224: {  	v50 =	vor.u32 s28, v18;
	v18 =	vld [tilespmem:$0x1FD40]  }
0x225: {  	v17 =	vld [tilespmem:$0x1FC90]  }
0x226: {  	v19 =	vor.u32 s28, v19;
	_ =	sdelay $0x1  }
0x227: {  	v37 =	vor.u32 s28, v47;
	v47 =	vld.idx.msk [tilespmem:v36+s5+$0x0], $0xffff  }
0x228: {  	v36 =	vor.u32 s28, v18;
	v18 =	vld [tilespmem:$0x1FD50]  }
0x229: {  	v41 =	vld [tilespmem:$0x1FDB0];
	v17 =	vor.u32 s28, v17  }
0x22a: {  	v45 =	vld.idx.msk [tilespmem:v19+s5+$0x0], $0xffff  }
0x22b: {  	v19 =	vld [tilespmem:$0x1FD60]  }
0x22c: {  	v16 =	vld.idx.msk [tilespmem:v48+s5+$0x0], $0xffff  }
0x22d: {  	v42 =	vor.u32 s28, v18;
	v18 =	vld [tilespmem:$0x1FDC0]  }
0x22e: {  	v40 =	vld.idx.msk [tilespmem:v17+s5+$0x0], $0xffff  }
0x22f: {  	v17 =	vld [tilespmem:$0x1FDD0]  }
0x230: {  	v19 =	vor.u32 s28, v19;
	v12 =	vld.idx.msk [tilespmem:v49+s5+$0x0], $0xffff  }
0x231: {  	v49 =	vld [tilespmem:$0x1FDA0]  }
0x232: {  	v18 =	vor.u32 s28, v18;
	v48 =	vld.idx.msk [tilespmem:v42+s5+$0x0], $0xffff;
	_ =	sdelay $0x1  }
0x233: {  	v13 =	vld.idx.msk [tilespmem:v37+s5+$0x0], $0xffff  }
0x234: {  	v37 =	vor.u32 s28, v41;
	v41 =	vld.idx.msk [tilespmem:v19+s5+$0x0], $0xffff  }
0x235: {  	v39 =	vor.u32 s28, v17;
	v17 =	vor.u32 $0x20, v9;
	v46 =	vld.idx.msk [tilespmem:v50+s5+$0x0], $0xffff  }
0x236: {  	v38 =	vor.u32 s28, v49;
	[tilespmem:$0x1FB10] =	vst v48;
	v48 =	vld.idx.msk [tilespmem:v18+s5+$0x0], $0xffff;
	v18 =	vor.u32 v17, v30  }
0x237: {  	v19 =	vor.u32 v17, v31;
	v50 =	vld.idx.msk [tilespmem:v36+s5+$0x0], $0xffff;
	_ =	sdelay $0x1  }
0x238: {  	v49 =	vld.idx.msk [tilespmem:v37+s5+$0x0], $0xffff  }
0x239: {  	v39 =	vld.idx.msk [tilespmem:v39+s5+$0x0], $0xffff  }
0x23a: {  	v42 =	vld.idx.msk [tilespmem:v38+s5+$0x0], $0xffff;
	[tilespmem:v18+s16+$0x0] =	vst.idx.msk $0xffff, v40  }
0x23b: {  	v36 =	vor.u32 v17, v22;
	[tilespmem:v19+s16+$0x0] =	vst.idx.msk $0xffff, v50;
	v50 =	vld [tilespmem:$0x1FB10]  }
0x23c: {  	v37 =	vor.u32 v17, v20  }
0x23d: {  	v38 =	vor.u32 v17, v34  }
0x23e: {  	v18 =	vor.u32 v17, v23  }
0x23f: {  	v19 =	vor.u32 v17, v35  }
0x240: {  	[tilespmem:v36+s16+$0x0] =	vst.idx.msk $0xffff, v50;
	v50 =	vor.u32 v17, v24  }
0x241: {  	v40 =	vor.u32 v17, v21;
	[tilespmem:v37+s16+$0x0] =	vst.idx.msk $0xffff, v41  }
0x242: {  	v41 =	vor.u32 v17, v26;
	[tilespmem:v38+s16+$0x0] =	vst.idx.msk $0xffff, v47  }
0x243: {  	[tilespmem:v18+s16+$0x0] =	vst.idx.msk $0xffff, v44;
	v18 =	vor.u32 v17, v25  }
0x244: {  	[tilespmem:v19+s16+$0x0] =	vst.idx.msk $0xffff, v45;
	v19 =	vor.u32 v17, v27  }
0x245: {  	v45 =	vor.u32 v17, v29;
	[tilespmem:v50+s16+$0x0] =	vst.idx.msk $0xffff, v42  }
0x246: {  	[tilespmem:v40+s16+$0x0] =	vst.idx.msk $0xffff, v49  }
0x247: {  	[tilespmem:v41+s16+$0x0] =	vst.idx.msk $0xffff, v48  }
0x248: {  	[tilespmem:v18+s16+$0x0] =	vst.idx.msk $0xffff, v39  }
0x249: {  	[tilespmem:v19+s16+$0x0] =	vst.idx.msk $0xffff, v46;
	v19 =	vld [tilespmem:$0x1FC50]  }
0x24a: {  	[tilespmem:v45+s16+$0x0] =	vst.idx.msk $0xffff, v13;
	v13 =	vld [tilespmem:$0x1FE90];
	_ =	sdelay $0x1  }
0x24b: {  	v47 =	vor.u32 v17, v28  }
0x24c: {  	v50 =	vld [tilespmem:$0x1FC40];
	v48 =	vor.u32 v17, v32  }
0x24d: {  	v49 =	vld [tilespmem:$0x1FC20];
	v18 =	vor.u32 v17, v33  }
0x24e: {  	v19 =	vor.u32 s28, v19;
	v41 =	vor.u32 s28, v13;
	v13 =	vld [tilespmem:$0x1FF00];
	_ =	sdelay $0x1  }
0x24f: {  	[tilespmem:v47+s16+$0x0] =	vst.idx.msk $0xffff, v14  }
0x250: {  	v42 =	vor.u32 s28, v51;
	v40 =	vor.u32 s28, v11;
	[tilespmem:v48+s16+$0x0] =	vst.idx.msk $0xffff, v16  }
0x251: {  	s29 =	sor.u32 s6, s26;
	v39 =	vor.u32 s28, v50;
	v36 =	vor.u32 s28, v49;
	v14 =	vmovc v43;
	v16 =	vmovc v5;
	v5 =	vmov v11;
	[tilespmem:v18+s16+$0x0] =	vst.idx.msk $0xffff, v12  }
0x252: {  	s30 =	simm.s32 $0x10;
	s29 =	smin.u32 s29, $0xF4180;
	v11 =	vmovc v51;
	v12 =	vmovc v10;
	v10 =	vmov v52;
	v37 =	vld.idx.msk [tilespmem:v19+s5+$0x0], $0xffff;
	v38 =	vor.u32 s28, v13;
	v13 =	vmov v58  }
.LBB2_3:
0x253: {  	v18 =	vld [tilespmem:$0x1FC20];
	_ =	sdelay $0x4  }
0x254: {  	v47 =	vld.idx.msk [tilespmem:v36+s5+$0x0], $0xffff;
	v18 =	vor.u32 s30, v18  }
0x255: {  	v36 =	vmov v18;
	v18 =	vld [tilespmem:$0x1FEC0]  }
0x256: {  	v19 =	vld [tilespmem:$0x1FC30]  }
0x257: {  	v44 =	vld [tilespmem:$0x1FE70]  }
0x258: {  	v52 =	vld [tilespmem:$0x1FC60]  }
0x259: {  	v46 =	vld [tilespmem:$0x1FE60]  }
0x25a: {  	v49 =	vor.u32 s28, v18;
	v18 =	vld [tilespmem:$0x1FED0]  }
0x25b: {  	v42 =	vld.idx.msk [tilespmem:v42+s5+$0x0], $0xffff  }
0x25c: {  	v39 =	vld.idx.msk [tilespmem:v39+s5+$0x0], $0xffff  }
0x25d: {  	v43 =	vor.u32 s28, v19;
	v48 =	vor.u32 s28, v52;
	v52 =	vld [tilespmem:$0x1FE80]  }
0x25e: {  	v41 =	vld.idx.msk [tilespmem:v41+s5+$0x0], $0xffff;
	v44 =	vor.u32 s28, v44  }
0x25f: {  	v19 =	vor.u32 $0x1800, v12;
	v46 =	vor.u32 s28, v46;
	v50 =	vor.u32 s28, v18;
	v18 =	vld [tilespmem:$0x1FEA0]  }
0x260: {  	v38 =	vld.idx.msk [tilespmem:v38+s5+$0x0], $0xffff;
	v45 =	vor.u32 s28, v19  }
0x261: {  	v40 =	vld.idx.msk [tilespmem:v40+s5+$0x0], $0xffff  }
0x262: {  	v43 =	vld.idx.msk [tilespmem:v43+s5+$0x0], $0xffff;
	v52 =	vor.u32 s28, v52  }
0x263: {  	v44 =	vld.idx.msk [tilespmem:v44+s5+$0x0], $0xffff  }
0x264: {  	v46 =	vld.idx.msk [tilespmem:v46+s5+$0x0], $0xffff;
	v51 =	vor.u32 s28, v18;
	v18 =	vor.u32 $0x30, v9  }
0x265: {  	v45 =	vld.idx.msk [tilespmem:v45+s5+$0x0], $0xffff;
	v30 =	vor.u32 v18, v30  }
0x266: {  	v48 =	vld.idx.msk [tilespmem:v48+s5+$0x0], $0xffff;
	v31 =	vor.u32 v18, v31  }
0x267: {  	v52 =	vld.idx.msk [tilespmem:v52+s5+$0x0], $0xffff;
	v22 =	vor.u32 v18, v22  }
0x268: {  	v49 =	vld.idx.msk [tilespmem:v49+s5+$0x0], $0xffff;
	v20 =	vor.u32 v18, v20  }
0x269: {  	v50 =	vld.idx.msk [tilespmem:v50+s5+$0x0], $0xffff;
	v34 =	vor.u32 v18, v34  }
0x26a: {  	v23 =	vor.u32 v18, v23;
	v51 =	vld.idx.msk [tilespmem:v51+s5+$0x0], $0xffff;
	[tilespmem:v30+s16+$0x0] =	vst.idx.msk $0xffff, v45  }
0x26b: {  	v30 =	vor.u32 v18, v35;
	[tilespmem:v31+s16+$0x0] =	vst.idx.msk $0xffff, v46  }
0x26c: {  	v24 =	vor.u32 v18, v24;
	[tilespmem:v22+s16+$0x0] =	vst.idx.msk $0xffff, v44  }
0x26d: {  	v21 =	vor.u32 v18, v21;
	[tilespmem:v20+s16+$0x0] =	vst.idx.msk $0xffff, v47  }
0x26e: {  	v20 =	vor.u32 v18, v26;
	[tilespmem:v34+s16+$0x0] =	vst.idx.msk $0xffff, v43  }
0x26f: {  	v22 =	vor.u32 v18, v25;
	[tilespmem:v23+s16+$0x0] =	vst.idx.msk $0xffff, v52  }
0x270: {  	[tilespmem:v30+s16+$0x0] =	vst.idx.msk $0xffff, v41  }
0x271: {  	[tilespmem:v24+s16+$0x0] =	vst.idx.msk $0xffff, v51  }
0x272: {  	[tilespmem:v21+s16+$0x0] =	vst.idx.msk $0xffff, v42  }
0x273: {  	[tilespmem:v20+s16+$0x0] =	vst.idx.msk $0xffff, v39  }
0x274: {  	v23 =	vor.u32 v18, v27;
	[tilespmem:v22+s16+$0x0] =	vst.idx.msk $0xffff, v37;
	v22 =	vld [tilespmem:$0x1FB60]  }
0x275: {  	v25 =	vor.u32 v18, v29  }
0x276: {  	v24 =	vor.u32 v18, v28  }
0x277: {  	s31 =	smov.u32 s30;
	v21 =	vor.u32 v18, v32  }
0x278: {  	s28 =	smov.u32 s31;
	v20 =	vor.u32 v18, v33  }
0x279: {  	[tilespmem:v23+s16+$0x0] =	vst.idx.msk $0xffff, v48;
	v22 =	vor.u32 s28, v22  }
0x27a: {  	[tilespmem:v25+s16+$0x0] =	vst.idx.msk $0xffff, v49  }
0x27b: {  	[tilespmem:v24+s16+$0x0] =	vst.idx.msk $0xffff, v50  }
0x27c: {  	[tilespmem:v21+s16+$0x0] =	vst.idx.msk $0xffff, v40  }
0x27d: {  	[tilespmem:v20+s16+$0x0] =	vst.idx.msk $0xffff, v38  }
0x27e: {  	v37 =	vld.idx.msk [tilespmem:v22+s5+$0x0], $0xffff;
	v22 =	vor.u32 s28, v62;
	_ =	sdelay $0x1  }
0x27f: {  	v20 =	vor.u32 s28, v0;
	v0 =	vld [tilespmem:$0x1FC70];
	_ =	sdelay $0x2  }
0x280: {  	v43 =	vld.idx.msk [tilespmem:v22+s5+$0x0], $0xffff;
	v22 =	vmov s28  }
0x281: {  	v33 =	vshll.u32 v22, $0x7  }
0x282: {  	v30 =	vor.u32 v0, v33;
	v0 =	vld [tilespmem:$0x1FC00];
	_ =	sdelay $0x1  }
0x283: {  	v23 =	vld [tilespmem:$0x1FB50]  }
0x284: {  	v21 =	vld [tilespmem:$0x1FB30]  }
0x285: {  	v41 =	vld.idx.msk [tilespmem:v20+s5+$0x0], $0xffff;
	v20 =	vor.u32 s28, v12  }
0x286: {  	v22 =	vor.u32 v0, v33;
	v0 =	vld [tilespmem:$0x1FBF0];
	_ =	sdelay $0x2  }
0x287: {  	v23 =	vor.u32 s28, v23  }
0x288: {  	v21 =	vor.u32 s28, v21;
	v32 =	vld.idx.msk [tilespmem:v20+s5+$0x0], $0xffff  }
0x289: {  	v20 =	vor.u32 v0, v33;
	v0 =	vld [tilespmem:$0x1FF60]  }
0x28a: {  	v58 =	vld [tilespmem:$0x1FF40];
	v26 =	vor.u32 s28, v53  }
0x28b: {  	v25 =	vor.u32 s28, v63;
	v24 =	vld [tilespmem:$0x1FB40]  }
0x28c: {  	v38 =	vld.idx.msk [tilespmem:v23+s5+$0x0], $0xffff;
	v23 =	vor.u32 s28, v61  }
0x28d: {  	v40 =	vld.idx.msk [tilespmem:v21+s5+$0x0], $0xffff;
	v21 =	vor.u32 s28, v59  }
0x28e: {  	v31 =	vor.u32 v0, v33;
	v0 =	vld [tilespmem:$0x1FBD0]  }
0x28f: {  	v48 =	vld.idx.msk [tilespmem:v26+s5+$0x0], $0xffff  }
0x290: {  	v27 =	vor.u32 s28, v54;
	v42 =	vld.idx.msk [tilespmem:v25+s5+$0x0], $0xffff  }
0x291: {  	v24 =	vor.u32 s28, v24;
	v44 =	vld.idx.msk [tilespmem:v23+s5+$0x0], $0xffff  }
0x292: {  	v25 =	vor.u32 s28, v57;
	v46 =	vld.idx.msk [tilespmem:v21+s5+$0x0], $0xffff  }
0x293: {  	v29 =	vor.u32 s28, v56;
	v23 =	vor.u32 v0, v33;
	v0 =	vld [tilespmem:$0x1FBE0]  }
0x294: {  	v21 =	vor.u32 v2, v33;
	v2 =	vld [tilespmem:$0x1FE10]  }
0x295: {  	v28 =	vor.u32 s28, v55;
	v50 =	vld.idx.msk [tilespmem:v27+s5+$0x0], $0xffff  }
0x296: {  	v39 =	vld.idx.msk [tilespmem:v24+s5+$0x0], $0xffff;
	v24 =	vor.u32 s28, v60;
	v35 =	vor.u32 v9, v30  }
0x297: {  	v47 =	vld.idx.msk [tilespmem:v25+s5+$0x0], $0xffff;
	v49 =	vor.u32 v9, v31  }
0x298: {  	v34 =	vor.u32 v0, v33;
	v0 =	vmov v60;
	v60 =	vmov v54;
	v54 =	vld.idx.msk [tilespmem:v29+s5+$0x0], $0xffff  }
0x299: {  	v29 =	vor.u32 v2, v33;
	v2 =	vld [tilespmem:$0x1FB90]  }
0x29a: {  	v52 =	vld.idx.msk [tilespmem:v28+s5+$0x0], $0xffff;
	v26 =	vor.u32 v1, v33  }
0x29b: {  	v45 =	vld.idx.msk [tilespmem:v24+s5+$0x0], $0xffff;
	v24 =	vor.u32 v3, v33;
	v51 =	vor.u32 v9, v22;
	[tilespmem:v35+s16+$0x0] =	vst.idx.msk $0xffff, v32  }
0x29c: {  	v3 =	vmovc v63;
	v63 =	vmov v59;
	v59 =	vmov v53;
	v53 =	vor.u32 v9, v20;
	[tilespmem:v49+s16+$0x0] =	vst.idx.msk $0xffff, v47;
	v49 =	vld [tilespmem:$0x1FB80]  }
0x29d: {  	v1 =	vmovc v61;
	v61 =	vmov v55;
	v35 =	vor.u32 v58, v33;
	v55 =	vor.u32 v9, v34  }
0x29e: {  	v58 =	vld [tilespmem:$0x1FB70];
	v28 =	vor.u32 v2, v33;
	v2 =	vmovc v62;
	v62 =	vmov v56;
	v56 =	vor.u32 v9, v23  }
0x29f: {  	v47 =	vor.u32 v9, v35  }
0x2a0: {  	v25 =	vor.u32 v4, v33;
	[tilespmem:v51+s16+$0x0] =	vst.idx.msk $0xffff, v48;
	v48 =	vor.u32 v9, v24  }
0x2a1: {  	[tilespmem:v53+s16+$0x0] =	vst.idx.msk $0xffff, v50;
	v32 =	vor.u32 v49, v33;
	v49 =	vor.u32 v9, v21  }
0x2a2: {  	v27 =	vor.u32 v16, v33;
	[tilespmem:v55+s16+$0x0] =	vst.idx.msk $0xffff, v52;
	v55 =	vor.u32 v9, v26  }
0x2a3: {  	v33 =	vor.u32 v58, v33;
	v58 =	vor.u32 v9, v25;
	[tilespmem:v56+s16+$0x0] =	vst.idx.msk $0xffff, v54  }
0x2a4: {  	v51 =	vld [tilespmem:$0x1FF20];
	v52 =	vor.u32 v9, v27;
	[tilespmem:v47+s16+$0x0] =	vst.idx.msk $0xffff, v46  }
0x2a5: {  	v53 =	vor.u32 v9, v29;
	v46 =	vld [tilespmem:$0x1FD20];
	[tilespmem:v48+s16+$0x0] =	vst.idx.msk $0xffff, v45  }
0x2a6: {  	v54 =	vor.u32 v9, v28;
	v47 =	vld [tilespmem:$0x1FC10];
	[tilespmem:v49+s16+$0x0] =	vst.idx.msk $0xffff, v44  }
0x2a7: {  	v48 =	vld [tilespmem:$0x1FD00];
	[tilespmem:v55+s16+$0x0] =	vst.idx.msk $0xffff, v43;
	v55 =	vor.u32 v9, v32  }
0x2a8: {  	v56 =	vor.u32 v9, v33;
	[tilespmem:v58+s16+$0x0] =	vst.idx.msk $0xffff, v42;
	v58 =	vld [tilespmem:$0x1FD30]  }
0x2a9: {  	v49 =	vor.u32 s28, v14;
	[tilespmem:v52+s16+$0x0] =	vst.idx.msk $0xffff, v41;
	v52 =	vld [tilespmem:$0x1FF10]  }
0x2aa: {  	v50 =	vor.u32 s28, v13;
	[tilespmem:v53+s16+$0x0] =	vst.idx.msk $0xffff, v40;
	v53 =	vld [tilespmem:$0x1FEE0]  }
0x2ab: {  	v43 =	vor.u32 s28, v51;
	[tilespmem:v54+s16+$0x0] =	vst.idx.msk $0xffff, v39;
	v54 =	vld [tilespmem:$0x1FDE0]  }
0x2ac: {  	v51 =	vor.u32 s28, v10;
	[tilespmem:v55+s16+$0x0] =	vst.idx.msk $0xffff, v38;
	v55 =	vld [tilespmem:$0x1FC80]  }
0x2ad: {  	v40 =	vor.u32 s28, v46;
	v41 =	vor.u32 s28, v58;
	[tilespmem:v56+s16+$0x0] =	vst.idx.msk $0xffff, v37;
	v58 =	vld [tilespmem:$0x1FCA0]  }
0x2ae: {  	v39 =	vor.u32 s28, v47;
	v37 =	vld.idx.msk [tilespmem:v49+s5+$0x0], $0xffff  }
0x2af: {  	v38 =	vor.u32 s28, v48;
	v42 =	vld.idx.msk [tilespmem:v50+s5+$0x0], $0xffff  }
0x2b0: {  	v48 =	vor.u32 s28, v8;
	v43 =	vld.idx.msk [tilespmem:v43+s5+$0x0], $0xffff  }
0x2b1: {  	v51 =	vld.idx.msk [tilespmem:v51+s5+$0x0], $0xffff  }
0x2b2: {  	v56 =	vor.u32 s28, v6;
	v40 =	vld.idx.msk [tilespmem:v40+s5+$0x0], $0xffff  }
0x2b3: {  	v39 =	vld.idx.msk [tilespmem:v39+s5+$0x0], $0xffff;
	v47 =	vor.u32 s28, v55  }
0x2b4: {  	v46 =	vor.u32 s28, v54;
	v38 =	vld.idx.msk [tilespmem:v38+s5+$0x0], $0xffff  }
0x2b5: {  	v45 =	vor.u32 s28, v53;
	v48 =	vld.idx.msk [tilespmem:v48+s5+$0x0], $0xffff  }
0x2b6: {  	v44 =	vor.u32 s28, v52;
	v41 =	vld.idx.msk [tilespmem:v41+s5+$0x0], $0xffff  }
0x2b7: {  	v50 =	vor.u32 s28, v7;
	v49 =	vld.idx.msk [tilespmem:v56+s5+$0x0], $0xffff  }
0x2b8: {  	v53 =	vor.u32 v15, v30;
	v52 =	vor.u32 s28, v58;
	v47 =	vld.idx.msk [tilespmem:v47+s5+$0x0], $0xffff  }
0x2b9: {  	v54 =	vor.u32 v15, v31;
	v46 =	vld.idx.msk [tilespmem:v46+s5+$0x0], $0xffff  }
0x2ba: {  	v55 =	vor.u32 v15, v22;
	v45 =	vld.idx.msk [tilespmem:v45+s5+$0x0], $0xffff  }
0x2bb: {  	v56 =	vor.u32 v15, v20;
	v44 =	vld.idx.msk [tilespmem:v44+s5+$0x0], $0xffff  }
0x2bc: {  	v58 =	vmov v57;
	v57 =	vor.u32 v15, v34;
	v50 =	vld.idx.msk [tilespmem:v50+s5+$0x0], $0xffff  }
0x2bd: {  	v52 =	vld.idx.msk [tilespmem:v52+s5+$0x0], $0xffff;
	[tilespmem:v53+s16+$0x0] =	vst.idx.msk $0xffff, v47;
	v47 =	vor.u32 v15, v23  }
0x2be: {  	v53 =	vor.u32 v15, v35;
	[tilespmem:v54+s16+$0x0] =	vst.idx.msk $0xffff, v46  }
0x2bf: {  	v54 =	vor.u32 v15, v24;
	[tilespmem:v55+s16+$0x0] =	vst.idx.msk $0xffff, v45  }
0x2c0: {  	v46 =	vld [tilespmem:$0x1FE30];
	v55 =	vor.u32 v15, v21;
	[tilespmem:v56+s16+$0x0] =	vst.idx.msk $0xffff, v44  }
0x2c1: {  	v45 =	vld [tilespmem:$0x1FE00];
	v56 =	vor.u32 v15, v26;
	[tilespmem:v57+s16+$0x0] =	vst.idx.msk $0xffff, v43  }
0x2c2: {  	v44 =	vld [tilespmem:$0x1FD70];
	[tilespmem:v47+s16+$0x0] =	vst.idx.msk $0xffff, v52  }
0x2c3: {  	v57 =	vor.u32 v15, v25;
	v47 =	vld [tilespmem:$0x1FE40];
	[tilespmem:v53+s16+$0x0] =	vst.idx.msk $0xffff, v48  }
0x2c4: {  	v48 =	vor.u32 v15, v27;
	[tilespmem:v54+s16+$0x0] =	vst.idx.msk $0xffff, v49;
	v49 =	vld [tilespmem:$0x1FDF0]  }
0x2c5: {  	v52 =	vor.u32 v15, v29;
	[tilespmem:v55+s16+$0x0] =	vst.idx.msk $0xffff, v50;
	v50 =	vld [tilespmem:$0x1FD40]  }
0x2c6: {  	v53 =	vor.u32 v15, v28;
	[tilespmem:v56+s16+$0x0] =	vst.idx.msk $0xffff, v51;
	v56 =	vld [tilespmem:$0x1FD80]  }
0x2c7: {  	v54 =	vor.u32 v15, v32;
	v51 =	vld [tilespmem:$0x1FD50]  }
0x2c8: {  	[tilespmem:v57+s16+$0x0] =	vst.idx.msk $0xffff, v42;
	v57 =	vld [tilespmem:$0x1FD90]  }
0x2c9: {  	v55 =	vor.u32 v15, v33;
	[tilespmem:v48+s16+$0x0] =	vst.idx.msk $0xffff, v37;
	v48 =	vld [tilespmem:$0x1FE50]  }
0x2ca: {  	[tilespmem:v52+s16+$0x0] =	vst.idx.msk $0xffff, v38;
	v52 =	vld [tilespmem:$0x1FC90]  }
0x2cb: {  	v42 =	vor.u32 s28, v47;
	[tilespmem:v53+s16+$0x0] =	vst.idx.msk $0xffff, v39;
	v53 =	vld [tilespmem:$0x1FDC0]  }
0x2cc: {  	v39 =	vor.u32 s28, v44;
	[tilespmem:v54+s16+$0x0] =	vst.idx.msk $0xffff, v40;
	v54 =	vld [tilespmem:$0x1FD60]  }
0x2cd: {  	v44 =	vor.u32 s28, v49;
	v37 =	vor.u32 s28, v56;
	v56 =	vld [tilespmem:$0x1FDA0]  }
0x2ce: {  	[tilespmem:v55+s16+$0x0] =	vst.idx.msk $0xffff, v41;
	v55 =	vld [tilespmem:$0x1FDB0]  }
0x2cf: {  	v40 =	vor.u32 s28, v45;
	v38 =	vor.u32 s28, v57;
	v57 =	vld [tilespmem:$0x1FDD0]  }
0x2d0: {  	v45 =	vor.u32 s28, v50;
	v43 =	vor.u32 s28, v48;
	v48 =	vld.idx.msk [tilespmem:v42+s5+$0x0], $0xffff  }
0x2d1: {  	v39 =	vld.idx.msk [tilespmem:v39+s5+$0x0], $0xffff  }
0x2d2: {  	v41 =	vor.u32 s28, v46;
	v44 =	vld.idx.msk [tilespmem:v44+s5+$0x0], $0xffff  }
0x2d3: {  	v46 =	vor.u32 s28, v51;
	v37 =	vld.idx.msk [tilespmem:v37+s5+$0x0], $0xffff  }
0x2d4: {  	v40 =	vld.idx.msk [tilespmem:v40+s5+$0x0], $0xffff  }
0x2d5: {  	v47 =	vor.u32 s28, v52;
	v45 =	vld.idx.msk [tilespmem:v45+s5+$0x0], $0xffff  }
0x2d6: {  	v42 =	vor.u32 s28, v53;
	v38 =	vld.idx.msk [tilespmem:v38+s5+$0x0], $0xffff  }
0x2d7: {  	v49 =	vor.u32 s28, v54;
	v41 =	vld.idx.msk [tilespmem:v41+s5+$0x0], $0xffff  }
0x2d8: {  	v51 =	vor.u32 s28, v56;
	v46 =	vld.idx.msk [tilespmem:v46+s5+$0x0], $0xffff  }
0x2d9: {  	v50 =	vor.u32 s28, v55;
	v43 =	vld.idx.msk [tilespmem:v43+s5+$0x0], $0xffff  }
0x2da: {  	v53 =	vor.u32 v17, v30;
	v52 =	vor.u32 s28, v57;
	v47 =	vld.idx.msk [tilespmem:v47+s5+$0x0], $0xffff  }
0x2db: {  	v54 =	vor.u32 v17, v31;
	v42 =	vld.idx.msk [tilespmem:v42+s5+$0x0], $0xffff  }
0x2dc: {  	v55 =	vor.u32 v17, v22;
	v49 =	vld.idx.msk [tilespmem:v49+s5+$0x0], $0xffff  }
0x2dd: {  	v56 =	vor.u32 v17, v20;
	v51 =	vld.idx.msk [tilespmem:v51+s5+$0x0], $0xffff  }
0x2de: {  	v57 =	vor.u32 v17, v34;
	v50 =	vld.idx.msk [tilespmem:v50+s5+$0x0], $0xffff  }
0x2df: {  	v52 =	vld.idx.msk [tilespmem:v52+s5+$0x0], $0xffff;
	[tilespmem:v53+s16+$0x0] =	vst.idx.msk $0xffff, v47;
	v47 =	vor.u32 v17, v23  }
0x2e0: {  	[tilespmem:v54+s16+$0x0] =	vst.idx.msk $0xffff, v45;
	v45 =	vor.u32 v17, v35  }
0x2e1: {  	[tilespmem:v55+s16+$0x0] =	vst.idx.msk $0xffff, v46;
	v46 =	vor.u32 v17, v24  }
0x2e2: {  	[tilespmem:v56+s16+$0x0] =	vst.idx.msk $0xffff, v49;
	v49 =	vor.u32 v17, v21  }
0x2e3: {  	[tilespmem:v57+s16+$0x0] =	vst.idx.msk $0xffff, v39;
	v39 =	vor.u32 v17, v26  }
0x2e4: {  	[tilespmem:v47+s16+$0x0] =	vst.idx.msk $0xffff, v37;
	v37 =	vor.u32 v17, v25  }
0x2e5: {  	[tilespmem:v45+s16+$0x0] =	vst.idx.msk $0xffff, v38;
	v38 =	vor.u32 v17, v27  }
0x2e6: {  	[tilespmem:v46+s16+$0x0] =	vst.idx.msk $0xffff, v51  }
0x2e7: {  	v45 =	vor.u32 v17, v29;
	[tilespmem:v49+s16+$0x0] =	vst.idx.msk $0xffff, v50  }
0x2e8: {  	v50 =	vor.u32 v17, v28;
	[tilespmem:v39+s16+$0x0] =	vst.idx.msk $0xffff, v42  }
0x2e9: {  	v51 =	vor.u32 v17, v32;
	[tilespmem:v37+s16+$0x0] =	vst.idx.msk $0xffff, v52  }
0x2ea: {  	v52 =	vor.u32 v17, v33;
	[tilespmem:v38+s16+$0x0] =	vst.idx.msk $0xffff, v44;
	v44 =	vld [tilespmem:$0x1FC50];
	_ =	sdelay $0x1  }
0x2eb: {  	[tilespmem:v45+s16+$0x0] =	vst.idx.msk $0xffff, v40  }
0x2ec: {  	[tilespmem:v50+s16+$0x0] =	vst.idx.msk $0xffff, v41;
	v50 =	vld [tilespmem:$0x1FC40]  }
0x2ed: {  	[tilespmem:v51+s16+$0x0] =	vst.idx.msk $0xffff, v48;
	v51 =	vld [tilespmem:$0x1FE90]  }
0x2ee: {  	p2 =	sne.s32 s30, $0x70;
	[tilespmem:v52+s16+$0x0] =	vst.idx.msk $0xffff, v43;
	v52 =	vld [tilespmem:$0x1FF00];
	v49 =	vor.u32 s28, v44  }
.Ltmp2:
0x2ef: {  	v53 =	vmov v59;
	v59 =	vmov v63;
	v63 =	vmov v3;
	v3 =	vld [tilespmem:$0x1FBC0];
	(pc) =	sbr.rel @p2 .LBB2_3-.Ltmp2, $4  }
0x2f0: {  	v54 =	vmov v60;
	v60 =	vmov v0;
	v0 =	vld [tilespmem:$0x1FB20]  }
0x2f1: {  	v55 =	vmov v61;
	v61 =	vmov v1;
	v1 =	vld [tilespmem:$0x1FBA0]  }
0x2f2: {  	v56 =	vmovc v62;
	v62 =	vmov v2;
	v2 =	vld [tilespmem:$0x1FBB0];
	v42 =	vor.u32 s28, v11;
	v40 =	vor.u32 s28, v5  }
0x2f3: {  	s30 =	sadd.s32 $0x10, s30;
	v57 =	vmovc v58;
	v39 =	vor.u32 s28, v50;
	v41 =	vor.u32 s28, v51;
	v38 =	vor.u32 s28, v52;
	v37 =	vld.idx.msk [tilespmem:v49+s5+$0x0], $0xffff  }
0x2f4: {  	v5 =	vld [tilespmem:$0x1FC30];
	_ =	sdelay $0x4  }
0x2f5: {  	v43 =	vor.u32 s28, v5;
	v5 =	vld [tilespmem:$0x1FE70];
	_ =	sdelay $0x4  }
0x2f6: {  	v44 =	vor.u32 s28, v5;
	v5 =	vld [tilespmem:$0x1FE60];
	_ =	sdelay $0x4  }
0x2f7: {  	v45 =	vor.u32 s28, v5;
	v5 =	vld [tilespmem:$0x1FC60];
	_ =	sdelay $0x4  }
0x2f8: {  	v47 =	vor.u32 s28, v5;
	v5 =	vld [tilespmem:$0x1FEC0];
	_ =	sdelay $0x4  }
0x2f9: {  	v48 =	vor.u32 s28, v5;
	v5 =	vld [tilespmem:$0x1FED0];
	_ =	sdelay $0x3  }
0x2fa: {  	v42 =	vld.idx.msk [tilespmem:v42+s5+$0x0], $0xffff  }
0x2fb: {  	v49 =	vor.u32 s28, v5;
	v5 =	vld [tilespmem:$0x1FEA0]  }
0x2fc: {  	v39 =	vld.idx.msk [tilespmem:v39+s5+$0x0], $0xffff  }
0x2fd: {  	v41 =	vld.idx.msk [tilespmem:v41+s5+$0x0], $0xffff;
	v46 =	vor.u32 s28, v19  }
0x2fe: {  	v38 =	vld.idx.msk [tilespmem:v38+s5+$0x0], $0xffff  }
0x2ff: {  	v40 =	vld.idx.msk [tilespmem:v40+s5+$0x0], $0xffff  }
0x300: {  	v50 =	vor.u32 s28, v5;
	v5 =	vld [tilespmem:$0x1FE80]  }
0x301: {  	v36 =	vld.idx.msk [tilespmem:v36+s5+$0x0], $0xffff  }
0x302: {  	v46 =	vld.idx.msk [tilespmem:v46+s5+$0x0], $0xffff  }
0x303: {  	v43 =	vld.idx.msk [tilespmem:v43+s5+$0x0], $0xffff  }
0x304: {  	v44 =	vld.idx.msk [tilespmem:v44+s5+$0x0], $0xffff  }
0x305: {  	v30 =	vor.u32 v18, v30;
	v45 =	vld.idx.msk [tilespmem:v45+s5+$0x0], $0xffff;
	v51 =	vor.u32 s28, v5  }
0x306: {  	v31 =	vor.u32 v18, v31;
	v47 =	vld.idx.msk [tilespmem:v47+s5+$0x0], $0xffff  }
0x307: {  	v22 =	vor.u32 v18, v22;
	v48 =	vld.idx.msk [tilespmem:v48+s5+$0x0], $0xffff  }
0x308: {  	v20 =	vor.u32 v18, v20;
	v49 =	vld.idx.msk [tilespmem:v49+s5+$0x0], $0xffff  }
0x309: {  	v34 =	vor.u32 v18, v34;
	v50 =	vld.idx.msk [tilespmem:v50+s5+$0x0], $0xffff  }
0x30a: {  	v23 =	vor.u32 v18, v23;
	v51 =	vld.idx.msk [tilespmem:v51+s5+$0x0], $0xffff;
	[tilespmem:v30+s16+$0x0] =	vst.idx.msk $0xffff, v46  }
0x30b: {  	v35 =	vor.u32 v18, v35;
	[tilespmem:v31+s16+$0x0] =	vst.idx.msk $0xffff, v45  }
0x30c: {  	v24 =	vor.u32 v18, v24;
	[tilespmem:v22+s16+$0x0] =	vst.idx.msk $0xffff, v44  }
0x30d: {  	v21 =	vor.u32 v18, v21;
	[tilespmem:v20+s16+$0x0] =	vst.idx.msk $0xffff, v36  }
0x30e: {  	v20 =	vor.u32 v18, v26;
	[tilespmem:v34+s16+$0x0] =	vst.idx.msk $0xffff, v43  }
0x30f: {  	v44 =	vor.u32 v18, v25;
	[tilespmem:v23+s16+$0x0] =	vst.idx.msk $0xffff, v51  }
0x310: {  	v45 =	vor.u32 v18, v27;
	[tilespmem:v35+s16+$0x0] =	vst.idx.msk $0xffff, v41  }
0x311: {  	v46 =	vor.u32 v18, v29;
	[tilespmem:v24+s16+$0x0] =	vst.idx.msk $0xffff, v50  }
0x312: {  	v50 =	vor.u32 v18, v28;
	[tilespmem:v21+s16+$0x0] =	vst.idx.msk $0xffff, v42  }
0x313: {  	v51 =	vor.u32 v18, v32;
	[tilespmem:v20+s16+$0x0] =	vst.idx.msk $0xffff, v39  }
0x314: {  	v20 =	vor.u32 v18, v33;
	[tilespmem:v44+s16+$0x0] =	vst.idx.msk $0xffff, v37  }
0x315: {  	p2 =	sne.s32 s24, $0x7A;
	[tilespmem:v45+s16+$0x0] =	vst.idx.msk $0xffff, v47  }
.Ltmp3:
0x316: {  	v52 =	vld [tilespmem:$0x1FF60];
	[tilespmem:v46+s16+$0x0] =	vst.idx.msk $0xffff, v48;
	(pc) =	sbr.rel @p2 .LBB2_6-.Ltmp3, $4  }
0x317: {  	v16 =	vld [tilespmem:$0x1FC00];
	[tilespmem:v50+s16+$0x0] =	vst.idx.msk $0xffff, v49  }
0x318: {  	v14 =	vld [tilespmem:$0x1FBF0];
	s31 =	sshll.u32 s29, $0x4;
	[tilespmem:v51+s16+$0x0] =	vst.idx.msk $0xffff, v40  }
0x319: {  	v4 =	vld [tilespmem:$0x1FBE0];
	s28 =	sadd.s32 s3, s31;
	[tilespmem:v20+s16+$0x0] =	vst.idx.msk $0xffff, v38  }
0x31a: {  	v13 =	vld [tilespmem:$0x1FBD0];
	[hbm4b:s28+s5] =	stream.linear.scatter [tilespmem:s16], [sflag:$0x3], $0x4000, $0x38  }
0x31b: {  	_ =	swait.ge [sflag:s17], $0x2000  }
0x31c: {  	v7 =	vld [tilespmem:$0x1FC10]  }
.Ltmp4:
0x31d: {  	v5 =	vld [tilespmem:$0x1FC70];
	(pc) =	sbr.rel .LBB2_7-.Ltmp4, $4  }
0x31e: {  	v20 =	vld [tilespmem:$0x1FB60]  }
0x31f: {  	v21 =	vld [tilespmem:$0x1FB50]  }
0x320: {  	[sflag:s17] =	ssyncset.done $0x0;
	v22 =	vld [tilespmem:$0x1FB40]  }
0x321: {  	v23 =	vld [tilespmem:$0x1FB30];
	[sflag:s17] =	ssyncadd.s32 $0xFFFFE000  }
.LBB2_6:
0x322: {  	s26 =	sadd.s32 s9, s26  }
0x323: {  	s26 =	smin.u32 s26, $0xF4180  }
0x324: {  	s26 =	sadd.s32 s0, s26  }
0x325: {  	[tilespmem:s5], [sflag:$0x1] =	stream.strided.gather [hbm4b:s26+s12], $0x2000, s13, s12, $0x38;
	[tilespmem:$0xE000] =	vst v63  }
0x326: {  	_ =	swait.ge [sflag:s17], $0x2000  }
0x327: {  	v7 =	vld [tilespmem:$0x1FC10]  }
.Ltmp5:
0x328: {  	v5 =	vld [tilespmem:$0x1FC70];
	(pc) =	sbr.rel @p1 .LBB2_8-.Ltmp5, $4  }
0x329: {  	v20 =	vld [tilespmem:$0x1FB60]  }
0x32a: {  	v21 =	vld [tilespmem:$0x1FB50]  }
0x32b: {  	[sflag:s17] =	ssyncset.done $0x0;
	v22 =	vld [tilespmem:$0x1FB40]  }
0x32c: {  	v23 =	vld [tilespmem:$0x1FB30];
	[sflag:s17] =	ssyncadd.s32 $0xFFFFE000  }
.LBB2_7:
0x32d: {  	_ =	swait.ge [sflag:s18], $0x4000  }
0x32e: {  	[sflag:s18] =	ssyncset.done $0x0  }
0x32f: {  	[sflag:s18] =	ssyncadd.s32 $0xFFFFC000  }
.LBB2_8:
0x330: {  	s26 =	simm.s32 $0x0  }
0x331: {  	v20 =	vor.u32 s26, v20  }
0x332: {  	v24 =	vor.u32 s26, v0  }
0x333: {  	v21 =	vor.u32 s26, v21  }
0x334: {  	v22 =	vor.u32 s26, v22  }
0x335: {  	v25 =	vor.u32 s26, v63  }
0x336: {  	v23 =	vor.u32 s26, v23;
	v36 =	vld.idx.msk [tilespmem:v20+s14+$0x0], $0xffff  }
0x337: {  	v20 =	vor.u32 s26, v62;
	v40 =	vld.idx.msk [tilespmem:v24+s14+$0x0], $0xffff  }
0x338: {  	v37 =	vld.idx.msk [tilespmem:v21+s14+$0x0], $0xffff;
	v21 =	vor.u32 s26, v61  }
0x339: {  	v38 =	vld.idx.msk [tilespmem:v22+s14+$0x0], $0xffff;
	v22 =	vor.u32 s26, v60  }
0x33a: {  	v41 =	vld.idx.msk [tilespmem:v25+s14+$0x0], $0xffff  }
0x33b: {  	v39 =	vld.idx.msk [tilespmem:v23+s14+$0x0], $0xffff;
	v23 =	vor.u32 s26, v59  }
0x33c: {  	v24 =	vor.u32 s26, v12;
	v42 =	vld.idx.msk [tilespmem:v20+s14+$0x0], $0xffff  }
0x33d: {  	v25 =	vor.u32 s26, v57;
	v34 =	vld.idx.msk [tilespmem:v21+s14+$0x0], $0xffff;
	v21 =	vmov s26  }
0x33e: {  	v20 =	vor.u32 s26, v53;
	v29 =	vld.idx.msk [tilespmem:v22+s14+$0x0], $0xffff;
	v43 =	vshll.u32 v21, $0x7  }
0x33f: {  	v32 =	vor.u32 v4, v43;
	v4 =	vld [tilespmem:$0x1FF40]  }
0x340: {  	v26 =	vor.u32 s26, v54;
	v44 =	vld.idx.msk [tilespmem:v23+s14+$0x0], $0xffff  }
0x341: {  	v21 =	vor.u32 s26, v55;
	v23 =	vld.idx.msk [tilespmem:v24+s14+$0x0], $0xffff;
	v28 =	vor.u32 v5, v43  }
0x342: {  	v22 =	vor.u32 s26, v56;
	v24 =	vld.idx.msk [tilespmem:v25+s14+$0x0], $0xffff;
	v30 =	vor.u32 v52, v43;
	v25 =	vor.u32 v9, v28  }
0x343: {  	v33 =	vor.u32 v16, v43;
	v35 =	vor.u32 v9, v30;
	v27 =	vld.idx.msk [tilespmem:v20+s14+$0x0], $0xffff  }
0x344: {  	v31 =	vor.u32 v14, v43;
	v45 =	vor.u32 v9, v33;
	v20 =	vor.u32 v4, v43;
	v4 =	vld [tilespmem:$0x1FF30]  }
0x345: {  	v26 =	vld.idx.msk [tilespmem:v26+s14+$0x0], $0xffff;
	v47 =	vor.u32 v9, v31  }
0x346: {  	v49 =	vor.u32 v9, v32;
	v46 =	vld.idx.msk [tilespmem:v21+s14+$0x0], $0xffff  }
0x347: {  	v48 =	vld.idx.msk [tilespmem:v22+s14+$0x0], $0xffff;
	[tilespmem:v25+s19+$0x0] =	vst.idx.msk $0xffff, v23  }
0x348: {  	[tilespmem:v35+s19+$0x0] =	vst.idx.msk $0xffff, v24  }
0x349: {  	v21 =	vor.u32 v13, v43;
	[tilespmem:v45+s19+$0x0] =	vst.idx.msk $0xffff, v27;
	v25 =	vor.u32 v4, v43;
	v4 =	vld [tilespmem:$0x1FE20]  }
0x34a: {  	v50 =	vor.u32 v9, v21;
	[tilespmem:v47+s19+$0x0] =	vst.idx.msk $0xffff, v26  }
0x34b: {  	v51 =	vor.u32 v9, v20;
	[tilespmem:v49+s19+$0x0] =	vst.idx.msk $0xffff, v46;
	v49 =	vor.u32 s26, v7;
	v7 =	vld [tilespmem:$0x1FCF0];
	_ =	sdelay $0x2  }
0x34c: {  	v24 =	vor.u32 v4, v43;
	v4 =	vld [tilespmem:$0x1FE10]  }
0x34d: {  	[tilespmem:v50+s19+$0x0] =	vst.idx.msk $0xffff, v48  }
0x34e: {  	[tilespmem:v51+s19+$0x0] =	vst.idx.msk $0xffff, v44;
	v51 =	vor.u32 s26, v7;
	v7 =	vld [tilespmem:$0x1FCE0];
	_ =	sdelay $0x2  }
0x34f: {  	v27 =	vor.u32 v4, v43;
	v4 =	vld [tilespmem:$0x1FB90]  }
0x350: {  	v35 =	vor.u32 v3, v43  }
0x351: {  	v53 =	vor.u32 v9, v35;
	v52 =	vor.u32 s26, v7;
	v7 =	vld [tilespmem:$0x1FF20];
	_ =	sdelay $0x2  }
0x352: {  	v26 =	vor.u32 v4, v43;
	v4 =	vld [tilespmem:$0x1FB80]  }
0x353: {  	v22 =	vor.u32 v2, v43  }
0x354: {  	v54 =	vor.u32 v9, v22;
	[tilespmem:v53+s19+$0x0] =	vst.idx.msk $0xffff, v29;
	v53 =	vor.u32 s26, v7;
	v7 =	vld [tilespmem:$0x1FF10];
	_ =	sdelay $0x2  }
0x355: {  	v29 =	vor.u32 v4, v43;
	v4 =	vld [tilespmem:$0x1FB70]  }
0x356: {  	v23 =	vor.u32 v1, v43  }
0x357: {  	v55 =	vor.u32 v9, v23;
	[tilespmem:v54+s19+$0x0] =	vst.idx.msk $0xffff, v34;
	v54 =	vor.u32 s26, v7;
	v7 =	vld [tilespmem:$0x1FEE0];
	_ =	sdelay $0x2  }
0x358: {  	v34 =	vor.u32 v4, v43;
	v4 =	vld [tilespmem:$0x1FD30];
	_ =	sdelay $0x1  }
0x359: {  	v56 =	vor.u32 v9, v25;
	[tilespmem:v55+s19+$0x0] =	vst.idx.msk $0xffff, v42;
	v55 =	vor.u32 s26, v7;
	v7 =	vld [tilespmem:$0x1FDE0]  }
0x35a: {  	v59 =	vor.u32 v9, v24  }
0x35b: {  	v60 =	vor.u32 v9, v27  }
0x35c: {  	v61 =	vor.u32 v9, v26;
	v46 =	vor.u32 s26, v4;
	v4 =	vld [tilespmem:$0x1FD20]  }
0x35d: {  	v62 =	vor.u32 v9, v29  }
0x35e: {  	[tilespmem:v56+s19+$0x0] =	vst.idx.msk $0xffff, v41;
	v63 =	vor.u32 v9, v34;
	v56 =	vor.u32 s26, v7;
	v7 =	vld [tilespmem:$0x1FCB0]  }
0x35f: {  	[tilespmem:v59+s19+$0x0] =	vst.idx.msk $0xffff, v40  }
0x360: {  	[tilespmem:v60+s19+$0x0] =	vst.idx.msk $0xffff, v39  }
0x361: {  	[tilespmem:v61+s19+$0x0] =	vst.idx.msk $0xffff, v38;
	v48 =	vor.u32 s26, v4;
	v4 =	vld [tilespmem:$0x1FD00]  }
0x362: {  	[tilespmem:v62+s19+$0x0] =	vst.idx.msk $0xffff, v37  }
0x363: {  	[tilespmem:v63+s19+$0x0] =	vst.idx.msk $0xffff, v36;
	v60 =	vor.u32 s26, v7;
	v7 =	vld [tilespmem:$0x1FD10]  }
0x364: {  	v38 =	vld.idx.msk [tilespmem:v49+s14+$0x0], $0xffff  }
0x365: {  	v36 =	vld.idx.msk [tilespmem:v51+s14+$0x0], $0xffff  }
0x366: {  	v50 =	vor.u32 s26, v4;
	v4 =	vld [tilespmem:$0x1FC80]  }
0x367: {  	v41 =	vld.idx.msk [tilespmem:v52+s14+$0x0], $0xffff  }
0x368: {  	v61 =	vor.u32 s26, v7;
	v7 =	vld [tilespmem:$0x1FCD0]  }
0x369: {  	v42 =	vld.idx.msk [tilespmem:v53+s14+$0x0], $0xffff  }
0x36a: {  	v43 =	vld.idx.msk [tilespmem:v54+s14+$0x0], $0xffff  }
0x36b: {  	v59 =	vor.u32 s26, v4;
	v4 =	vld [tilespmem:$0x1FCC0]  }
0x36c: {  	v44 =	vld.idx.msk [tilespmem:v55+s14+$0x0], $0xffff  }
0x36d: {  	v63 =	vor.u32 s26, v7;
	v7 =	vld [tilespmem:$0x1FCA0]  }
0x36e: {  	v40 =	vld.idx.msk [tilespmem:v46+s14+$0x0], $0xffff  }
0x36f: {  	v45 =	vld.idx.msk [tilespmem:v56+s14+$0x0], $0xffff  }
0x370: {  	v39 =	vld.idx.msk [tilespmem:v48+s14+$0x0], $0xffff;
	v62 =	vor.u32 s26, v4  }
0x371: {  	v47 =	vld.idx.msk [tilespmem:v60+s14+$0x0], $0xffff  }
0x372: {  	v52 =	vor.u32 v15, v28;
	v46 =	vld.idx.msk [tilespmem:v59+s14+$0x0], $0xffff;
	v59 =	vor.u32 s26, v7  }
0x373: {  	v60 =	vor.u32 v15, v30;
	v37 =	vld.idx.msk [tilespmem:v50+s14+$0x0], $0xffff  }
0x374: {  	v48 =	vld.idx.msk [tilespmem:v61+s14+$0x0], $0xffff;
	v61 =	vor.u32 v15, v33  }
0x375: {  	v49 =	vld.idx.msk [tilespmem:v62+s14+$0x0], $0xffff;
	v62 =	vor.u32 v15, v31  }
0x376: {  	v50 =	vld.idx.msk [tilespmem:v63+s14+$0x0], $0xffff;
	v63 =	vor.u32 v15, v32  }
0x377: {  	v51 =	vld.idx.msk [tilespmem:v59+s14+$0x0], $0xffff;
	[tilespmem:v52+s19+$0x0] =	vst.idx.msk $0xffff, v46;
	v59 =	vor.u32 v15, v21  }
0x378: {  	v0 =	vld [tilespmem:$0x1FD80];
	[tilespmem:v60+s19+$0x0] =	vst.idx.msk $0xffff, v45;
	v60 =	vor.u32 v15, v20  }
0x379: {  	[tilespmem:v61+s19+$0x0] =	vst.idx.msk $0xffff, v44  }
0x37a: {  	[tilespmem:v62+s19+$0x0] =	vst.idx.msk $0xffff, v43  }
0x37b: {  	[tilespmem:v63+s19+$0x0] =	vst.idx.msk $0xffff, v42  }
0x37c: {  	[tilespmem:v59+s19+$0x0] =	vst.idx.msk $0xffff, v51  }
0x37d: {  	v61 =	vor.u32 v15, v35;
	[tilespmem:v60+s19+$0x0] =	vst.idx.msk $0xffff, v47;
	v60 =	vor.u32 s26, v0;
	v0 =	vld [tilespmem:$0x1FE40];
	_ =	sdelay $0x4  }
0x37e: {  	v62 =	vor.u32 v15, v22;
	[tilespmem:v61+s19+$0x0] =	vst.idx.msk $0xffff, v48;
	v61 =	vor.u32 s26, v0;
	v0 =	vld [tilespmem:$0x1FE30];
	_ =	sdelay $0x4  }
0x37f: {  	v63 =	vor.u32 v15, v23;
	[tilespmem:v62+s19+$0x0] =	vst.idx.msk $0xffff, v49;
	v62 =	vor.u32 s26, v0;
	v0 =	vld [tilespmem:$0x1FD90];
	_ =	sdelay $0x4  }
0x380: {  	[tilespmem:v63+s19+$0x0] =	vst.idx.msk $0xffff, v50;
	v63 =	vor.u32 s26, v0;
	v0 =	vld [tilespmem:$0x1FE50];
	_ =	sdelay $0x4  }
0x381: {  	v48 =	vor.u32 s26, v0;
	v0 =	vld [tilespmem:$0x1FE00];
	_ =	sdelay $0x4  }
0x382: {  	v49 =	vor.u32 s26, v0;
	v0 =	vld [tilespmem:$0x1FD60];
	_ =	sdelay $0x4  }
0x383: {  	v50 =	vor.u32 s26, v0;
	v0 =	vld [tilespmem:$0x1FD70];
	_ =	sdelay $0x1  }
0x384: {  	v52 =	vor.u32 v15, v25  }
0x385: {  	v53 =	vor.u32 v15, v24  }
0x386: {  	v54 =	vor.u32 v15, v27  }
0x387: {  	v55 =	vor.u32 v15, v26;
	v51 =	vor.u32 s26, v0;
	v0 =	vld [tilespmem:$0x1FD50]  }
0x388: {  	v56 =	vor.u32 v15, v29  }
0x389: {  	v59 =	vor.u32 v15, v34;
	[tilespmem:v52+s19+$0x0] =	vst.idx.msk $0xffff, v41  }
0x38a: {  	v4 =	vld [tilespmem:$0x1FDD0];
	[tilespmem:v53+s19+$0x0] =	vst.idx.msk $0xffff, v36  }
0x38b: {  	v14 =	vld [tilespmem:$0x1FDA0];
	[tilespmem:v54+s19+$0x0] =	vst.idx.msk $0xffff, v37  }
0x38c: {  	[tilespmem:v55+s19+$0x0] =	vst.idx.msk $0xffff, v38;
	v52 =	vor.u32 s26, v0;
	v0 =	vld [tilespmem:$0x1FD40]  }
0x38d: {  	v13 =	vld [tilespmem:$0x1FDB0];
	[tilespmem:v56+s19+$0x0] =	vst.idx.msk $0xffff, v39  }
0x38e: {  	v7 =	vld [tilespmem:$0x1FDC0];
	[tilespmem:v59+s19+$0x0] =	vst.idx.msk $0xffff, v40  }
0x38f: {  	v55 =	vor.u32 s26, v4;
	v36 =	vld.idx.msk [tilespmem:v60+s14+$0x0], $0xffff  }
0x390: {  	v37 =	vld.idx.msk [tilespmem:v61+s14+$0x0], $0xffff  }
0x391: {  	v53 =	vor.u32 s26, v0;
	v0 =	vld [tilespmem:$0x1FC90]  }
0x392: {  	v60 =	vld [tilespmem:$0x1FDF0]  }
0x393: {  	v40 =	vld.idx.msk [tilespmem:v48+s14+$0x0], $0xffff;
	v48 =	vor.u32 s26, v7  }
0x394: {  	v47 =	vld.idx.msk [tilespmem:v55+s14+$0x0], $0xffff  }
0x395: {  	v38 =	vld.idx.msk [tilespmem:v62+s14+$0x0], $0xffff  }
0x396: {  	v39 =	vld.idx.msk [tilespmem:v63+s14+$0x0], $0xffff;
	v54 =	vor.u32 s26, v0  }
0x397: {  	v41 =	vld.idx.msk [tilespmem:v49+s14+$0x0], $0xffff  }
0x398: {  	v56 =	vor.u32 s26, v13;
	v48 =	vld.idx.msk [tilespmem:v48+s14+$0x0], $0xffff  }
0x399: {  	v42 =	vld.idx.msk [tilespmem:v50+s14+$0x0], $0xffff  }
0x39a: {  	v50 =	vor.u32 s26, v14;
	v44 =	vld.idx.msk [tilespmem:v52+s14+$0x0], $0xffff  }
0x39b: {  	v59 =	vor.u32 s26, v60;
	v52 =	vor.u32 v17, v28;
	v46 =	vld.idx.msk [tilespmem:v54+s14+$0x0], $0xffff  }
0x39c: {  	v45 =	vld.idx.msk [tilespmem:v53+s14+$0x0], $0xffff;
	v53 =	vor.u32 v17, v30  }
0x39d: {  	v61 =	vor.u32 v17, v33;
	v49 =	vld.idx.msk [tilespmem:v56+s14+$0x0], $0xffff  }
0x39e: {  	v62 =	vor.u32 v17, v31;
	v43 =	vld.idx.msk [tilespmem:v51+s14+$0x0], $0xffff  }
0x39f: {  	v63 =	vor.u32 v17, v32;
	v50 =	vld.idx.msk [tilespmem:v50+s14+$0x0], $0xffff  }
0x3a0: {  	v51 =	vld.idx.msk [tilespmem:v59+s14+$0x0], $0xffff;
	[tilespmem:v52+s19+$0x0] =	vst.idx.msk $0xffff, v46;
	v52 =	vor.u32 v17, v21  }
0x3a1: {  	[tilespmem:v53+s19+$0x0] =	vst.idx.msk $0xffff, v45;
	v53 =	vor.u32 v17, v20  }
0x3a2: {  	v6 =	vld [tilespmem:$0x1FC50];
	v59 =	vor.u32 v17, v35;
	[tilespmem:v61+s19+$0x0] =	vst.idx.msk $0xffff, v44  }
0x3a3: {  	v8 =	vld [tilespmem:$0x1FF00];
	v61 =	vor.u32 v17, v22;
	[tilespmem:v62+s19+$0x0] =	vst.idx.msk $0xffff, v42  }
0x3a4: {  	v11 =	vld [tilespmem:$0x1FE60];
	v62 =	vor.u32 v17, v23;
	[tilespmem:v63+s19+$0x0] =	vst.idx.msk $0xffff, v43  }
0x3a5: {  	v10 =	vld [tilespmem:$0x1FC60];
	v63 =	vor.u32 v17, v25;
	[tilespmem:v52+s19+$0x0] =	vst.idx.msk $0xffff, v36  }
0x3a6: {  	v12 =	vld [tilespmem:$0x1FE70];
	v52 =	vor.u32 v17, v24;
	[tilespmem:v53+s19+$0x0] =	vst.idx.msk $0xffff, v39  }
0x3a7: {  	v16 =	vld [tilespmem:$0x1FC40];
	v53 =	vor.u32 v17, v27;
	[tilespmem:v59+s19+$0x0] =	vst.idx.msk $0xffff, v50  }
0x3a8: {  	v5 =	vld [tilespmem:$0x1FED0];
	v54 =	vor.u32 v17, v26;
	[tilespmem:v61+s19+$0x0] =	vst.idx.msk $0xffff, v49  }
0x3a9: {  	v2 =	vld [tilespmem:$0x1FE80];
	v55 =	vor.u32 v17, v29;
	[tilespmem:v62+s19+$0x0] =	vst.idx.msk $0xffff, v48  }
0x3aa: {  	v1 =	vld [tilespmem:$0x1FC30];
	v56 =	vor.u32 v17, v34;
	[tilespmem:v63+s19+$0x0] =	vst.idx.msk $0xffff, v47  }
0x3ab: {  	v3 =	vld [tilespmem:$0x1FE90];
	v59 =	vor.u32 s26, v6;
	[tilespmem:v52+s19+$0x0] =	vst.idx.msk $0xffff, v51  }
0x3ac: {  	v62 =	vld [tilespmem:$0x1FC20];
	[tilespmem:v53+s19+$0x0] =	vst.idx.msk $0xffff, v41  }
0x3ad: {  	v0 =	vld [tilespmem:$0x1FEF0];
	[tilespmem:v54+s19+$0x0] =	vst.idx.msk $0xffff, v38  }
0x3ae: {  	v61 =	vld [tilespmem:$0x1FEA0];
	[tilespmem:v55+s19+$0x0] =	vst.idx.msk $0xffff, v37  }
0x3af: {  	v63 =	vld [tilespmem:$0x1FEB0];
	[tilespmem:v56+s19+$0x0] =	vst.idx.msk $0xffff, v40  }
0x3b0: {  	v42 =	vor.u32 s26, v2;
	v36 =	vor.u32 s26, v8;
	v39 =	vor.u32 s26, v1;
	v37 =	vld.idx.msk [tilespmem:v59+s14+$0x0], $0xffff  }
0x3b1: {  	s28 =	simm.s32 $0x10;
	v38 =	vor.u32 s26, v3;
	v41 =	vor.u32 s26, v62;
	v40 =	vor.u32 s26, v16;
	v59 =	vld [tilespmem:$0x1FEC0]  }
.LBB2_9:
0x3b2: {  	_ =	sdelay $0x3  }
0x3b3: {  	v42 =	vld.idx.msk [tilespmem:v42+s14+$0x0], $0xffff  }
0x3b4: {  	v41 =	vld.idx.msk [tilespmem:v41+s14+$0x0], $0xffff;
	v44 =	vor.u32 s26, v0  }
0x3b5: {  	v45 =	vor.u32 s26, v11;
	v40 =	vld.idx.msk [tilespmem:v40+s14+$0x0], $0xffff  }
0x3b6: {  	v47 =	vor.u32 s26, v12;
	v39 =	vld.idx.msk [tilespmem:v39+s14+$0x0], $0xffff  }
0x3b7: {  	v46 =	vor.u32 s26, v19;
	v38 =	vld.idx.msk [tilespmem:v38+s14+$0x0], $0xffff  }
0x3b8: {  	v48 =	vor.u32 s26, v10;
	v49 =	vld.idx.msk [tilespmem:v36+s14+$0x0], $0xffff  }
0x3b9: {  	v56 =	vor.u32 s26, v59;
	v44 =	vld.idx.msk [tilespmem:v44+s14+$0x0], $0xffff  }
0x3ba: {  	v50 =	vor.u32 s26, v5;
	v45 =	vld.idx.msk [tilespmem:v45+s14+$0x0], $0xffff  }
0x3bb: {  	v51 =	vor.u32 s26, v63;
	v47 =	vld.idx.msk [tilespmem:v47+s14+$0x0], $0xffff  }
0x3bc: {  	v52 =	vor.u32 s26, v61;
	v28 =	vor.u32 v18, v28;
	v46 =	vld.idx.msk [tilespmem:v46+s14+$0x0], $0xffff  }
0x3bd: {  	v43 =	vor.u32 s28, v8;
	v30 =	vor.u32 v18, v30;
	v48 =	vld.idx.msk [tilespmem:v48+s14+$0x0], $0xffff  }
0x3be: {  	v33 =	vor.u32 v18, v33;
	v36 =	vmov v43;
	v43 =	vld.idx.msk [tilespmem:v56+s14+$0x0], $0xffff  }
0x3bf: {  	v31 =	vor.u32 v18, v31;
	v50 =	vld.idx.msk [tilespmem:v50+s14+$0x0], $0xffff  }
0x3c0: {  	v32 =	vor.u32 v18, v32;
	v51 =	vld.idx.msk [tilespmem:v51+s14+$0x0], $0xffff  }
0x3c1: {  	v21 =	vor.u32 v18, v21;
	v52 =	vld.idx.msk [tilespmem:v52+s14+$0x0], $0xffff;
	[tilespmem:v28+s19+$0x0] =	vst.idx.msk $0xffff, v46  }
0x3c2: {  	v20 =	vor.u32 v18, v20;
	[tilespmem:v30+s19+$0x0] =	vst.idx.msk $0xffff, v45  }
0x3c3: {  	v28 =	vor.u32 v18, v35;
	[tilespmem:v33+s19+$0x0] =	vst.idx.msk $0xffff, v47  }
0x3c4: {  	v22 =	vor.u32 v18, v22;
	[tilespmem:v31+s19+$0x0] =	vst.idx.msk $0xffff, v41  }
0x3c5: {  	v23 =	vor.u32 v18, v23;
	[tilespmem:v32+s19+$0x0] =	vst.idx.msk $0xffff, v39  }
0x3c6: {  	v25 =	vor.u32 v18, v25;
	[tilespmem:v21+s19+$0x0] =	vst.idx.msk $0xffff, v42  }
0x3c7: {  	v21 =	vor.u32 v18, v24;
	[tilespmem:v20+s19+$0x0] =	vst.idx.msk $0xffff, v38  }
0x3c8: {  	v20 =	vor.u32 v18, v27;
	[tilespmem:v28+s19+$0x0] =	vst.idx.msk $0xffff, v52  }
0x3c9: {  	[tilespmem:v22+s19+$0x0] =	vst.idx.msk $0xffff, v51  }
0x3ca: {  	[tilespmem:v23+s19+$0x0] =	vst.idx.msk $0xffff, v40  }
0x3cb: {  	[tilespmem:v25+s19+$0x0] =	vst.idx.msk $0xffff, v37  }
0x3cc: {  	[tilespmem:v21+s19+$0x0] =	vst.idx.msk $0xffff, v48  }
0x3cd: {  	[tilespmem:v20+s19+$0x0] =	vst.idx.msk $0xffff, v43;
	v20 =	vld [tilespmem:$0x1FB60];
	_ =	sdelay $0x1  }
0x3ce: {  	v24 =	vor.u32 v18, v26  }
0x3cf: {  	s29 =	smov.u32 s28;
	v22 =	vor.u32 v18, v29  }
0x3d0: {  	s26 =	smov.u32 s29;
	v23 =	vor.u32 v18, v34  }
0x3d1: {  	v20 =	vor.u32 s26, v20;
	_ =	sdelay $0x1  }
0x3d2: {  	v25 =	vld [tilespmem:$0x1FF70];
	[tilespmem:v24+s19+$0x0] =	vst.idx.msk $0xffff, v50  }
0x3d3: {  	v21 =	vld [tilespmem:$0x1FB50];
	[tilespmem:v22+s19+$0x0] =	vst.idx.msk $0xffff, v44  }
0x3d4: {  	v24 =	vld [tilespmem:$0x1FB20];
	[tilespmem:v23+s19+$0x0] =	vst.idx.msk $0xffff, v49  }
0x3d5: {  	v37 =	vld.idx.msk [tilespmem:v20+s14+$0x0], $0xffff  }
0x3d6: {  	v20 =	vld [tilespmem:$0x1FFE0]  }
0x3d7: {  	v25 =	vor.u32 s26, v25  }
0x3d8: {  	v23 =	vld [tilespmem:$0x1FB30];
	v21 =	vor.u32 s26, v21;
	_ =	sdelay $0x1  }
0x3d9: {  	v24 =	vor.u32 s26, v24  }
0x3da: {  	v22 =	vld [tilespmem:$0x1FB40];
	v20 =	vor.u32 s26, v20  }
0x3db: {  	v42 =	vld.idx.msk [tilespmem:v25+s14+$0x0], $0xffff  }
0x3dc: {  	v23 =	vor.u32 s26, v23;
	v38 =	vld.idx.msk [tilespmem:v21+s14+$0x0], $0xffff  }
0x3dd: {  	v21 =	vld [tilespmem:$0x1FFB0]  }
0x3de: {  	v41 =	vld.idx.msk [tilespmem:v24+s14+$0x0], $0xffff  }
0x3df: {  	v22 =	vor.u32 s26, v22;
	v43 =	vld.idx.msk [tilespmem:v20+s14+$0x0], $0xffff  }
0x3e0: {  	v20 =	vld [tilespmem:$0x1FF90]  }
0x3e1: {  	v40 =	vld.idx.msk [tilespmem:v23+s14+$0x0], $0xffff  }
0x3e2: {  	v23 =	vld [tilespmem:$0x1FF80]  }
0x3e3: {  	v25 =	vor.u32 s26, v57;
	v24 =	vld [tilespmem:$0x1FF50]  }
0x3e4: {  	v39 =	vld.idx.msk [tilespmem:v22+s14+$0x0], $0xffff;
	v21 =	vor.u32 s26, v21  }
0x3e5: {  	v22 =	vld [tilespmem:$0x1FFA0];
	v26 =	vor.u32 s26, v20;
	v20 =	vmov s26  }
0x3e6: {  	v34 =	vshll.u32 v20, $0x7;
	v20 =	vld [tilespmem:$0x1FFD0]  }
0x3e7: {  	v23 =	vor.u32 s26, v23  }
0x3e8: {  	v48 =	vld.idx.msk [tilespmem:v25+s14+$0x0], $0xffff  }
0x3e9: {  	v24 =	vor.u32 s26, v24;
	v44 =	vld.idx.msk [tilespmem:v21+s14+$0x0], $0xffff  }
0x3ea: {  	v22 =	vor.u32 s26, v22;
	v21 =	vld [tilespmem:$0x1FFC0]  }
0x3eb: {  	v29 =	vor.u32 s26, v20;
	v20 =	vld [tilespmem:$0x1FFF0]  }
0x3ec: {  	v46 =	vld.idx.msk [tilespmem:v23+s14+$0x0], $0xffff  }
0x3ed: {  	v23 =	vld [tilespmem:$0x1FC00]  }
0x3ee: {  	v47 =	vld.idx.msk [tilespmem:v24+s14+$0x0], $0xffff  }
0x3ef: {  	v45 =	vld.idx.msk [tilespmem:v22+s14+$0x0], $0xffff;
	v27 =	vor.u32 s26, v21  }
0x3f0: {  	v57 =	vor.u32 s26, v20;
	v20 =	vld [tilespmem:$0x1FC70]  }
0x3f1: {  	v22 =	vld [tilespmem:$0x1FF60]  }
0x3f2: {  	v33 =	vor.u32 v23, v34;
	v23 =	vld [tilespmem:$0x1FBF0]  }
0x3f3: {  	v24 =	vld [tilespmem:$0x1FF30]  }
0x3f4: {  	v52 =	vld.idx.msk [tilespmem:v27+s14+$0x0], $0xffff  }
0x3f5: {  	v50 =	vld.idx.msk [tilespmem:v26+s14+$0x0], $0xffff;
	v28 =	vor.u32 v20, v34  }
0x3f6: {  	v30 =	vor.u32 v22, v34;
	v20 =	vld [tilespmem:$0x1FBD0];
	v49 =	vor.u32 v9, v28  }
0x3f7: {  	v51 =	vor.u32 v9, v30;
	v31 =	vor.u32 v23, v34;
	v23 =	vld [tilespmem:$0x1FBE0]  }
0x3f8: {  	v26 =	vld [tilespmem:$0x1FE10]  }
0x3f9: {  	v54 =	vld.idx.msk [tilespmem:v29+s14+$0x0], $0xffff  }
0x3fa: {  	v56 =	vld.idx.msk [tilespmem:v57+s14+$0x0], $0xffff  }
0x3fb: {  	v53 =	vor.u32 v9, v33;
	v21 =	vor.u32 v20, v34;
	v20 =	vld [tilespmem:$0x1FF40];
	[tilespmem:v49+s19+$0x0] =	vst.idx.msk $0xffff, v47  }
0x3fc: {  	v55 =	vor.u32 v9, v31;
	v32 =	vor.u32 v23, v34;
	[tilespmem:v51+s19+$0x0] =	vst.idx.msk $0xffff, v48;
	v51 =	vld [tilespmem:$0x1FBC0]  }
0x3fd: {  	v22 =	vld [tilespmem:$0x1FBB0];
	v57 =	vor.u32 v9, v32  }
0x3fe: {  	v25 =	vor.u32 v24, v34;
	v24 =	vld [tilespmem:$0x1FE20];
	v47 =	vor.u32 v9, v21  }
0x3ff: {  	v23 =	vld [tilespmem:$0x1FBA0]  }
0x400: {  	v27 =	vor.u32 v26, v34;
	v26 =	vld [tilespmem:$0x1FB90];
	[tilespmem:v53+s19+$0x0] =	vst.idx.msk $0xffff, v50;
	v20 =	vor.u32 v20, v34  }
0x401: {  	v29 =	vld [tilespmem:$0x1FB80];
	[tilespmem:v55+s19+$0x0] =	vst.idx.msk $0xffff, v52;
	v48 =	vor.u32 v9, v20;
	v35 =	vor.u32 v51, v34  }
0x402: {  	v53 =	vld [tilespmem:$0x1FB70];
	[tilespmem:v57+s19+$0x0] =	vst.idx.msk $0xffff, v54;
	v49 =	vor.u32 v9, v35  }
0x403: {  	v22 =	vor.u32 v22, v34;
	[tilespmem:v47+s19+$0x0] =	vst.idx.msk $0xffff, v56;
	v56 =	vld [tilespmem:$0x1FD30]  }
0x404: {  	v23 =	vor.u32 v23, v34;
	v50 =	vor.u32 v9, v22;
	v47 =	vld [tilespmem:$0x1FCE0]  }
0x405: {  	v55 =	vor.u32 v9, v23;
	v51 =	vld [tilespmem:$0x1FDE0]  }
0x406: {  	v24 =	vor.u32 v24, v34;
	v57 =	vor.u32 v9, v25;
	[tilespmem:v48+s19+$0x0] =	vst.idx.msk $0xffff, v46;
	v46 =	vld [tilespmem:$0x1FCF0]  }
0x407: {  	v48 =	vor.u32 v9, v24;
	[tilespmem:v49+s19+$0x0] =	vst.idx.msk $0xffff, v45;
	v45 =	vld [tilespmem:$0x1FD00]  }
0x408: {  	v26 =	vor.u32 v26, v34;
	v49 =	vld [tilespmem:$0x1FF10]  }
0x409: {  	v29 =	vor.u32 v29, v34;
	v52 =	vor.u32 v9, v27;
	[tilespmem:v50+s19+$0x0] =	vst.idx.msk $0xffff, v44;
	v44 =	vld [tilespmem:$0x1FC10]  }
0x40a: {  	v34 =	vor.u32 v53, v34;
	v53 =	vor.u32 v9, v26;
	v50 =	vld [tilespmem:$0x1FEE0];
	[tilespmem:v55+s19+$0x0] =	vst.idx.msk $0xffff, v43  }
0x40b: {  	v54 =	vor.u32 v9, v29;
	[tilespmem:v57+s19+$0x0] =	vst.idx.msk $0xffff, v42;
	v57 =	vld [tilespmem:$0x1FD20]  }
0x40c: {  	v55 =	vor.u32 v9, v34;
	[tilespmem:v48+s19+$0x0] =	vst.idx.msk $0xffff, v41;
	v48 =	vld [tilespmem:$0x1FF20]  }
0x40d: {  	v41 =	vor.u32 s26, v56;
	v56 =	vld [tilespmem:$0x1FCD0]  }
0x40e: {  	[tilespmem:v52+s19+$0x0] =	vst.idx.msk $0xffff, v40;
	v52 =	vld [tilespmem:$0x1FC80]  }
0x40f: {  	v42 =	vor.u32 s26, v47;
	[tilespmem:v53+s19+$0x0] =	vst.idx.msk $0xffff, v39;
	v53 =	vld [tilespmem:$0x1FCB0]  }
0x410: {  	v39 =	vor.u32 s26, v44;
	[tilespmem:v54+s19+$0x0] =	vst.idx.msk $0xffff, v38;
	v54 =	vld [tilespmem:$0x1FD10]  }
0x411: {  	v44 =	vor.u32 s26, v49;
	[tilespmem:v55+s19+$0x0] =	vst.idx.msk $0xffff, v37;
	v55 =	vld [tilespmem:$0x1FCC0]  }
0x412: {  	v38 =	vor.u32 s26, v45;
	v40 =	vor.u32 s26, v57;
	v57 =	vld [tilespmem:$0x1FCA0]  }
0x413: {  	v45 =	vor.u32 s26, v50;
	v41 =	vld.idx.msk [tilespmem:v41+s14+$0x0], $0xffff  }
0x414: {  	v42 =	vld.idx.msk [tilespmem:v42+s14+$0x0], $0xffff  }
0x415: {  	v37 =	vor.u32 s26, v46;
	v39 =	vld.idx.msk [tilespmem:v39+s14+$0x0], $0xffff  }
0x416: {  	v46 =	vor.u32 s26, v51;
	v44 =	vld.idx.msk [tilespmem:v44+s14+$0x0], $0xffff  }
0x417: {  	v43 =	vor.u32 s26, v48;
	v38 =	vld.idx.msk [tilespmem:v38+s14+$0x0], $0xffff  }
0x418: {  	v47 =	vor.u32 s26, v52;
	v45 =	vld.idx.msk [tilespmem:v45+s14+$0x0], $0xffff  }
0x419: {  	v51 =	vor.u32 s26, v56;
	v40 =	vld.idx.msk [tilespmem:v40+s14+$0x0], $0xffff  }
0x41a: {  	v48 =	vor.u32 s26, v53;
	v37 =	vld.idx.msk [tilespmem:v37+s14+$0x0], $0xffff  }
0x41b: {  	v49 =	vor.u32 s26, v54;
	v46 =	vld.idx.msk [tilespmem:v46+s14+$0x0], $0xffff  }
0x41c: {  	v50 =	vor.u32 s26, v55;
	v43 =	vld.idx.msk [tilespmem:v43+s14+$0x0], $0xffff  }
0x41d: {  	v53 =	vor.u32 v15, v28;
	v52 =	vor.u32 s26, v57;
	v47 =	vld.idx.msk [tilespmem:v47+s14+$0x0], $0xffff  }
0x41e: {  	v54 =	vor.u32 v15, v30;
	v51 =	vld.idx.msk [tilespmem:v51+s14+$0x0], $0xffff  }
0x41f: {  	v55 =	vor.u32 v15, v33;
	v48 =	vld.idx.msk [tilespmem:v48+s14+$0x0], $0xffff  }
0x420: {  	v56 =	vor.u32 v15, v31;
	v49 =	vld.idx.msk [tilespmem:v49+s14+$0x0], $0xffff  }
0x421: {  	v57 =	vor.u32 v15, v32;
	v50 =	vld.idx.msk [tilespmem:v50+s14+$0x0], $0xffff  }
0x422: {  	v52 =	vld.idx.msk [tilespmem:v52+s14+$0x0], $0xffff;
	[tilespmem:v53+s19+$0x0] =	vst.idx.msk $0xffff, v47;
	v47 =	vor.u32 v15, v21  }
0x423: {  	v53 =	vor.u32 v15, v20;
	[tilespmem:v54+s19+$0x0] =	vst.idx.msk $0xffff, v46  }
0x424: {  	v54 =	vor.u32 v15, v35;
	[tilespmem:v55+s19+$0x0] =	vst.idx.msk $0xffff, v45  }
0x425: {  	v55 =	vor.u32 v15, v22;
	[tilespmem:v56+s19+$0x0] =	vst.idx.msk $0xffff, v44  }
0x426: {  	v56 =	vor.u32 v15, v23;
	[tilespmem:v57+s19+$0x0] =	vst.idx.msk $0xffff, v43  }
0x427: {  	v57 =	vor.u32 v15, v25;
	[tilespmem:v47+s19+$0x0] =	vst.idx.msk $0xffff, v52  }
0x428: {  	v46 =	vld [tilespmem:$0x1FE40];
	v52 =	vor.u32 v15, v24;
	[tilespmem:v53+s19+$0x0] =	vst.idx.msk $0xffff, v48  }
0x429: {  	v47 =	vld [tilespmem:$0x1FE30];
	v53 =	vor.u32 v15, v27;
	[tilespmem:v54+s19+$0x0] =	vst.idx.msk $0xffff, v49  }
0x42a: {  	v48 =	vld [tilespmem:$0x1FD90];
	v54 =	vor.u32 v15, v26;
	[tilespmem:v55+s19+$0x0] =	vst.idx.msk $0xffff, v50  }
0x42b: {  	v50 =	vld [tilespmem:$0x1FE00];
	[tilespmem:v56+s19+$0x0] =	vst.idx.msk $0xffff, v51  }
0x42c: {  	v49 =	vld [tilespmem:$0x1FE50];
	v55 =	vor.u32 v15, v29;
	[tilespmem:v57+s19+$0x0] =	vst.idx.msk $0xffff, v42  }
0x42d: {  	v56 =	vor.u32 v15, v34;
	v51 =	vld [tilespmem:$0x1FD60];
	[tilespmem:v52+s19+$0x0] =	vst.idx.msk $0xffff, v37  }
0x42e: {  	v57 =	vld [tilespmem:$0x1FD80];
	[tilespmem:v53+s19+$0x0] =	vst.idx.msk $0xffff, v38;
	v38 =	vor.u32 s26, v46  }
0x42f: {  	v52 =	vld [tilespmem:$0x1FD70];
	[tilespmem:v54+s19+$0x0] =	vst.idx.msk $0xffff, v39;
	v39 =	vor.u32 s26, v47  }
0x430: {  	v53 =	vld [tilespmem:$0x1FD50];
	v42 =	vor.u32 s26, v50  }
0x431: {  	v54 =	vld [tilespmem:$0x1FD40];
	v50 =	vor.u32 s26, v13;
	[tilespmem:v55+s19+$0x0] =	vst.idx.msk $0xffff, v40  }
0x432: {  	v40 =	vor.u32 s26, v48;
	v55 =	vld [tilespmem:$0x1FC90];
	[tilespmem:v56+s19+$0x0] =	vst.idx.msk $0xffff, v41  }
0x433: {  	v41 =	vor.u32 s26, v49;
	v38 =	vld.idx.msk [tilespmem:v38+s14+$0x0], $0xffff  }
0x434: {  	v43 =	vor.u32 s26, v51;
	v39 =	vld.idx.msk [tilespmem:v39+s14+$0x0], $0xffff  }
0x435: {  	v48 =	vor.u32 s26, v4;
	v42 =	vld.idx.msk [tilespmem:v42+s14+$0x0], $0xffff  }
0x436: {  	v37 =	vor.u32 s26, v57;
	v50 =	vld.idx.msk [tilespmem:v50+s14+$0x0], $0xffff  }
0x437: {  	v56 =	vor.u32 s26, v7;
	v40 =	vld.idx.msk [tilespmem:v40+s14+$0x0], $0xffff  }
0x438: {  	v47 =	vld.idx.msk [tilespmem:v41+s14+$0x0], $0xffff;
	v41 =	vor.u32 s26, v55  }
0x439: {  	v46 =	vor.u32 s26, v54;
	v43 =	vld.idx.msk [tilespmem:v43+s14+$0x0], $0xffff  }
0x43a: {  	v45 =	vor.u32 s26, v53;
	v48 =	vld.idx.msk [tilespmem:v48+s14+$0x0], $0xffff  }
0x43b: {  	v57 =	vor.u32 s26, v14;
	v37 =	vld.idx.msk [tilespmem:v37+s14+$0x0], $0xffff  }
0x43c: {  	v44 =	vor.u32 s26, v52;
	v49 =	vld.idx.msk [tilespmem:v56+s14+$0x0], $0xffff  }
0x43d: {  	v52 =	vor.u32 s26, v60;
	v53 =	vor.u32 v17, v28;
	v41 =	vld.idx.msk [tilespmem:v41+s14+$0x0], $0xffff  }
0x43e: {  	v54 =	vor.u32 v17, v30;
	v46 =	vld.idx.msk [tilespmem:v46+s14+$0x0], $0xffff  }
0x43f: {  	v55 =	vor.u32 v17, v33;
	v45 =	vld.idx.msk [tilespmem:v45+s14+$0x0], $0xffff  }
0x440: {  	v51 =	vld.idx.msk [tilespmem:v57+s14+$0x0], $0xffff;
	v56 =	vor.u32 v17, v31  }
0x441: {  	v57 =	vor.u32 v17, v32;
	v44 =	vld.idx.msk [tilespmem:v44+s14+$0x0], $0xffff  }
0x442: {  	v52 =	vld.idx.msk [tilespmem:v52+s14+$0x0], $0xffff;
	[tilespmem:v53+s19+$0x0] =	vst.idx.msk $0xffff, v41;
	v41 =	vor.u32 v17, v21  }
0x443: {  	[tilespmem:v54+s19+$0x0] =	vst.idx.msk $0xffff, v46;
	v46 =	vor.u32 v17, v20  }
0x444: {  	[tilespmem:v55+s19+$0x0] =	vst.idx.msk $0xffff, v45;
	v45 =	vor.u32 v17, v35  }
0x445: {  	v53 =	vor.u32 v17, v22;
	[tilespmem:v56+s19+$0x0] =	vst.idx.msk $0xffff, v43  }
0x446: {  	v54 =	vor.u32 v17, v23;
	[tilespmem:v57+s19+$0x0] =	vst.idx.msk $0xffff, v44  }
0x447: {  	v55 =	vor.u32 v17, v25;
	[tilespmem:v41+s19+$0x0] =	vst.idx.msk $0xffff, v37  }
0x448: {  	v56 =	vor.u32 v17, v24;
	[tilespmem:v46+s19+$0x0] =	vst.idx.msk $0xffff, v40  }
0x449: {  	[tilespmem:v45+s19+$0x0] =	vst.idx.msk $0xffff, v51;
	v51 =	vor.u32 v17, v27  }
0x44a: {  	[tilespmem:v53+s19+$0x0] =	vst.idx.msk $0xffff, v50;
	v53 =	vor.u32 v17, v26  }
0x44b: {  	[tilespmem:v54+s19+$0x0] =	vst.idx.msk $0xffff, v49;
	v54 =	vor.u32 v17, v29  }
0x44c: {  	[tilespmem:v55+s19+$0x0] =	vst.idx.msk $0xffff, v48;
	v55 =	vor.u32 v17, v34  }
0x44d: {  	p1 =	sne.s32 s28, $0x70;
	[tilespmem:v56+s19+$0x0] =	vst.idx.msk $0xffff, v52;
	v56 =	vor.u32 s26, v6  }
.Ltmp6:
0x44e: {  	[tilespmem:v51+s19+$0x0] =	vst.idx.msk $0xffff, v42;
	(pc) =	sbr.rel @p1 .LBB2_9-.Ltmp6, $4  }
0x44f: {  	[tilespmem:v53+s19+$0x0] =	vst.idx.msk $0xffff, v39  }
0x450: {  	[tilespmem:v54+s19+$0x0] =	vst.idx.msk $0xffff, v38  }
0x451: {  	v41 =	vor.u32 s26, v62;
	v40 =	vor.u32 s26, v16;
	[tilespmem:v55+s19+$0x0] =	vst.idx.msk $0xffff, v47  }
0x452: {  	s28 =	sadd.s32 $0x10, s28;
	v57 =	vmovc v58;
	v42 =	vor.u32 s26, v2;
	v39 =	vor.u32 s26, v1;
	v38 =	vor.u32 s26, v3;
	v37 =	vld.idx.msk [tilespmem:v56+s14+$0x0], $0xffff  }
0x453: {  	_ =	sdelay $0x2  }
0x454: {  	v7 =	vld [tilespmem:$0x1FCC0]  }
0x455: {  	v17 =	vld.idx.msk [tilespmem:v42+s14+$0x0], $0xffff  }
0x456: {  	v41 =	vld.idx.msk [tilespmem:v41+s14+$0x0], $0xffff  }
0x457: {  	v40 =	vld.idx.msk [tilespmem:v40+s14+$0x0], $0xffff  }
0x458: {  	v39 =	vld.idx.msk [tilespmem:v39+s14+$0x0], $0xffff  }
0x459: {  	v38 =	vld.idx.msk [tilespmem:v38+s14+$0x0], $0xffff  }
0x45a: {  	v36 =	vld.idx.msk [tilespmem:v36+s14+$0x0], $0xffff  }
0x45b: {  	v53 =	vld [tilespmem:$0x1FF90]  }
0x45c: {  	v54 =	vld [tilespmem:$0x1FFC0]  }
0x45d: {  	v55 =	vld [tilespmem:$0x1FFD0]  }
0x45e: {  	v56 =	vld [tilespmem:$0x1FFF0]  }
0x45f: {  	v46 =	vor.u32 s26, v59;
	v59 =	vld [tilespmem:$0x1FF80]  }
0x460: {  	v60 =	vld [tilespmem:$0x1FFA0]  }
0x461: {  	v49 =	vor.u32 s26, v61;
	v61 =	vld [tilespmem:$0x1FFB0]  }
0x462: {  	v44 =	vor.u32 s26, v12;
	v12 =	vld [tilespmem:$0x1FE10]  }
0x463: {  	v62 =	vor.u32 s26, v0;
	v47 =	vor.u32 s26, v5;
	v5 =	vld [tilespmem:$0x1FE20]  }
0x464: {  	v43 =	vor.u32 s26, v11;
	v4 =	vld [tilespmem:$0x1FF30]  }
0x465: {  	v13 =	vld [tilespmem:$0x1FBD0]  }
0x466: {  	v19 =	vor.u32 s26, v19;
	v14 =	vld [tilespmem:$0x1FBE0]  }
0x467: {  	v45 =	vor.u32 s26, v10;
	v16 =	vld [tilespmem:$0x1FBF0]  }
0x468: {  	v42 =	vld.idx.msk [tilespmem:v62+s14+$0x0], $0xffff  }
0x469: {  	v43 =	vld.idx.msk [tilespmem:v43+s14+$0x0], $0xffff  }
0x46a: {  	v48 =	vor.u32 s26, v63;
	v44 =	vld.idx.msk [tilespmem:v44+s14+$0x0], $0xffff  }
0x46b: {  	v28 =	vor.u32 v18, v28;
	v19 =	vld.idx.msk [tilespmem:v19+s14+$0x0], $0xffff  }
0x46c: {  	v30 =	vor.u32 v18, v30;
	v45 =	vld.idx.msk [tilespmem:v45+s14+$0x0], $0xffff  }
0x46d: {  	v33 =	vor.u32 v18, v33;
	v46 =	vld.idx.msk [tilespmem:v46+s14+$0x0], $0xffff  }
0x46e: {  	v31 =	vor.u32 v18, v31;
	v47 =	vld.idx.msk [tilespmem:v47+s14+$0x0], $0xffff  }
0x46f: {  	v32 =	vor.u32 v18, v32;
	v48 =	vld.idx.msk [tilespmem:v48+s14+$0x0], $0xffff  }
0x470: {  	v21 =	vor.u32 v18, v21;
	v49 =	vld.idx.msk [tilespmem:v49+s14+$0x0], $0xffff;
	[tilespmem:v28+s19+$0x0] =	vst.idx.msk $0xffff, v19  }
0x471: {  	v3 =	vld [tilespmem:$0x1FC00];
	v19 =	vor.u32 v18, v20;
	[tilespmem:v30+s19+$0x0] =	vst.idx.msk $0xffff, v43  }
0x472: {  	v52 =	vld [tilespmem:$0x1FCD0];
	v20 =	vor.u32 v18, v35;
	[tilespmem:v33+s19+$0x0] =	vst.idx.msk $0xffff, v44  }
0x473: {  	v22 =	vor.u32 v18, v22;
	v58 =	vld [tilespmem:$0x1FCE0];
	[tilespmem:v31+s19+$0x0] =	vst.idx.msk $0xffff, v41  }
0x474: {  	v23 =	vor.u32 v18, v23;
	v10 =	vld [tilespmem:$0x1FF50];
	[tilespmem:v32+s19+$0x0] =	vst.idx.msk $0xffff, v39  }
0x475: {  	v25 =	vor.u32 v18, v25;
	v62 =	vld [tilespmem:$0x1FFE0];
	[tilespmem:v21+s19+$0x0] =	vst.idx.msk $0xffff, v17  }
0x476: {  	v35 =	vld [tilespmem:$0x1FF40];
	v17 =	vor.u32 v18, v24;
	[tilespmem:v19+s19+$0x0] =	vst.idx.msk $0xffff, v38  }
0x477: {  	v43 =	vld [tilespmem:$0x1FCF0];
	v19 =	vor.u32 v18, v27;
	[tilespmem:v20+s19+$0x0] =	vst.idx.msk $0xffff, v49  }
0x478: {  	v27 =	vld [tilespmem:$0x1FF60];
	v20 =	vor.u32 v18, v26;
	[tilespmem:v22+s19+$0x0] =	vst.idx.msk $0xffff, v48  }
0x479: {  	v51 =	vmov v63;
	v63 =	vor.u32 v18, v29;
	v49 =	vld [tilespmem:$0x1FCB0];
	[tilespmem:v23+s19+$0x0] =	vst.idx.msk $0xffff, v40  }
0x47a: {  	s24 =	sadd.s32 $0x1, s24;
	v18 =	vor.u32 v18, v34;
	v48 =	vld [tilespmem:$0x1FCA0];
	[tilespmem:v25+s19+$0x0] =	vst.idx.msk $0xffff, v37  }
0x47b: {  	p1 =	sne.s32 s24, $0x7B;
	[tilespmem:v17+s19+$0x0] =	vst.idx.msk $0xffff, v45;
	v45 =	vld [tilespmem:$0x1FEE0]  }
.Ltmp7:
0x47c: {  	[tilespmem:v19+s19+$0x0] =	vst.idx.msk $0xffff, v46;
	v46 =	vld [tilespmem:$0x1FF10];
	(pc) =	sbr.rel @p1 .LBB2_2-.Ltmp7, $4  }
0x47d: {  	v19 =	vld [tilespmem:$0x1FD10];
	[tilespmem:v20+s19+$0x0] =	vst.idx.msk $0xffff, v47  }
0x47e: {  	s25 =	sshll.u32 s25, $0x4;
	v47 =	vld [tilespmem:$0x1FF20];
	[tilespmem:v63+s19+$0x0] =	vst.idx.msk $0xffff, v42  }
0x47f: {  	s25 =	sadd.s32 s3, s25;
	v63 =	vld [tilespmem:$0x1FF70];
	[tilespmem:v18+s19+$0x0] =	vst.idx.msk $0xffff, v36  }
0x480: {  	v11 =	vmov v0;
	v18 =	vld [tilespmem:$0x1FDE0];
	[hbm4b:s25+s5] =	stream.linear.scatter [tilespmem:s19], [sflag:$0x4], $0x4000, $0x38  }
0x481: {  	_ =	swait.ge [sflag:s20], $0x4000  }
.Ltmp8:
0x482: {  	[sflag:s20] =	ssyncset.done $0x0;
	(pc) =	sbr.rel @p0 .LBB2_15-.Ltmp8, $4  }
0x483: {  	[sflag:s20] =	ssyncadd.s32 $0xFFFFC000  }
0x484: {  	_ =	swait.ge [sflag:s18], $0x4000  }
0x485: {  	[sflag:s18] =	ssyncset.done $0x0  }
0x486: {  	[sflag:s18] =	ssyncadd.s32 $0xFFFFC000  }
0x487: {  	s24 =	simm.s32 $0x0  }
0x488: {  	[tilespmem:s21], [sflag:$0x5] =	stream.linear.gather [hbm4b:s1+s24], $0x2000, $0x38;
	[tilespmem:$0xE000] =	vst v63  }
0x489: {  	_ =	swait.ge [sflag:s22], $0x2000  }
0x48a: {  	[sflag:s22] =	ssyncset.done $0x0  }
0x48b: {  	s24 =	simm.s32 $0x0;
	[sflag:s22] =	ssyncadd.s32 $0xFFFFE000  }
0x48c: {  	v17 =	vld [tilespmem:s24+$0xC030]  }
0x48d: {  	v13 =	vmov v18;
	v18 =	vld [tilespmem:s24+$0xC000]  }
0x48e: {  	v6 =	vmov v19;
	v19 =	vld [tilespmem:s24+$0xC010]  }
0x48f: {  	s25 =	simm.s32 $0x200;
	v20 =	vld [tilespmem:s24+$0xC020]  }
.LBB2_13:
0x490: {  	p1 =	sne.s32 s25, $0x7E00  }
.Ltmp9:
0x491: {  	s26 =	sshra.s32 s25, $0x2;
	s25 =	sadd.s32 $0x200, s25;
	[tilespmem:s24+$0x4030] =	vst v17;
	(pc) =	sbr.rel @p1 .LBB2_13-.Ltmp9, $4  }
0x492: {  	v17 =	vld [tilespmem:s26+$0xC030];
	[tilespmem:s24+$0x4000] =	vst v18  }
0x493: {  	v18 =	vld [tilespmem:s26+$0xC000];
	[tilespmem:s24+$0x4010] =	vst v19  }
0x494: {  	v19 =	vld [tilespmem:s26+$0xC010];
	[tilespmem:s24+$0x4020] =	vst v20;
	s24 =	smov.u32 s26  }
0x495: {  	v20 =	vld [tilespmem:s24+$0xC020]  }
0x496: {  	_ = 	snop  }
0x497: {  	[tilespmem:s24+$0x4030] =	vst v17  }
0x498: {  	[tilespmem:s24+$0x4000] =	vst v18  }
0x499: {  	[tilespmem:s24+$0x4010] =	vst v19  }
.Ltmp10:
0x49a: {  	[tilespmem:s24+$0x4020] =	vst v20;
	(pc) =	sbr.rel .LBB2_15-.Ltmp10, $4  }
0x49b: {  	[hbm4b:s10+s5] =	stream.linear.scatter [tilespmem:s16], [sflag:$0x5], $0x2000, $0x38;
	[tilespmem:$0xE000] =	vst v63  }
0x49c: {  	_ =	swait.ge [sflag:s22], $0x2000  }
0x49d: {  	[sflag:s22] =	ssyncset.done $0x0  }
0x49e: {  	v18 =	vmov v13;
	v19 =	vmov v6;
	[sflag:s22] =	ssyncadd.s32 $0xFFFFE000  }
.LBB2_16:
0x49f: {  	_ =	sfence.sel $0x180000  }
0x4a0: {  	[bflag:$0x0] =	sbarrier.arrive $0xFFFF  }
0x4a1: {  	p0 =	sne.s32 s4, $0x0;
	_ =	strace $0x90000047  }
0x4a2: {  	s0 =	sadd.s32 @!p0 $0x100000, s2;
	[bflag:$0x2] =	sbarrier.arrive $0xFFFF  }
0x4a3: {  	[sflag:s0] =	ssyncadd.tile.s32 @!p0 $0x1;
	_ =	shalt  }
.Lfunc_end2:
_tile_overlayer_lowered:
.L_overlay_start_2:
0x4a4: {  	(tag) =	ssettag $0x2  }
0x4a5: {  	s0 =	rddreg [dreg:$0x0];
	s2 =	stileid.u32  }
0x4a6: {  	s1 =	rddreg [dreg:$0x1];
	p0 =	sne.s32 s2, $0x0  }
0x4a7: {  	s3 =	rddreg [dreg:$0x2];
	[bflag:$0x3] =	sbarrier.arrive $0xFFFF;
	s2 =	simm.s32 @!p0 $0x1C05  }
0x4a8: {  	[timem:s3], [sflag:s2] =	dma.local @!p0 [hbm:s0], s1  }
0x4a9: {  	s0 =	simm.s32 @!p0 $0x5  }
0x4aa: {  	_ =	swait.ge @!p0 [sflag:s0], s1  }
0x4ab: {  	s1 =	ssub.s32 @!p0 $0x0, s1;
	[sflag:s0] =	ssyncset.done @!p0 $0x0  }
0x4ac: {  	[sflag:s0] =	ssyncadd.s32 @!p0 s1  }
0x4ad: {  	[bflag:$0x3] =	sbarrier.arrive $0xFFFF  }
0x4ae: {  	_ =	shalt  }

</sc_bundles>
